<compile_context>
chip_gen: v7x
topology: tpu7x:2x2x1
jax: 0.10.2.dev20260603
libtpu: 0.0.44.dev20260713+nightly
codegen_flags: <defaults>
</compile_context>

<pallas_src>
import functools

import jax
import jax.numpy as jnp
from jax import lax
from jax.experimental import pallas as pl
from jax.experimental.pallas import tpu as pltpu
from jax.experimental.pallas import tpu_sc as plsc

NC = 2
NS = 16


def _mesh():
    return plsc.VectorSubcoreMesh(core_axis_name="c", subcore_axis_name="s")


def _sc_degree(dst2d, rows, rpw, nblk, bs, ch):
    nch = nblk * bs

    @functools.partial(
        pl.kernel,
        out_type=jax.ShapeDtypeStruct((NC * rows,), jnp.float32),
        mesh=_mesh(),
        scratch_types=[
            pltpu.VMEM((bs, ch), jnp.int32),
            pltpu.VMEM((bs, ch), jnp.int32),
            pltpu.VMEM((ch,), jnp.float32),
            pltpu.VMEM_SHARED((rows,), jnp.float32),
            pltpu.SemaphoreType.DMA,
            pltpu.SemaphoreType.DMA,
            pltpu.SemaphoreType.DMA,
            pltpu.SemaphoreType.DMA,
        ],
        name="sc_gcn_degree",
    )
    def deg_k(dst_hbm, out_hbm, dba, dbb, vals, acc, semia, semib, sems0, sems1):
        cid = lax.axis_index("c")
        sid = lax.axis_index("s")
        rowbase = (cid * NS + sid) * nch
        for k in range(ch // 16):
            vals[pl.ds(k * 16, 16)] = jnp.zeros((16,), jnp.float32)
        for r in range(rpw // ch):
            pltpu.async_copy(vals, acc.at[pl.ds(sid * rpw + r * ch, ch)], sems0)
        for r in range(rpw // ch):
            pltpu.make_async_copy(vals, acc.at[pl.ds(sid * rpw, ch)], sems0).wait()
        plsc.subcore_barrier()
        for k in range(ch // 16):
            vals[pl.ds(k * 16, 16)] = jnp.ones((16,), jnp.float32)

        pltpu.async_copy(dst_hbm.at[pl.ds(rowbase, bs)], dba, semia)
        pltpu.async_copy(dst_hbm.at[pl.ds(rowbase + bs, bs)], dbb, semib)

        def run_block(db, semi, bnext):
            pltpu.make_async_copy(dst_hbm.at[pl.ds(rowbase, bs)], db, semi).wait()

            def inner(i, carry):
                c0 = 2 * i

                @pl.when(i > 0)
                def _():
                    pltpu.make_async_copy(vals, acc.at[db.at[0]], sems0).wait()
                    pltpu.make_async_copy(vals, acc.at[db.at[0]], sems1).wait()

                pltpu.async_copy(vals, acc.at[db.at[c0]], sems0, add=True)
                pltpu.async_copy(vals, acc.at[db.at[c0 + 1]], sems1, add=True)
                return carry

            lax.fori_loop(0, bs // 2, inner, 0)
            pltpu.make_async_copy(vals, acc.at[db.at[0]], sems0).wait()
            pltpu.make_async_copy(vals, acc.at[db.at[0]], sems1).wait()
            pltpu.async_copy(dst_hbm.at[pl.ds(rowbase + bnext * bs, bs)], db, semi)

        def outer(bb, carry):
            b0 = 2 * bb
            run_block(dba, semia, jnp.minimum(b0 + 2, nblk - 1))
            run_block(dbb, semib, jnp.minimum(b0 + 3, nblk - 1))
            return carry

        lax.fori_loop(0, nblk // 2, outer, 0)
        pltpu.make_async_copy(dst_hbm.at[pl.ds(rowbase, bs)], dba, semia).wait()
        pltpu.make_async_copy(dst_hbm.at[pl.ds(rowbase, bs)], dbb, semib).wait()
        plsc.subcore_barrier()
        pltpu.sync_copy(acc.at[pl.ds(sid * rpw, rpw)],
                        out_hbm.at[pl.ds(cid * rows + sid * rpw, rpw)])

    return deg_k(dst2d)


def _sc_prop_wide(table, src_pad, dst_pad, rows, rpw, nch, epw, ch, d):

    @functools.partial(
        pl.kernel,
        out_type=jax.ShapeDtypeStruct((NC * rows, d), jnp.float32),
        mesh=_mesh(),
        scratch_types=[
            pltpu.VMEM((ch,), jnp.int32),
            pltpu.VMEM((ch,), jnp.int32),
            pltpu.VMEM((ch,), jnp.int32),
            pltpu.VMEM((ch,), jnp.int32),
            pltpu.VMEM((ch, d), jnp.float32),
            pltpu.VMEM((ch, d), jnp.float32),
            pltpu.VMEM_SHARED((rows, d), jnp.float32),
            pltpu.SemaphoreType.DMA,
            pltpu.SemaphoreType.DMA,
            pltpu.SemaphoreType.DMA,
            pltpu.SemaphoreType.DMA,
        ],
        name="sc_gcn_prop128",
    )
    def prop_k(tab_hbm, src_hbm, dst_hbm, out_hbm,
               sb0, sb1, db0, db1, g0, g1, acc,
               semi0, semi1, semg0, semg1):
        cid = lax.axis_index("c")
        sid = lax.axis_index("s")
        base = (cid * NS + sid) * epw

        def zbody(r, carry):
            for k in range(d // 16):
                g0[r, pl.ds(k * 16, 16)] = jnp.zeros((16,), jnp.float32)
            return carry

        lax.fori_loop(0, ch, zbody, 0)
        for r in range(rpw // ch):
            pltpu.sync_copy(g0, acc.at[pl.ds(sid * rpw + r * ch, ch)])
        plsc.subcore_barrier()

        pltpu.async_copy(src_hbm.at[pl.ds(base, ch)], sb0, semi0)
        pltpu.async_copy(dst_hbm.at[pl.ds(base, ch)], db0, semi0)
        pltpu.async_copy(src_hbm.at[pl.ds(base + ch, ch)], sb1, semi1)
        pltpu.async_copy(dst_hbm.at[pl.ds(base + ch, ch)], db1, semi1)
        pltpu.make_async_copy(src_hbm.at[pl.ds(base, ch)], sb0, semi0).wait()
        pltpu.make_async_copy(dst_hbm.at[pl.ds(base, ch)], db0, semi0).wait()
        pltpu.async_copy(tab_hbm.at[sb0], g0, semg0)

        def body(jj, carry):
            j = jj * 2
            o2 = base + jnp.minimum(j + 2, nch - 1) * ch
            o3 = base + jnp.minimum(j + 3, nch - 1) * ch
            pltpu.make_async_copy(src_hbm.at[pl.ds(base, ch)], sb1, semi1).wait()
            pltpu.make_async_copy(dst_hbm.at[pl.ds(base, ch)], db1, semi1).wait()
            pltpu.async_copy(tab_hbm.at[sb1], g1, semg1)
            pltpu.make_async_copy(tab_hbm.at[sb0], g0, semg0).wait()
            pltpu.sync_copy(g0, acc.at[db0], add=True)
            pltpu.async_copy(src_hbm.at[pl.ds(o2, ch)], sb0, semi0)
            pltpu.async_copy(dst_hbm.at[pl.ds(o2, ch)], db0, semi0)
            pltpu.make_async_copy(src_hbm.at[pl.ds(base, ch)], sb0, semi0).wait()
            pltpu.make_async_copy(dst_hbm.at[pl.ds(base, ch)], db0, semi0).wait()
            pltpu.async_copy(tab_hbm.at[sb0], g0, semg0)
            pltpu.make_async_copy(tab_hbm.at[sb1], g1, semg1).wait()
            pltpu.sync_copy(g1, acc.at[db1], add=True)
            pltpu.async_copy(src_hbm.at[pl.ds(o3, ch)], sb1, semi1)
            pltpu.async_copy(dst_hbm.at[pl.ds(o3, ch)], db1, semi1)
            return carry

        lax.fori_loop(0, nch // 2, body, 0)
        pltpu.make_async_copy(tab_hbm.at[sb0], g0, semg0).wait()
        pltpu.make_async_copy(src_hbm.at[pl.ds(base, ch)], sb1, semi1).wait()
        pltpu.make_async_copy(dst_hbm.at[pl.ds(base, ch)], db1, semi1).wait()
        plsc.subcore_barrier()
        pltpu.sync_copy(acc.at[pl.ds(sid * rpw, rpw)],
                        out_hbm.at[pl.ds(cid * rows + sid * rpw, rpw)])

    return prop_k(table, src_pad, dst_pad)


def _sc_prop_scalar(vec, src2d, dst2d, rows, rpw, nblk, bs, ch):
    nch = nblk * bs

    @functools.partial(
        pl.kernel,
        out_type=jax.ShapeDtypeStruct((NC * rows,), jnp.float32),
        mesh=_mesh(),
        scratch_types=[
            pltpu.VMEM((bs, ch), jnp.int32),
            pltpu.VMEM((bs, ch), jnp.int32),
            pltpu.VMEM((bs, ch), jnp.int32),
            pltpu.VMEM((bs, ch), jnp.int32),
            pltpu.VMEM((ch,), jnp.float32),
            pltpu.VMEM((ch,), jnp.float32),
            pltpu.VMEM_SHARED((rows,), jnp.float32),
            pltpu.SemaphoreType.DMA,
            pltpu.SemaphoreType.DMA,
            pltpu.SemaphoreType.DMA,
            pltpu.SemaphoreType.DMA,
            pltpu.SemaphoreType.DMA,
            pltpu.SemaphoreType.DMA,
        ],
        name="sc_gcn_prop1",
    )
    def prop1_k(vec_hbm, src_hbm, dst_hbm, out_hbm,
                sba, sbb, dba, dbb, g0, g1, acc,
                semia, semib, semg0, semg1, sems0, sems1):
        cid = lax.axis_index("c")
        sid = lax.axis_index("s")
        rowbase = (cid * NS + sid) * nch
        for k in range(ch // 16):
            g0[pl.ds(k * 16, 16)] = jnp.zeros((16,), jnp.float32)
        for r in range(rpw // ch):
            pltpu.async_copy(g0, acc.at[pl.ds(sid * rpw + r * ch, ch)], sems0)
        for r in range(rpw // ch):
            pltpu.make_async_copy(g0, acc.at[pl.ds(sid * rpw, ch)], sems0).wait()
        plsc.subcore_barrier()

        pltpu.async_copy(src_hbm.at[pl.ds(rowbase, bs)], sba, semia)
        pltpu.async_copy(dst_hbm.at[pl.ds(rowbase, bs)], dba, semia)
        pltpu.async_copy(src_hbm.at[pl.ds(rowbase + bs, bs)], sbb, semib)
        pltpu.async_copy(dst_hbm.at[pl.ds(rowbase + bs, bs)], dbb, semib)

        def run_block(sb, db, semi, bnext):
            pltpu.make_async_copy(src_hbm.at[pl.ds(rowbase, bs)], sb, semi).wait()
            pltpu.make_async_copy(dst_hbm.at[pl.ds(rowbase, bs)], db, semi).wait()

            def inner(i, carry):
                c0 = 2 * i

                @pl.when(i > 0)
                def _():
                    pltpu.make_async_copy(g0, acc.at[db.at[0]], sems0).wait()
                    pltpu.make_async_copy(g1, acc.at[db.at[0]], sems1).wait()

                pltpu.async_copy(vec_hbm.at[sb.at[c0]], g0, semg0)
                pltpu.async_copy(vec_hbm.at[sb.at[c0 + 1]], g1, semg1)
                pltpu.make_async_copy(vec_hbm.at[sb.at[c0]], g0, semg0).wait()
                pltpu.async_copy(g0, acc.at[db.at[c0]], sems0, add=True)
                pltpu.make_async_copy(vec_hbm.at[sb.at[c0]], g1, semg1).wait()
                pltpu.async_copy(g1, acc.at[db.at[c0 + 1]], sems1, add=True)
                return carry

            lax.fori_loop(0, bs // 2, inner, 0)
            pltpu.make_async_copy(g0, acc.at[db.at[0]], sems0).wait()
            pltpu.make_async_copy(g1, acc.at[db.at[0]], sems1).wait()
            pltpu.async_copy(src_hbm.at[pl.ds(rowbase + bnext * bs, bs)], sb, semi)
            pltpu.async_copy(dst_hbm.at[pl.ds(rowbase + bnext * bs, bs)], db, semi)

        def outer(bb, carry):
            b0 = 2 * bb
            run_block(sba, dba, semia, jnp.minimum(b0 + 2, nblk - 1))
            run_block(sbb, dbb, semib, jnp.minimum(b0 + 3, nblk - 1))
            return carry

        lax.fori_loop(0, nblk // 2, outer, 0)
        pltpu.make_async_copy(src_hbm.at[pl.ds(rowbase, bs)], sba, semia).wait()
        pltpu.make_async_copy(dst_hbm.at[pl.ds(rowbase, bs)], dba, semia).wait()
        pltpu.make_async_copy(src_hbm.at[pl.ds(rowbase, bs)], sbb, semib).wait()
        pltpu.make_async_copy(dst_hbm.at[pl.ds(rowbase, bs)], dbb, semib).wait()
        plsc.subcore_barrier()
        pltpu.sync_copy(acc.at[pl.ds(sid * rpw, rpw)],
                        out_hbm.at[pl.ds(cid * rows + sid * rpw, rpw)])

    return prop1_k(vec, src2d, dst2d)


def _tc_scale_matmul(x, w1, degp, n, d_hid, rows):

    def body(x_ref, w_ref, degp_ref, h_ref, dinv_ref):
        deg = degp_ref[:n] + degp_ref[rows:rows + n] + 1.0
        dinv = lax.rsqrt(jnp.maximum(deg, 1.0))
        h = jnp.dot(x_ref[...], w_ref[...], preferred_element_type=jnp.float32)
        h_ref[...] = h * dinv
        dinv_ref[...] = dinv

    return pl.pallas_call(
        body,
        out_shape=(jax.ShapeDtypeStruct((n, d_hid), jnp.float32),
                   jax.ShapeDtypeStruct((n, 1), jnp.float32)),
    )(x, w1, degp)


def _tc_layer2_in(parts, h1s, dinv, b1, w2, n, rows):

    def body(parts_ref, h_ref, dinv_ref, b1_ref, w2_ref, vs_ref):
        tmp = parts_ref[:n] + parts_ref[rows:rows + n] + h_ref[...]
        out1 = dinv_ref[...] * tmp + b1_ref[...]
        hrelu = jnp.maximum(out1, 0.0)
        v = jnp.dot(hrelu, w2_ref[...], preferred_element_type=jnp.float32)
        vs_ref[...] = dinv_ref[...] * v

    return pl.pallas_call(
        body,
        out_shape=jax.ShapeDtypeStruct((n, 1), jnp.float32),
    )(parts, h1s, dinv, b1, w2)


def _tc_finish(tp, vs, dinv, b2, n, rows):

    def body(tp_ref, vs_ref, dinv_ref, b2_ref, o_ref):
        t = tp_ref[:n] + tp_ref[rows:rows + n] + vs_ref[...]
        z = dinv_ref[...] * t + b2_ref[...]
        o_ref[...] = 1.0 / (1.0 + jnp.exp(-z))

    return pl.pallas_call(
        body,
        out_shape=jax.ShapeDtypeStruct((n, 1), jnp.float32),
    )(tp, vs, dinv, b2)


def kernel(x, edge_index, W1, b1, W2, b2):
    n, d_in = x.shape
    d_hid = W1.shape[1]
    e = edge_index.shape[1]

    nw = NC * NS
    chs, bss = 128, 8
    rpw = -(-(n + 1) // (NS * chs)) * chs
    rows = rpw * NS
    chw = 80
    nchw = -(-e // (nw * chw))
    nchw += nchw % 2
    epw = nchw * chw
    e_padw = epw * nw
    nblks = -(-e // (nw * chs * bss))
    nblks += nblks % 2
    e_pads = nw * nblks * bss * chs

    src = edge_index[0]
    dst = edge_index[1]

    def pad_edges(e_pad):
        p = e_pad - e
        psrc = (jnp.arange(p, dtype=jnp.int32)) % n
        pdst = n + (jnp.arange(p, dtype=jnp.int32)) % (rows - n)
        return (jnp.concatenate([src, psrc]), jnp.concatenate([dst, pdst]))

    src_pad, dst_pad = pad_edges(e_padw)
    srcs_f, dsts_f = pad_edges(e_pads)
    srcs = srcs_f.reshape(nw * nblks * bss, chs)
    dsts = dsts_f.reshape(nw * nblks * bss, chs)

    deg_parts = _sc_degree(dsts, rows, rpw, nblks, bss, chs)

    h1s, dinv = _tc_scale_matmul(x, W1, deg_parts.reshape(NC * rows, 1),
                                 n, d_hid, rows)

    parts = _sc_prop_wide(h1s, src_pad, dst_pad, rows, rpw, nchw, epw, chw, d_hid)

    vs = _tc_layer2_in(parts, h1s, dinv, b1.reshape(1, d_hid), W2, n, rows)

    t_parts = _sc_prop_scalar(vs.reshape(n), srcs, dsts, rows, rpw, nblks, bss, chs)

    out = _tc_finish(t_parts.reshape(NC * rows, 1), vs, dinv,
                     b2.reshape(1, 1), n, rows)
    return out.reshape(n)

# --- scband reference (transcript-rebuilt; emitter-appended) ---
"""Pipeline reference for scband-vanilla-gnn-57097295233650 (READ-ONLY COPY).

The authoritative reference and input builder live on the scoring server;
editing this copy changes nothing except your own understanding.
"""

import jax, jax.numpy as jnp
import numpy as np

N = 10000
E = 320000
D_IN = 128
D_HID = 128
D_OUT = 1


def setup_inputs(seed: int = 0) -> dict:
    key = jax.random.key(seed)
    k1, k2, k3, k4, k5, k6 = jax.random.split(key, 6)
    x = jax.random.normal(k1, (N, D_IN), dtype=jnp.float32)
    edge_index = jax.random.randint(k2, (2, E), 0, N, dtype=jnp.int32)
    W1 = jax.random.normal(k3, (D_IN, D_HID), dtype=jnp.float32) * (1.0 / np.sqrt(D_IN))
    b1 = jnp.zeros((D_HID,), dtype=jnp.float32)
    W2 = jax.random.normal(k4, (D_HID, D_OUT), dtype=jnp.float32) * (1.0 / np.sqrt(D_HID))
    b2 = jnp.zeros((D_OUT,), dtype=jnp.float32)
    return {"x": x, "edge_index": edge_index, "W1": W1, "b1": b1, "W2": W2, "b2": b2}


def _gcn_layer(x, src, dst, dinv, W, b):
    # x' = D^{-1/2} (A + I) D^{-1/2} (x W) + b   (PyG GCNConv default normalization)
    h = x @ W
    norm = (dinv[src] * dinv[dst])[:, None]
    msg = h[src] * norm
    out = jnp.zeros((x.shape[0], W.shape[1]), dtype=x.dtype).at[dst].add(msg)
    return out + b


def reference(x, edge_index, W1, b1, W2, b2):
    n = x.shape[0]
    self_loop = jnp.arange(n, dtype=edge_index.dtype)
    src = jnp.concatenate([edge_index[0], self_loop])
    dst = jnp.concatenate([edge_index[1], self_loop])
    deg = jnp.zeros((n,), dtype=x.dtype).at[dst].add(1.0)
    dinv = jax.lax.rsqrt(jnp.maximum(deg, 1.0))
    h = _gcn_layer(x, src, dst, dinv, W1, b1)
    h = jax.nn.relu(h)
    h = _gcn_layer(h, src, dst, dinv, W2, b2)
    h = jax.nn.sigmoid(h)
    return jnp.squeeze(h)

if __name__ == "__main__":
    import jax
    _d = setup_inputs()
    print(jax.jit(kernel)(*tuple(_d.values())))

</pallas_src>

<mosaic_0001>
#map = affine_map<(d0, d1) -> (0, 0)>
#map1 = affine_map<(d0, d1) -> (0)>
module attributes {stable_mosaic.version = 14 : i64} {
  func.func @sc_gcn_degree(%arg0: i32, %arg1: i32, %arg2: memref<2560x128xi32, #tpu.memory_space<hbm>>, %arg3: memref<20480xf32, #tpu.memory_space<hbm>>, %arg4: memref<8x128xi32, #tpu.memory_space<vmem>>, %arg5: memref<8x128xi32, #tpu.memory_space<vmem>>, %arg6: memref<128xf32, #tpu.memory_space<vmem>>, %arg7: memref<10240xf32, #tpu.memory_space<vmem_shared>>, %arg8: memref<!tpu.dma_semaphore, #tpu.memory_space<semaphore_mem>>, %arg9: memref<!tpu.dma_semaphore, #tpu.memory_space<semaphore_mem>>, %arg10: memref<!tpu.dma_semaphore, #tpu.memory_space<semaphore_mem>>, %arg11: memref<!tpu.dma_semaphore, #tpu.memory_space<semaphore_mem>>) attributes {dimension_semantics = [#tpu.dimension_semantics<core_parallel>, #tpu.dimension_semantics<subcore_parallel>], iteration_bounds = array<i64: 2, 16>, scalar_prefetch = 0 : i64, scratch_operands = 8 : i64, tpu.core_type = #tpu.core_type<sc_vector_subcore>, window_params = [{transform_indices = #map}, {transform_indices = #map1}]} {
    %mul3A = arith.constant 16 : i32
    %mul3A_0 = arith.muli %arg0, %mul3A : i32
    %add3A = arith.addi %mul3A_0, %arg1 : i32
    %mul3A_1 = arith.constant 80 : i32
    %mul3A_2 = arith.muli %add3A, %mul3A_1 : i32
    %broadcast_in_dim3A = arith.constant 0.000000e+00 : f32
    %broadcast_in_dim3A_3 = vector.broadcast %broadcast_in_dim3A : f32 to vector<16xf32>
    %swap3A = arith.constant 0 : index
    %swap3A_4 = tpu.vector_load %arg6[%swap3A] {strides = array<i32>} : memref<128xf32, #tpu.memory_space<vmem>>, vector<16xf32>,
    %swap3A_5 = vector.shape_cast %swap3A_4 : vector<16xf32> to vector<16xf32>
    %swap3A_6 = vector.shape_cast %broadcast_in_dim3A_3 : vector<16xf32> to vector<16xf32>
    tpu.vector_store %arg6[%swap3A], %swap3A_6 {strides = array<i32>} : memref<128xf32, #tpu.memory_space<vmem>>, vector<16xf32>,
    %broadcast_in_dim3A_7 = arith.constant 0.000000e+00 : f32
    %broadcast_in_dim3A_8 = vector.broadcast %broadcast_in_dim3A_7 : f32 to vector<16xf32>
    %swap3A_9 = arith.constant 16 : index
    %swap3A_10 = tpu.vector_load %arg6[%swap3A_9] {strides = array<i32>} : memref<128xf32, #tpu.memory_space<vmem>>, vector<16xf32>,
    %swap3A_11 = vector.shape_cast %swap3A_10 : vector<16xf32> to vector<16xf32>
    %swap3A_12 = vector.shape_cast %broadcast_in_dim3A_8 : vector<16xf32> to vector<16xf32>
    tpu.vector_store %arg6[%swap3A_9], %swap3A_12 {strides = array<i32>} : memref<128xf32, #tpu.memory_space<vmem>>, vector<16xf32>,
    %broadcast_in_dim3A_13 = arith.constant 0.000000e+00 : f32
    %broadcast_in_dim3A_14 = vector.broadcast %broadcast_in_dim3A_13 : f32 to vector<16xf32>
    %swap3A_15 = arith.constant 32 : index
    %swap3A_16 = tpu.vector_load %arg6[%swap3A_15] {strides = array<i32>} : memref<128xf32, #tpu.memory_space<vmem>>, vector<16xf32>,
    %swap3A_17 = vector.shape_cast %swap3A_16 : vector<16xf32> to vector<16xf32>
    %swap3A_18 = vector.shape_cast %broadcast_in_dim3A_14 : vector<16xf32> to vector<16xf32>
    tpu.vector_store %arg6[%swap3A_15], %swap3A_18 {strides = array<i32>} : memref<128xf32, #tpu.memory_space<vmem>>, vector<16xf32>,
    %broadcast_in_dim3A_19 = arith.constant 0.000000e+00 : f32
    %broadcast_in_dim3A_20 = vector.broadcast %broadcast_in_dim3A_19 : f32 to vector<16xf32>
    %swap3A_21 = arith.constant 48 : index
    %swap3A_22 = tpu.vector_load %arg6[%swap3A_21] {strides = array<i32>} : memref<128xf32, #tpu.memory_space<vmem>>, vector<16xf32>,
    %swap3A_23 = vector.shape_cast %swap3A_22 : vector<16xf32> to vector<16xf32>
    %swap3A_24 = vector.shape_cast %broadcast_in_dim3A_20 : vector<16xf32> to vector<16xf32>
    tpu.vector_store %arg6[%swap3A_21], %swap3A_24 {strides = array<i32>} : memref<128xf32, #tpu.memory_space<vmem>>, vector<16xf32>,
    %broadcast_in_dim3A_25 = arith.constant 0.000000e+00 : f32
    %broadcast_in_dim3A_26 = vector.broadcast %broadcast_in_dim3A_25 : f32 to vector<16xf32>
    %swap3A_27 = arith.constant 64 : index
    %swap3A_28 = tpu.vector_load %arg6[%swap3A_27] {strides = array<i32>} : memref<128xf32, #tpu.memory_space<vmem>>, vector<16xf32>,
    %swap3A_29 = vector.shape_cast %swap3A_28 : vector<16xf32> to vector<16xf32>
    %swap3A_30 = vector.shape_cast %broadcast_in_dim3A_26 : vector<16xf32> to vector<16xf32>
    tpu.vector_store %arg6[%swap3A_27], %swap3A_30 {strides = array<i32>} : memref<128xf32, #tpu.memory_space<vmem>>, vector<16xf32>,
    %broadcast_in_dim3A_31 = arith.constant 0.000000e+00 : f32
    %broadcast_in_dim3A_32 = vector.broadcast %broadcast_in_dim3A_31 : f32 to vector<16xf32>
    %swap3A_33 = arith.constant 80 : index
    %swap3A_34 = tpu.vector_load %arg6[%swap3A_33] {strides = array<i32>} : memref<128xf32, #tpu.memory_space<vmem>>, vector<16xf32>,
    %swap3A_35 = vector.shape_cast %swap3A_34 : vector<16xf32> to vector<16xf32>
    %swap3A_36 = vector.shape_cast %broadcast_in_dim3A_32 : vector<16xf32> to vector<16xf32>
    tpu.vector_store %arg6[%swap3A_33], %swap3A_36 {strides = array<i32>} : memref<128xf32, #tpu.memory_space<vmem>>, vector<16xf32>,
    %broadcast_in_dim3A_37 = arith.constant 0.000000e+00 : f32
    %broadcast_in_dim3A_38 = vector.broadcast %broadcast_in_dim3A_37 : f32 to vector<16xf32>
    %swap3A_39 = arith.constant 96 : index
    %swap3A_40 = tpu.vector_load %arg6[%swap3A_39] {strides = array<i32>} : memref<128xf32, #tpu.memory_space<vmem>>, vector<16xf32>,
    %swap3A_41 = vector.shape_cast %swap3A_40 : vector<16xf32> to vector<16xf32>
    %swap3A_42 = vector.shape_cast %broadcast_in_dim3A_38 : vector<16xf32> to vector<16xf32>
    tpu.vector_store %arg6[%swap3A_39], %swap3A_42 {strides = array<i32>} : memref<128xf32, #tpu.memory_space<vmem>>, vector<16xf32>,
    %broadcast_in_dim3A_43 = arith.constant 0.000000e+00 : f32
    %broadcast_in_dim3A_44 = vector.broadcast %broadcast_in_dim3A_43 : f32 to vector<16xf32>
    %swap3A_45 = arith.constant 112 : index
    %swap3A_46 = tpu.vector_load %arg6[%swap3A_45] {strides = array<i32>} : memref<128xf32, #tpu.memory_space<vmem>>, vector<16xf32>,
    %swap3A_47 = vector.shape_cast %swap3A_46 : vector<16xf32> to vector<16xf32>
    %swap3A_48 = vector.shape_cast %broadcast_in_dim3A_44 : vector<16xf32> to vector<16xf32>
    tpu.vector_store %arg6[%swap3A_45], %swap3A_48 {strides = array<i32>} : memref<128xf32, #tpu.memory_space<vmem>>, vector<16xf32>,
    %mul3A_49 = arith.constant 640 : i32
    %mul3A_50 = arith.muli %arg1, %mul3A_49 : i32
    %add3A_51 = arith.constant 0 : i32
    %add3A_52 = arith.addi %mul3A_50, %add3A_51 : i32
    %dma_start3A = tpu.memref_slice %arg7[%add3A_52] : memref<10240xf32, #tpu.memory_space<vmem_shared>> -> memref<128xf32, #tpu.memory_space<vmem_shared>>
    %dma_start3A_53 = tpu.memref_slice %arg7[%add3A_52] : memref<10240xf32, #tpu.memory_space<vmem_shared>> -> memref<128xf32, #tpu.memory_space<vmem_shared>>
    tpu.enqueue_dma source(%arg6 : memref<128xf32, #tpu.memory_space<vmem>>) target(%dma_start3A_53 : memref<128xf32, #tpu.memory_space<vmem_shared>>) target_semaphore(%arg10 : memref<!tpu.dma_semaphore, #tpu.memory_space<semaphore_mem>>)
    %mul3A_54 = arith.constant 640 : i32
    %mul3A_55 = arith.muli %arg1, %mul3A_54 : i32
    %add3A_56 = arith.constant 128 : i32
    %add3A_57 = arith.addi %mul3A_55, %add3A_56 : i32
    %dma_start3A_58 = tpu.memref_slice %arg7[%add3A_57] : memref<10240xf32, #tpu.memory_space<vmem_shared>> -> memref<128xf32, #tpu.memory_space<vmem_shared>>
    %dma_start3A_59 = tpu.memref_slice %arg7[%add3A_57] : memref<10240xf32, #tpu.memory_space<vmem_shared>> -> memref<128xf32, #tpu.memory_space<vmem_shared>>
    tpu.enqueue_dma source(%arg6 : memref<128xf32, #tpu.memory_space<vmem>>) target(%dma_start3A_59 : memref<128xf32, #tpu.memory_space<vmem_shared>>) target_semaphore(%arg10 : memref<!tpu.dma_semaphore, #tpu.memory_space<semaphore_mem>>)
    %mul3A_60 = arith.constant 640 : i32
    %mul3A_61 = arith.muli %arg1, %mul3A_60 : i32
    %add3A_62 = arith.constant 256 : i32
    %add3A_63 = arith.addi %mul3A_61, %add3A_62 : i32
    %dma_start3A_64 = tpu.memref_slice %arg7[%add3A_63] : memref<10240xf32, #tpu.memory_space<vmem_shared>> -> memref<128xf32, #tpu.memory_space<vmem_shared>>
    %dma_start3A_65 = tpu.memref_slice %arg7[%add3A_63] : memref<10240xf32, #tpu.memory_space<vmem_shared>> -> memref<128xf32, #tpu.memory_space<vmem_shared>>
    tpu.enqueue_dma source(%arg6 : memref<128xf32, #tpu.memory_space<vmem>>) target(%dma_start3A_65 : memref<128xf32, #tpu.memory_space<vmem_shared>>) target_semaphore(%arg10 : memref<!tpu.dma_semaphore, #tpu.memory_space<semaphore_mem>>)
    %mul3A_66 = arith.constant 640 : i32
    %mul3A_67 = arith.muli %arg1, %mul3A_66 : i32
    %add3A_68 = arith.constant 384 : i32
    %add3A_69 = arith.addi %mul3A_67, %add3A_68 : i32
    %dma_start3A_70 = tpu.memref_slice %arg7[%add3A_69] : memref<10240xf32, #tpu.memory_space<vmem_shared>> -> memref<128xf32, #tpu.memory_space<vmem_shared>>
    %dma_start3A_71 = tpu.memref_slice %arg7[%add3A_69] : memref<10240xf32, #tpu.memory_space<vmem_shared>> -> memref<128xf32, #tpu.memory_space<vmem_shared>>
    tpu.enqueue_dma source(%arg6 : memref<128xf32, #tpu.memory_space<vmem>>) target(%dma_start3A_71 : memref<128xf32, #tpu.memory_space<vmem_shared>>) target_semaphore(%arg10 : memref<!tpu.dma_semaphore, #tpu.memory_space<semaphore_mem>>)
    %mul3A_72 = arith.constant 640 : i32
    %mul3A_73 = arith.muli %arg1, %mul3A_72 : i32
    %add3A_74 = arith.constant 512 : i32
    %add3A_75 = arith.addi %mul3A_73, %add3A_74 : i32
    %dma_start3A_76 = tpu.memref_slice %arg7[%add3A_75] : memref<10240xf32, #tpu.memory_space<vmem_shared>> -> memref<128xf32, #tpu.memory_space<vmem_shared>>
    %dma_start3A_77 = tpu.memref_slice %arg7[%add3A_75] : memref<10240xf32, #tpu.memory_space<vmem_shared>> -> memref<128xf32, #tpu.memory_space<vmem_shared>>
    tpu.enqueue_dma source(%arg6 : memref<128xf32, #tpu.memory_space<vmem>>) target(%dma_start3A_77 : memref<128xf32, #tpu.memory_space<vmem_shared>>) target_semaphore(%arg10 : memref<!tpu.dma_semaphore, #tpu.memory_space<semaphore_mem>>)
    %mul3A_78 = arith.constant 640 : i32
    %mul3A_79 = arith.muli %arg1, %mul3A_78 : i32
    %dma_wait3A = tpu.memref_slice %arg7[%mul3A_79] : memref<10240xf32, #tpu.memory_space<vmem_shared>> -> memref<128xf32, #tpu.memory_space<vmem_shared>>
    %dma_wait3A_80 = tpu.memref_slice %arg7[%mul3A_79] : memref<10240xf32, #tpu.memory_space<vmem_shared>> -> memref<128xf32, #tpu.memory_space<vmem_shared>>
    tpu.wait_dma2 semaphore(%arg10 : memref<!tpu.dma_semaphore, #tpu.memory_space<semaphore_mem>>) src(%arg6 : memref<128xf32, #tpu.memory_space<vmem>>) dst(%dma_wait3A_80 : memref<128xf32, #tpu.memory_space<vmem_shared>>)
    %mul3A_81 = arith.constant 640 : i32
    %mul3A_82 = arith.muli %arg1, %mul3A_81 : i32
    %dma_wait3A_83 = tpu.memref_slice %arg7[%mul3A_82] : memref<10240xf32, #tpu.memory_space<vmem_shared>> -> memref<128xf32, #tpu.memory_space<vmem_shared>>
    %dma_wait3A_84 = tpu.memref_slice %arg7[%mul3A_82] : memref<10240xf32, #tpu.memory_space<vmem_shared>> -> memref<128xf32, #tpu.memory_space<vmem_shared>>
    tpu.wait_dma2 semaphore(%arg10 : memref<!tpu.dma_semaphore, #tpu.memory_space<semaphore_mem>>) src(%arg6 : memref<128xf32, #tpu.memory_space<vmem>>) dst(%dma_wait3A_84 : memref<128xf32, #tpu.memory_space<vmem_shared>>)
    %mul3A_85 = arith.constant 640 : i32
    %mul3A_86 = arith.muli %arg1, %mul3A_85 : i32
    %dma_wait3A_87 = tpu.memref_slice %arg7[%mul3A_86] : memref<10240xf32, #tpu.memory_space<vmem_shared>> -> memref<128xf32, #tpu.memory_space<vmem_shared>>
    %dma_wait3A_88 = tpu.memref_slice %arg7[%mul3A_86] : memref<10240xf32, #tpu.memory_space<vmem_shared>> -> memref<128xf32, #tpu.memory_space<vmem_shared>>
    tpu.wait_dma2 semaphore(%arg10 : memref<!tpu.dma_semaphore, #tpu.memory_space<semaphore_mem>>) src(%arg6 : memref<128xf32, #tpu.memory_space<vmem>>) dst(%dma_wait3A_88 : memref<128xf32, #tpu.memory_space<vmem_shared>>)
    %mul3A_89 = arith.constant 640 : i32
    %mul3A_90 = arith.muli %arg1, %mul3A_89 : i32
    %dma_wait3A_91 = tpu.memref_slice %arg7[%mul3A_90] : memref<10240xf32, #tpu.memory_space<vmem_shared>> -> memref<128xf32, #tpu.memory_space<vmem_shared>>
    %dma_wait3A_92 = tpu.memref_slice %arg7[%mul3A_90] : memref<10240xf32, #tpu.memory_space<vmem_shared>> -> memref<128xf32, #tpu.memory_space<vmem_shared>>
    tpu.wait_dma2 semaphore(%arg10 : memref<!tpu.dma_semaphore, #tpu.memory_space<semaphore_mem>>) src(%arg6 : memref<128xf32, #tpu.memory_space<vmem>>) dst(%dma_wait3A_92 : memref<128xf32, #tpu.memory_space<vmem_shared>>)
    %mul3A_93 = arith.constant 640 : i32
    %mul3A_94 = arith.muli %arg1, %mul3A_93 : i32
    %dma_wait3A_95 = tpu.memref_slice %arg7[%mul3A_94] : memref<10240xf32, #tpu.memory_space<vmem_shared>> -> memref<128xf32, #tpu.memory_space<vmem_shared>>
    %dma_wait3A_96 = tpu.memref_slice %arg7[%mul3A_94] : memref<10240xf32, #tpu.memory_space<vmem_shared>> -> memref<128xf32, #tpu.memory_space<vmem_shared>>
    tpu.wait_dma2 semaphore(%arg10 : memref<!tpu.dma_semaphore, #tpu.memory_space<semaphore_mem>>) src(%arg6 : memref<128xf32, #tpu.memory_space<vmem>>) dst(%dma_wait3A_96 : memref<128xf32, #tpu.memory_space<vmem_shared>>)
    %barrier3A = arith.constant 0 : index
    tpu.barrier barrier_id(%barrier3A)
    %broadcast_in_dim3A_97 = arith.constant 1.000000e+00 : f32
    %broadcast_in_dim3A_98 = vector.broadcast %broadcast_in_dim3A_97 : f32 to vector<16xf32>
    %swap3A_99 = arith.constant 0 : index
    %swap3A_100 = tpu.vector_load %arg6[%swap3A_99] {strides = array<i32>} : memref<128xf32, #tpu.memory_space<vmem>>, vector<16xf32>,
    %swap3A_101 = vector.shape_cast %swap3A_100 : vector<16xf32> to vector<16xf32>
    %swap3A_102 = vector.shape_cast %broadcast_in_dim3A_98 : vector<16xf32> to vector<16xf32>
    tpu.vector_store %arg6[%swap3A_99], %swap3A_102 {strides = array<i32>} : memref<128xf32, #tpu.memory_space<vmem>>, vector<16xf32>,
    %broadcast_in_dim3A_103 = arith.constant 1.000000e+00 : f32
    %broadcast_in_dim3A_104 = vector.broadcast %broadcast_in_dim3A_103 : f32 to vector<16xf32>
    %swap3A_105 = arith.constant 16 : index
    %swap3A_106 = tpu.vector_load %arg6[%swap3A_105] {strides = array<i32>} : memref<128xf32, #tpu.memory_space<vmem>>, vector<16xf32>,
    %swap3A_107 = vector.shape_cast %swap3A_106 : vector<16xf32> to vector<16xf32>
    %swap3A_108 = vector.shape_cast %broadcast_in_dim3A_104 : vector<16xf32> to vector<16xf32>
    tpu.vector_store %arg6[%swap3A_105], %swap3A_108 {strides = array<i32>} : memref<128xf32, #tpu.memory_space<vmem>>, vector<16xf32>,
    %broadcast_in_dim3A_109 = arith.constant 1.000000e+00 : f32
    %broadcast_in_dim3A_110 = vector.broadcast %broadcast_in_dim3A_109 : f32 to vector<16xf32>
    %swap3A_111 = arith.constant 32 : index
    %swap3A_112 = tpu.vector_load %arg6[%swap3A_111] {strides = array<i32>} : memref<128xf32, #tpu.memory_space<vmem>>, vector<16xf32>,
    %swap3A_113 = vector.shape_cast %swap3A_112 : vector<16xf32> to vector<16xf32>
    %swap3A_114 = vector.shape_cast %broadcast_in_dim3A_110 : vector<16xf32> to vector<16xf32>
    tpu.vector_store %arg6[%swap3A_111], %swap3A_114 {strides = array<i32>} : memref<128xf32, #tpu.memory_space<vmem>>, vector<16xf32>,
    %broadcast_in_dim3A_115 = arith.constant 1.000000e+00 : f32
    %broadcast_in_dim3A_116 = vector.broadcast %broadcast_in_dim3A_115 : f32 to vector<16xf32>
    %swap3A_117 = arith.constant 48 : index
    %swap3A_118 = tpu.vector_load %arg6[%swap3A_117] {strides = array<i32>} : memref<128xf32, #tpu.memory_space<vmem>>, vector<16xf32>,
    %swap3A_119 = vector.shape_cast %swap3A_118 : vector<16xf32> to vector<16xf32>
    %swap3A_120 = vector.shape_cast %broadcast_in_dim3A_116 : vector<16xf32> to vector<16xf32>
    tpu.vector_store %arg6[%swap3A_117], %swap3A_120 {strides = array<i32>} : memref<128xf32, #tpu.memory_space<vmem>>, vector<16xf32>,
    %broadcast_in_dim3A_121 = arith.constant 1.000000e+00 : f32
    %broadcast_in_dim3A_122 = vector.broadcast %broadcast_in_dim3A_121 : f32 to vector<16xf32>
    %swap3A_123 = arith.constant 64 : index
    %swap3A_124 = tpu.vector_load %arg6[%swap3A_123] {strides = array<i32>} : memref<128xf32, #tpu.memory_space<vmem>>, vector<16xf32>,
    %swap3A_125 = vector.shape_cast %swap3A_124 : vector<16xf32> to vector<16xf32>
    %swap3A_126 = vector.shape_cast %broadcast_in_dim3A_122 : vector<16xf32> to vector<16xf32>
    tpu.vector_store %arg6[%swap3A_123], %swap3A_126 {strides = array<i32>} : memref<128xf32, #tpu.memory_space<vmem>>, vector<16xf32>,
    %broadcast_in_dim3A_127 = arith.constant 1.000000e+00 : f32
    %broadcast_in_dim3A_128 = vector.broadcast %broadcast_in_dim3A_127 : f32 to vector<16xf32>
    %swap3A_129 = arith.constant 80 : index
    %swap3A_130 = tpu.vector_load %arg6[%swap3A_129] {strides = array<i32>} : memref<128xf32, #tpu.memory_space<vmem>>, vector<16xf32>,
    %swap3A_131 = vector.shape_cast %swap3A_130 : vector<16xf32> to vector<16xf32>
    %swap3A_132 = vector.shape_cast %broadcast_in_dim3A_128 : vector<16xf32> to vector<16xf32>
    tpu.vector_store %arg6[%swap3A_129], %swap3A_132 {strides = array<i32>} : memref<128xf32, #tpu.memory_space<vmem>>, vector<16xf32>,
    %broadcast_in_dim3A_133 = arith.constant 1.000000e+00 : f32
    %broadcast_in_dim3A_134 = vector.broadcast %broadcast_in_dim3A_133 : f32 to vector<16xf32>
    %swap3A_135 = arith.constant 96 : index
    %swap3A_136 = tpu.vector_load %arg6[%swap3A_135] {strides = array<i32>} : memref<128xf32, #tpu.memory_space<vmem>>, vector<16xf32>,
    %swap3A_137 = vector.shape_cast %swap3A_136 : vector<16xf32> to vector<16xf32>
    %swap3A_138 = vector.shape_cast %broadcast_in_dim3A_134 : vector<16xf32> to vector<16xf32>
    tpu.vector_store %arg6[%swap3A_135], %swap3A_138 {strides = array<i32>} : memref<128xf32, #tpu.memory_space<vmem>>, vector<16xf32>,
    %broadcast_in_dim3A_139 = arith.constant 1.000000e+00 : f32
    %broadcast_in_dim3A_140 = vector.broadcast %broadcast_in_dim3A_139 : f32 to vector<16xf32>
    %swap3A_141 = arith.constant 112 : index
    %swap3A_142 = tpu.vector_load %arg6[%swap3A_141] {strides = array<i32>} : memref<128xf32, #tpu.memory_space<vmem>>, vector<16xf32>,
    %swap3A_143 = vector.shape_cast %swap3A_142 : vector<16xf32> to vector<16xf32>
    %swap3A_144 = vector.shape_cast %broadcast_in_dim3A_140 : vector<16xf32> to vector<16xf32>
    tpu.vector_store %arg6[%swap3A_141], %swap3A_144 {strides = array<i32>} : memref<128xf32, #tpu.memory_space<vmem>>, vector<16xf32>,
    %dma_start3A_145 = arith.constant 0 : i32
    %dma_start3A_146 = tpu.memref_slice %arg2[%mul3A_2, %dma_start3A_145] : memref<2560x128xi32, #tpu.memory_space<hbm>> -> memref<8x128xi32, #tpu.memory_space<hbm>>
    %dma_start3A_147 = arith.constant 0 : i32
    %dma_start3A_148 = tpu.memref_slice %arg2[%mul3A_2, %dma_start3A_147] : memref<2560x128xi32, #tpu.memory_space<hbm>> -> memref<8x128xi32, #tpu.memory_space<hbm>>
    tpu.enqueue_dma source(%dma_start3A_148 : memref<8x128xi32, #tpu.memory_space<hbm>>) target(%arg4 : memref<8x128xi32, #tpu.memory_space<vmem>>) target_semaphore(%arg8 : memref<!tpu.dma_semaphore, #tpu.memory_space<semaphore_mem>>)
    %add3A_149 = arith.constant 8 : i32
    %add3A_150 = arith.addi %mul3A_2, %add3A_149 : i32
    %dma_start3A_151 = arith.constant 0 : i32
    %dma_start3A_152 = tpu.memref_slice %arg2[%add3A_150, %dma_start3A_151] : memref<2560x128xi32, #tpu.memory_space<hbm>> -> memref<8x128xi32, #tpu.memory_space<hbm>>
    %dma_start3A_153 = arith.constant 0 : i32
    %dma_start3A_154 = tpu.memref_slice %arg2[%add3A_150, %dma_start3A_153] : memref<2560x128xi32, #tpu.memory_space<hbm>> -> memref<8x128xi32, #tpu.memory_space<hbm>>
    tpu.enqueue_dma source(%dma_start3A_154 : memref<8x128xi32, #tpu.memory_space<hbm>>) target(%arg5 : memref<8x128xi32, #tpu.memory_space<vmem>>) target_semaphore(%arg9 : memref<!tpu.dma_semaphore, #tpu.memory_space<semaphore_mem>>)
    %scan3A = arith.constant 0 : i32
    %scan3A_155 = arith.constant 0 : i32
    %scan3A_156 = arith.constant 5 : i32
    %scan3A_157 = arith.addi %scan3A_155, %scan3A_156 : i32
    %scan3A_158 = arith.constant 1 : i32
    scf.for %scan3A_176 = %scan3A_155 to %scan3A_157 step %scan3A_158  : i32 {
      %mul3A_177 = arith.constant 2 : i32
      %mul3A_178 = arith.muli %mul3A_177, %scan3A_176 : i32
      %add3A_179 = arith.constant 2 : i32
      %add3A_180 = arith.addi %mul3A_178, %add3A_179 : i32
      %min3A = arith.constant 9 : i32
      %min3A_181 = arith.minsi %add3A_180, %min3A : i32
      %dma_wait3A_182 = arith.constant 0 : i32
      %dma_wait3A_183 = tpu.memref_slice %arg2[%mul3A_2, %dma_wait3A_182] : memref<2560x128xi32, #tpu.memory_space<hbm>> -> memref<8x128xi32, #tpu.memory_space<hbm>>
      %dma_wait3A_184 = arith.constant 0 : i32
      %dma_wait3A_185 = tpu.memref_slice %arg2[%mul3A_2, %dma_wait3A_184] : memref<2560x128xi32, #tpu.memory_space<hbm>> -> memref<8x128xi32, #tpu.memory_space<hbm>>
      tpu.wait_dma2 semaphore(%arg8 : memref<!tpu.dma_semaphore, #tpu.memory_space<semaphore_mem>>) src(%dma_wait3A_185 : memref<8x128xi32, #tpu.memory_space<hbm>>) dst(%arg4 : memref<8x128xi32, #tpu.memory_space<vmem>>)
      %scan3A_186 = arith.constant 0 : i32
      %scan3A_187 = arith.constant 0 : i32
      %scan3A_188 = arith.constant 4 : i32
      %scan3A_189 = arith.addi %scan3A_187, %scan3A_188 : i32
      %scan3A_190 = arith.constant 1 : i32
      scf.for %scan3A_244 = %scan3A_187 to %scan3A_189 step %scan3A_190  : i32 {
        %mul3A_245 = arith.constant 2 : i32
        %mul3A_246 = arith.muli %mul3A_245, %scan3A_244 : i32
        %gt3A = arith.constant 0 : i32
        %gt3A_247 = arith.cmpi sgt, %scan3A_244, %gt3A : i32
        %convert_element_type3A = arith.extui %gt3A_247 : i1 to i32
        %cond3A = arith.constant 0 : i32
        %cond3A_248 = arith.cmpi ne, %convert_element_type3A, %cond3A : i32
        scf.if %cond3A_248 {
          %dma_wait3A_261 = arith.constant 0 : i32
          %dma_wait3A_262 = arith.constant 0 : i32
          %dma_wait3A_263 = tpu.memref_slice %arg4[%dma_wait3A_261, %dma_wait3A_262] : memref<8x128xi32, #tpu.memory_space<vmem>> -> memref<1x128xi32, #tpu.memory_space<vmem>>
          %dma_wait3A_264 = tpu.memref_squeeze %dma_wait3A_263 : memref<1x128xi32, #tpu.memory_space<vmem>> -> memref<128xi32, #tpu.memory_space<vmem>>
          %dma_wait3A_265 = arith.constant 0 : i32
          %dma_wait3A_266 = tpu.memref_slice %arg7[%dma_wait3A_265] : memref<10240xf32, #tpu.memory_space<vmem_shared>> -> memref<10240xf32, #tpu.memory_space<vmem_shared>>
          tpu.wait_indirect_dma semaphore(%arg10 : memref<!tpu.dma_semaphore, #tpu.memory_space<semaphore_mem>>) src(%arg6 : memref<128xf32, #tpu.memory_space<vmem>>) dst(%dma_wait3A_266 : memref<10240xf32, #tpu.memory_space<vmem_shared>>)
          %dma_wait3A_267 = arith.constant 0 : i32
          %dma_wait3A_268 = arith.constant 0 : i32
          %dma_wait3A_269 = tpu.memref_slice %arg4[%dma_wait3A_267, %dma_wait3A_268] : memref<8x128xi32, #tpu.memory_space<vmem>> -> memref<1x128xi32, #tpu.memory_space<vmem>>
          %dma_wait3A_270 = tpu.memref_squeeze %dma_wait3A_269 : memref<1x128xi32, #tpu.memory_space<vmem>> -> memref<128xi32, #tpu.memory_space<vmem>>
          %dma_wait3A_271 = arith.constant 0 : i32
          %dma_wait3A_272 = tpu.memref_slice %arg7[%dma_wait3A_271] : memref<10240xf32, #tpu.memory_space<vmem_shared>> -> memref<10240xf32, #tpu.memory_space<vmem_shared>>
          tpu.wait_indirect_dma semaphore(%arg11 : memref<!tpu.dma_semaphore, #tpu.memory_space<semaphore_mem>>) src(%arg6 : memref<128xf32, #tpu.memory_space<vmem>>) dst(%dma_wait3A_272 : memref<10240xf32, #tpu.memory_space<vmem_shared>>)
        } else {
        }
        %dma_start3A_249 = arith.constant 0 : i32
        %dma_start3A_250 = tpu.memref_slice %arg4[%mul3A_246, %dma_start3A_249] : memref<8x128xi32, #tpu.memory_space<vmem>> -> memref<1x128xi32, #tpu.memory_space<vmem>>
        %dma_start3A_251 = tpu.memref_squeeze %dma_start3A_250 : memref<1x128xi32, #tpu.memory_space<vmem>> -> memref<128xi32, #tpu.memory_space<vmem>>
        %dma_start3A_252 = arith.constant 0 : i32
        %dma_start3A_253 = tpu.memref_slice %arg7[%dma_start3A_252] : memref<10240xf32, #tpu.memory_space<vmem_shared>> -> memref<10240xf32, #tpu.memory_space<vmem_shared>>
        tpu.enqueue_indirect_dma source(%arg6 : memref<128xf32, #tpu.memory_space<vmem>>) target(%dma_start3A_253 : memref<10240xf32, #tpu.memory_space<vmem_shared>>) offsets(%dma_start3A_251 : memref<128xi32, #tpu.memory_space<vmem>>) semaphore(%arg10 : memref<!tpu.dma_semaphore, #tpu.memory_space<semaphore_mem>>) {add = true}
        %add3A_254 = arith.constant 1 : i32
        %add3A_255 = arith.addi %mul3A_246, %add3A_254 : i32
        %dma_start3A_256 = arith.constant 0 : i32
        %dma_start3A_257 = tpu.memref_slice %arg4[%add3A_255, %dma_start3A_256] : memref<8x128xi32, #tpu.memory_space<vmem>> -> memref<1x128xi32, #tpu.memory_space<vmem>>
        %dma_start3A_258 = tpu.memref_squeeze %dma_start3A_257 : memref<1x128xi32, #tpu.memory_space<vmem>> -> memref<128xi32, #tpu.memory_space<vmem>>
        %dma_start3A_259 = arith.constant 0 : i32
        %dma_start3A_260 = tpu.memref_slice %arg7[%dma_start3A_259] : memref<10240xf32, #tpu.memory_space<vmem_shared>> -> memref<10240xf32, #tpu.memory_space<vmem_shared>>
        tpu.enqueue_indirect_dma source(%arg6 : memref<128xf32, #tpu.memory_space<vmem>>) target(%dma_start3A_260 : memref<10240xf32, #tpu.memory_space<vmem_shared>>) offsets(%dma_start3A_258 : memref<128xi32, #tpu.memory_space<vmem>>) semaphore(%arg11 : memref<!tpu.dma_semaphore, #tpu.memory_space<semaphore_mem>>) {add = true}
      }
      %scan3A_191 = arith.constant 4 : i32
      %dma_wait3A_192 = arith.constant 0 : i32
      %dma_wait3A_193 = arith.constant 0 : i32
      %dma_wait3A_194 = tpu.memref_slice %arg4[%dma_wait3A_192, %dma_wait3A_193] : memref<8x128xi32, #tpu.memory_space<vmem>> -> memref<1x128xi32, #tpu.memory_space<vmem>>
      %dma_wait3A_195 = tpu.memref_squeeze %dma_wait3A_194 : memref<1x128xi32, #tpu.memory_space<vmem>> -> memref<128xi32, #tpu.memory_space<vmem>>
      %dma_wait3A_196 = arith.constant 0 : i32
      %dma_wait3A_197 = tpu.memref_slice %arg7[%dma_wait3A_196] : memref<10240xf32, #tpu.memory_space<vmem_shared>> -> memref<10240xf32, #tpu.memory_space<vmem_shared>>
      tpu.wait_indirect_dma semaphore(%arg10 : memref<!tpu.dma_semaphore, #tpu.memory_space<semaphore_mem>>) src(%arg6 : memref<128xf32, #tpu.memory_space<vmem>>) dst(%dma_wait3A_197 : memref<10240xf32, #tpu.memory_space<vmem_shared>>)
      %dma_wait3A_198 = arith.constant 0 : i32
      %dma_wait3A_199 = arith.constant 0 : i32
      %dma_wait3A_200 = tpu.memref_slice %arg4[%dma_wait3A_198, %dma_wait3A_199] : memref<8x128xi32, #tpu.memory_space<vmem>> -> memref<1x128xi32, #tpu.memory_space<vmem>>
      %dma_wait3A_201 = tpu.memref_squeeze %dma_wait3A_200 : memref<1x128xi32, #tpu.memory_space<vmem>> -> memref<128xi32, #tpu.memory_space<vmem>>
      %dma_wait3A_202 = arith.constant 0 : i32
      %dma_wait3A_203 = tpu.memref_slice %arg7[%dma_wait3A_202] : memref<10240xf32, #tpu.memory_space<vmem_shared>> -> memref<10240xf32, #tpu.memory_space<vmem_shared>>
      tpu.wait_indirect_dma semaphore(%arg11 : memref<!tpu.dma_semaphore, #tpu.memory_space<semaphore_mem>>) src(%arg6 : memref<128xf32, #tpu.memory_space<vmem>>) dst(%dma_wait3A_203 : memref<10240xf32, #tpu.memory_space<vmem_shared>>)
      %mul3A_204 = arith.constant 8 : i32
      %mul3A_205 = arith.muli %min3A_181, %mul3A_204 : i32
      %add3A_206 = arith.addi %mul3A_2, %mul3A_205 : i32
      %dma_start3A_207 = arith.constant 0 : i32
      %dma_start3A_208 = tpu.memref_slice %arg2[%add3A_206, %dma_start3A_207] : memref<2560x128xi32, #tpu.memory_space<hbm>> -> memref<8x128xi32, #tpu.memory_space<hbm>>
      %dma_start3A_209 = arith.constant 0 : i32
      %dma_start3A_210 = tpu.memref_slice %arg2[%add3A_206, %dma_start3A_209] : memref<2560x128xi32, #tpu.memory_space<hbm>> -> memref<8x128xi32, #tpu.memory_space<hbm>>
      tpu.enqueue_dma source(%dma_start3A_210 : memref<8x128xi32, #tpu.memory_space<hbm>>) target(%arg4 : memref<8x128xi32, #tpu.memory_space<vmem>>) target_semaphore(%arg8 : memref<!tpu.dma_semaphore, #tpu.memory_space<semaphore_mem>>)
      %add3A_211 = arith.constant 3 : i32
      %add3A_212 = arith.addi %mul3A_178, %add3A_211 : i32
      %min3A_213 = arith.constant 9 : i32
      %min3A_214 = arith.minsi %add3A_212, %min3A_213 : i32
      %dma_wait3A_215 = arith.constant 0 : i32
      %dma_wait3A_216 = tpu.memref_slice %arg2[%mul3A_2, %dma_wait3A_215] : memref<2560x128xi32, #tpu.memory_space<hbm>> -> memref<8x128xi32, #tpu.memory_space<hbm>>
      %dma_wait3A_217 = arith.constant 0 : i32
      %dma_wait3A_218 = tpu.memref_slice %arg2[%mul3A_2, %dma_wait3A_217] : memref<2560x128xi32, #tpu.memory_space<hbm>> -> memref<8x128xi32, #tpu.memory_space<hbm>>
      tpu.wait_dma2 semaphore(%arg9 : memref<!tpu.dma_semaphore, #tpu.memory_space<semaphore_mem>>) src(%dma_wait3A_218 : memref<8x128xi32, #tpu.memory_space<hbm>>) dst(%arg5 : memref<8x128xi32, #tpu.memory_space<vmem>>)
      %scan3A_219 = arith.constant 0 : i32
      %scan3A_220 = arith.constant 0 : i32
      %scan3A_221 = arith.constant 4 : i32
      %scan3A_222 = arith.addi %scan3A_220, %scan3A_221 : i32
      %scan3A_223 = arith.constant 1 : i32
      scf.for %scan3A_244 = %scan3A_220 to %scan3A_222 step %scan3A_223  : i32 {
        %mul3A_245 = arith.constant 2 : i32
        %mul3A_246 = arith.muli %mul3A_245, %scan3A_244 : i32
        %gt3A = arith.constant 0 : i32
        %gt3A_247 = arith.cmpi sgt, %scan3A_244, %gt3A : i32
        %convert_element_type3A = arith.extui %gt3A_247 : i1 to i32
        %cond3A = arith.constant 0 : i32
        %cond3A_248 = arith.cmpi ne, %convert_element_type3A, %cond3A : i32
        scf.if %cond3A_248 {
          %dma_wait3A_261 = arith.constant 0 : i32
          %dma_wait3A_262 = arith.constant 0 : i32
          %dma_wait3A_263 = tpu.memref_slice %arg5[%dma_wait3A_261, %dma_wait3A_262] : memref<8x128xi32, #tpu.memory_space<vmem>> -> memref<1x128xi32, #tpu.memory_space<vmem>>
          %dma_wait3A_264 = tpu.memref_squeeze %dma_wait3A_263 : memref<1x128xi32, #tpu.memory_space<vmem>> -> memref<128xi32, #tpu.memory_space<vmem>>
          %dma_wait3A_265 = arith.constant 0 : i32
          %dma_wait3A_266 = tpu.memref_slice %arg7[%dma_wait3A_265] : memref<10240xf32, #tpu.memory_space<vmem_shared>> -> memref<10240xf32, #tpu.memory_space<vmem_shared>>
          tpu.wait_indirect_dma semaphore(%arg10 : memref<!tpu.dma_semaphore, #tpu.memory_space<semaphore_mem>>) src(%arg6 : memref<128xf32, #tpu.memory_space<vmem>>) dst(%dma_wait3A_266 : memref<10240xf32, #tpu.memory_space<vmem_shared>>)
          %dma_wait3A_267 = arith.constant 0 : i32
          %dma_wait3A_268 = arith.constant 0 : i32
          %dma_wait3A_269 = tpu.memref_slice %arg5[%dma_wait3A_267, %dma_wait3A_268] : memref<8x128xi32, #tpu.memory_space<vmem>> -> memref<1x128xi32, #tpu.memory_space<vmem>>
          %dma_wait3A_270 = tpu.memref_squeeze %dma_wait3A_269 : memref<1x128xi32, #tpu.memory_space<vmem>> -> memref<128xi32, #tpu.memory_space<vmem>>
          %dma_wait3A_271 = arith.constant 0 : i32
          %dma_wait3A_272 = tpu.memref_slice %arg7[%dma_wait3A_271] : memref<10240xf32, #tpu.memory_space<vmem_shared>> -> memref<10240xf32, #tpu.memory_space<vmem_shared>>
          tpu.wait_indirect_dma semaphore(%arg11 : memref<!tpu.dma_semaphore, #tpu.memory_space<semaphore_mem>>) src(%arg6 : memref<128xf32, #tpu.memory_space<vmem>>) dst(%dma_wait3A_272 : memref<10240xf32, #tpu.memory_space<vmem_shared>>)
        } else {
        }
        %dma_start3A_249 = arith.constant 0 : i32
        %dma_start3A_250 = tpu.memref_slice %arg5[%mul3A_246, %dma_start3A_249] : memref<8x128xi32, #tpu.memory_space<vmem>> -> memref<1x128xi32, #tpu.memory_space<vmem>>
        %dma_start3A_251 = tpu.memref_squeeze %dma_start3A_250 : memref<1x128xi32, #tpu.memory_space<vmem>> -> memref<128xi32, #tpu.memory_space<vmem>>
        %dma_start3A_252 = arith.constant 0 : i32
        %dma_start3A_253 = tpu.memref_slice %arg7[%dma_start3A_252] : memref<10240xf32, #tpu.memory_space<vmem_shared>> -> memref<10240xf32, #tpu.memory_space<vmem_shared>>
        tpu.enqueue_indirect_dma source(%arg6 : memref<128xf32, #tpu.memory_space<vmem>>) target(%dma_start3A_253 : memref<10240xf32, #tpu.memory_space<vmem_shared>>) offsets(%dma_start3A_251 : memref<128xi32, #tpu.memory_space<vmem>>) semaphore(%arg10 : memref<!tpu.dma_semaphore, #tpu.memory_space<semaphore_mem>>) {add = true}
        %add3A_254 = arith.constant 1 : i32
        %add3A_255 = arith.addi %mul3A_246, %add3A_254 : i32
        %dma_start3A_256 = arith.constant 0 : i32
        %dma_start3A_257 = tpu.memref_slice %arg5[%add3A_255, %dma_start3A_256] : memref<8x128xi32, #tpu.memory_space<vmem>> -> memref<1x128xi32, #tpu.memory_space<vmem>>
        %dma_start3A_258 = tpu.memref_squeeze %dma_start3A_257 : memref<1x128xi32, #tpu.memory_space<vmem>> -> memref<128xi32, #tpu.memory_space<vmem>>
        %dma_start3A_259 = arith.constant 0 : i32
        %dma_start3A_260 = tpu.memref_slice %arg7[%dma_start3A_259] : memref<10240xf32, #tpu.memory_space<vmem_shared>> -> memref<10240xf32, #tpu.memory_space<vmem_shared>>
        tpu.enqueue_indirect_dma source(%arg6 : memref<128xf32, #tpu.memory_space<vmem>>) target(%dma_start3A_260 : memref<10240xf32, #tpu.memory_space<vmem_shared>>) offsets(%dma_start3A_258 : memref<128xi32, #tpu.memory_space<vmem>>) semaphore(%arg11 : memref<!tpu.dma_semaphore, #tpu.memory_space<semaphore_mem>>) {add = true}
      }
      %scan3A_224 = arith.constant 4 : i32
      %dma_wait3A_225 = arith.constant 0 : i32
      %dma_wait3A_226 = arith.constant 0 : i32
      %dma_wait3A_227 = tpu.memref_slice %arg5[%dma_wait3A_225, %dma_wait3A_226] : memref<8x128xi32, #tpu.memory_space<vmem>> -> memref<1x128xi32, #tpu.memory_space<vmem>>
      %dma_wait3A_228 = tpu.memref_squeeze %dma_wait3A_227 : memref<1x128xi32, #tpu.memory_space<vmem>> -> memref<128xi32, #tpu.memory_space<vmem>>
      %dma_wait3A_229 = arith.constant 0 : i32
      %dma_wait3A_230 = tpu.memref_slice %arg7[%dma_wait3A_229] : memref<10240xf32, #tpu.memory_space<vmem_shared>> -> memref<10240xf32, #tpu.memory_space<vmem_shared>>
      tpu.wait_indirect_dma semaphore(%arg10 : memref<!tpu.dma_semaphore, #tpu.memory_space<semaphore_mem>>) src(%arg6 : memref<128xf32, #tpu.memory_space<vmem>>) dst(%dma_wait3A_230 : memref<10240xf32, #tpu.memory_space<vmem_shared>>)
      %dma_wait3A_231 = arith.constant 0 : i32
      %dma_wait3A_232 = arith.constant 0 : i32
      %dma_wait3A_233 = tpu.memref_slice %arg5[%dma_wait3A_231, %dma_wait3A_232] : memref<8x128xi32, #tpu.memory_space<vmem>> -> memref<1x128xi32, #tpu.memory_space<vmem>>
      %dma_wait3A_234 = tpu.memref_squeeze %dma_wait3A_233 : memref<1x128xi32, #tpu.memory_space<vmem>> -> memref<128xi32, #tpu.memory_space<vmem>>
      %dma_wait3A_235 = arith.constant 0 : i32
      %dma_wait3A_236 = tpu.memref_slice %arg7[%dma_wait3A_235] : memref<10240xf32, #tpu.memory_space<vmem_shared>> -> memref<10240xf32, #tpu.memory_space<vmem_shared>>
      tpu.wait_indirect_dma semaphore(%arg11 : memref<!tpu.dma_semaphore, #tpu.memory_space<semaphore_mem>>) src(%arg6 : memref<128xf32, #tpu.memory_space<vmem>>) dst(%dma_wait3A_236 : memref<10240xf32, #tpu.memory_space<vmem_shared>>)
      %mul3A_237 = arith.constant 8 : i32
      %mul3A_238 = arith.muli %min3A_214, %mul3A_237 : i32
      %add3A_239 = arith.addi %mul3A_2, %mul3A_238 : i32
      %dma_start3A_240 = arith.constant 0 : i32
      %dma_start3A_241 = tpu.memref_slice %arg2[%add3A_239, %dma_start3A_240] : memref<2560x128xi32, #tpu.memory_space<hbm>> -> memref<8x128xi32, #tpu.memory_space<hbm>>
      %dma_start3A_242 = arith.constant 0 : i32
      %dma_start3A_243 = tpu.memref_slice %arg2[%add3A_239, %dma_start3A_242] : memref<2560x128xi32, #tpu.memory_space<hbm>> -> memref<8x128xi32, #tpu.memory_space<hbm>>
      tpu.enqueue_dma source(%dma_start3A_243 : memref<8x128xi32, #tpu.memory_space<hbm>>) target(%arg5 : memref<8x128xi32, #tpu.memory_space<vmem>>) target_semaphore(%arg9 : memref<!tpu.dma_semaphore, #tpu.memory_space<semaphore_mem>>)
    }
    %scan3A_159 = arith.constant 5 : i32
    %dma_wait3A_160 = arith.constant 0 : i32
    %dma_wait3A_161 = tpu.memref_slice %arg2[%mul3A_2, %dma_wait3A_160] : memref<2560x128xi32, #tpu.memory_space<hbm>> -> memref<8x128xi32, #tpu.memory_space<hbm>>
    %dma_wait3A_162 = arith.constant 0 : i32
    %dma_wait3A_163 = tpu.memref_slice %arg2[%mul3A_2, %dma_wait3A_162] : memref<2560x128xi32, #tpu.memory_space<hbm>> -> memref<8x128xi32, #tpu.memory_space<hbm>>
    tpu.wait_dma2 semaphore(%arg8 : memref<!tpu.dma_semaphore, #tpu.memory_space<semaphore_mem>>) src(%dma_wait3A_163 : memref<8x128xi32, #tpu.memory_space<hbm>>) dst(%arg4 : memref<8x128xi32, #tpu.memory_space<vmem>>)
    %dma_wait3A_164 = arith.constant 0 : i32
    %dma_wait3A_165 = tpu.memref_slice %arg2[%mul3A_2, %dma_wait3A_164] : memref<2560x128xi32, #tpu.memory_space<hbm>> -> memref<8x128xi32, #tpu.memory_space<hbm>>
    %dma_wait3A_166 = arith.constant 0 : i32
    %dma_wait3A_167 = tpu.memref_slice %arg2[%mul3A_2, %dma_wait3A_166] : memref<2560x128xi32, #tpu.memory_space<hbm>> -> memref<8x128xi32, #tpu.memory_space<hbm>>
    tpu.wait_dma2 semaphore(%arg9 : memref<!tpu.dma_semaphore, #tpu.memory_space<semaphore_mem>>) src(%dma_wait3A_167 : memref<8x128xi32, #tpu.memory_space<hbm>>) dst(%arg5 : memref<8x128xi32, #tpu.memory_space<vmem>>)
    %barrier3A_168 = arith.constant 0 : index
    tpu.barrier barrier_id(%barrier3A_168)
    %mul3A_169 = arith.constant 640 : i32
    %mul3A_170 = arith.muli %arg1, %mul3A_169 : i32
    %mul3A_171 = arith.constant 10240 : i32
    %mul3A_172 = arith.muli %arg0, %mul3A_171 : i32
    %mul3A_173 = arith.constant 640 : i32
    %mul3A_174 = arith.muli %arg1, %mul3A_173 : i32
    %add3A_175 = arith.addi %mul3A_172, %mul3A_174 : i32
    "tpu.region"() ({
      %run_scoped3A = tpu.sem_alloc : memref<!tpu.dma_semaphore, #tpu.memory_space<semaphore_mem>>
      %dma_start3A_176 = tpu.memref_slice %arg3[%add3A_175] : memref<20480xf32, #tpu.memory_space<hbm>> -> memref<640xf32, #tpu.memory_space<hbm>>
      %dma_start3A_177 = tpu.memref_slice %arg7[%mul3A_170] : memref<10240xf32, #tpu.memory_space<vmem_shared>> -> memref<640xf32, #tpu.memory_space<vmem_shared>>
      tpu.enqueue_dma source(%dma_start3A_177 : memref<640xf32, #tpu.memory_space<vmem_shared>>) target(%dma_start3A_176 : memref<640xf32, #tpu.memory_space<hbm>>) target_semaphore(%run_scoped3A : memref<!tpu.dma_semaphore, #tpu.memory_space<semaphore_mem>>)
      %dma_wait3A_178 = tpu.memref_slice %arg3[%add3A_175] : memref<20480xf32, #tpu.memory_space<hbm>> -> memref<640xf32, #tpu.memory_space<hbm>>
      %dma_wait3A_179 = tpu.memref_slice %arg7[%mul3A_170] : memref<10240xf32, #tpu.memory_space<vmem_shared>> -> memref<640xf32, #tpu.memory_space<vmem_shared>>
      tpu.wait_dma2 semaphore(%run_scoped3A : memref<!tpu.dma_semaphore, #tpu.memory_space<semaphore_mem>>) src(%dma_wait3A_179 : memref<640xf32, #tpu.memory_space<vmem_shared>>) dst(%dma_wait3A_178 : memref<640xf32, #tpu.memory_space<hbm>>)
      tpu.yield
    }) : () -> ()
    return
  }
}

#map = affine_map<(d0, d1) -> (0)>
#map1 = affine_map<(d0, d1) -> (0, 0)>
module attributes {stable_mosaic.version = 14 : i64} {
  func.func @sc_gcn_prop1(%arg0: i32, %arg1: i32, %arg2: memref<10000xf32, #tpu.memory_space<hbm>>, %arg3: memref<2560x128xi32, #tpu.memory_space<hbm>>, %arg4: memref<2560x128xi32, #tpu.memory_space<hbm>>, %arg5: memref<20480xf32, #tpu.memory_space<hbm>>, %arg6: memref<8x128xi32, #tpu.memory_space<vmem>>, %arg7: memref<8x128xi32, #tpu.memory_space<vmem>>, %arg8: memref<8x128xi32, #tpu.memory_space<vmem>>, %arg9: memref<8x128xi32, #tpu.memory_space<vmem>>, %arg10: memref<128xf32, #tpu.memory_space<vmem>>, %arg11: memref<128xf32, #tpu.memory_space<vmem>>, %arg12: memref<10240xf32, #tpu.memory_space<vmem_shared>>, %arg13: memref<!tpu.dma_semaphore, #tpu.memory_space<semaphore_mem>>, %arg14: memref<!tpu.dma_semaphore, #tpu.memory_space<semaphore_mem>>, %arg15: memref<!tpu.dma_semaphore, #tpu.memory_space<semaphore_mem>>, %arg16: memref<!tpu.dma_semaphore, #tpu.memory_space<semaphore_mem>>, %arg17: memref<!tpu.dma_semaphore, #tpu.memory_space<semaphore_mem>>, %arg18: memref<!tpu.dma_semaphore, #tpu.memory_space<semaphore_mem>>) attributes {dimension_semantics = [#tpu.dimension_semantics<core_parallel>, #tpu.dimension_semantics<subcore_parallel>], iteration_bounds = array<i64: 2, 16>, scalar_prefetch = 0 : i64, scratch_operands = 13 : i64, tpu.core_type = #tpu.core_type<sc_vector_subcore>, window_params = [{transform_indices = #map}, {transform_indices = #map1}, {transform_indices = #map1}, {transform_indices = #map}]} {
    %mul3A = arith.constant 16 : i32
    %mul3A_0 = arith.muli %arg0, %mul3A : i32
    %add3A = arith.addi %mul3A_0, %arg1 : i32
    %mul3A_1 = arith.constant 80 : i32
    %mul3A_2 = arith.muli %add3A, %mul3A_1 : i32
    %broadcast_in_dim3A = arith.constant 0.000000e+00 : f32
    %broadcast_in_dim3A_3 = vector.broadcast %broadcast_in_dim3A : f32 to vector<16xf32>
    %swap3A = arith.constant 0 : index
    %swap3A_4 = tpu.vector_load %arg10[%swap3A] {strides = array<i32>} : memref<128xf32, #tpu.memory_space<vmem>>, vector<16xf32>,
    %swap3A_5 = vector.shape_cast %swap3A_4 : vector<16xf32> to vector<16xf32>
    %swap3A_6 = vector.shape_cast %broadcast_in_dim3A_3 : vector<16xf32> to vector<16xf32>
    tpu.vector_store %arg10[%swap3A], %swap3A_6 {strides = array<i32>} : memref<128xf32, #tpu.memory_space<vmem>>, vector<16xf32>,
    %broadcast_in_dim3A_7 = arith.constant 0.000000e+00 : f32
    %broadcast_in_dim3A_8 = vector.broadcast %broadcast_in_dim3A_7 : f32 to vector<16xf32>
    %swap3A_9 = arith.constant 16 : index
    %swap3A_10 = tpu.vector_load %arg10[%swap3A_9] {strides = array<i32>} : memref<128xf32, #tpu.memory_space<vmem>>, vector<16xf32>,
    %swap3A_11 = vector.shape_cast %swap3A_10 : vector<16xf32> to vector<16xf32>
    %swap3A_12 = vector.shape_cast %broadcast_in_dim3A_8 : vector<16xf32> to vector<16xf32>
    tpu.vector_store %arg10[%swap3A_9], %swap3A_12 {strides = array<i32>} : memref<128xf32, #tpu.memory_space<vmem>>, vector<16xf32>,
    %broadcast_in_dim3A_13 = arith.constant 0.000000e+00 : f32
    %broadcast_in_dim3A_14 = vector.broadcast %broadcast_in_dim3A_13 : f32 to vector<16xf32>
    %swap3A_15 = arith.constant 32 : index
    %swap3A_16 = tpu.vector_load %arg10[%swap3A_15] {strides = array<i32>} : memref<128xf32, #tpu.memory_space<vmem>>, vector<16xf32>,
    %swap3A_17 = vector.shape_cast %swap3A_16 : vector<16xf32> to vector<16xf32>
    %swap3A_18 = vector.shape_cast %broadcast_in_dim3A_14 : vector<16xf32> to vector<16xf32>
    tpu.vector_store %arg10[%swap3A_15], %swap3A_18 {strides = array<i32>} : memref<128xf32, #tpu.memory_space<vmem>>, vector<16xf32>,
    %broadcast_in_dim3A_19 = arith.constant 0.000000e+00 : f32
    %broadcast_in_dim3A_20 = vector.broadcast %broadcast_in_dim3A_19 : f32 to vector<16xf32>
    %swap3A_21 = arith.constant 48 : index
    %swap3A_22 = tpu.vector_load %arg10[%swap3A_21] {strides = array<i32>} : memref<128xf32, #tpu.memory_space<vmem>>, vector<16xf32>,
    %swap3A_23 = vector.shape_cast %swap3A_22 : vector<16xf32> to vector<16xf32>
    %swap3A_24 = vector.shape_cast %broadcast_in_dim3A_20 : vector<16xf32> to vector<16xf32>
    tpu.vector_store %arg10[%swap3A_21], %swap3A_24 {strides = array<i32>} : memref<128xf32, #tpu.memory_space<vmem>>, vector<16xf32>,
    %broadcast_in_dim3A_25 = arith.constant 0.000000e+00 : f32
    %broadcast_in_dim3A_26 = vector.broadcast %broadcast_in_dim3A_25 : f32 to vector<16xf32>
    %swap3A_27 = arith.constant 64 : index
    %swap3A_28 = tpu.vector_load %arg10[%swap3A_27] {strides = array<i32>} : memref<128xf32, #tpu.memory_space<vmem>>, vector<16xf32>,
    %swap3A_29 = vector.shape_cast %swap3A_28 : vector<16xf32> to vector<16xf32>
    %swap3A_30 = vector.shape_cast %broadcast_in_dim3A_26 : vector<16xf32> to vector<16xf32>
    tpu.vector_store %arg10[%swap3A_27], %swap3A_30 {strides = array<i32>} : memref<128xf32, #tpu.memory_space<vmem>>, vector<16xf32>,
    %broadcast_in_dim3A_31 = arith.constant 0.000000e+00 : f32
    %broadcast_in_dim3A_32 = vector.broadcast %broadcast_in_dim3A_31 : f32 to vector<16xf32>
    %swap3A_33 = arith.constant 80 : index
    %swap3A_34 = tpu.vector_load %arg10[%swap3A_33] {strides = array<i32>} : memref<128xf32, #tpu.memory_space<vmem>>, vector<16xf32>,
    %swap3A_35 = vector.shape_cast %swap3A_34 : vector<16xf32> to vector<16xf32>
    %swap3A_36 = vector.shape_cast %broadcast_in_dim3A_32 : vector<16xf32> to vector<16xf32>
    tpu.vector_store %arg10[%swap3A_33], %swap3A_36 {strides = array<i32>} : memref<128xf32, #tpu.memory_space<vmem>>, vector<16xf32>,
    %broadcast_in_dim3A_37 = arith.constant 0.000000e+00 : f32
    %broadcast_in_dim3A_38 = vector.broadcast %broadcast_in_dim3A_37 : f32 to vector<16xf32>
    %swap3A_39 = arith.constant 96 : index
    %swap3A_40 = tpu.vector_load %arg10[%swap3A_39] {strides = array<i32>} : memref<128xf32, #tpu.memory_space<vmem>>, vector<16xf32>,
    %swap3A_41 = vector.shape_cast %swap3A_40 : vector<16xf32> to vector<16xf32>
    %swap3A_42 = vector.shape_cast %broadcast_in_dim3A_38 : vector<16xf32> to vector<16xf32>
    tpu.vector_store %arg10[%swap3A_39], %swap3A_42 {strides = array<i32>} : memref<128xf32, #tpu.memory_space<vmem>>, vector<16xf32>,
    %broadcast_in_dim3A_43 = arith.constant 0.000000e+00 : f32
    %broadcast_in_dim3A_44 = vector.broadcast %broadcast_in_dim3A_43 : f32 to vector<16xf32>
    %swap3A_45 = arith.constant 112 : index
    %swap3A_46 = tpu.vector_load %arg10[%swap3A_45] {strides = array<i32>} : memref<128xf32, #tpu.memory_space<vmem>>, vector<16xf32>,
    %swap3A_47 = vector.shape_cast %swap3A_46 : vector<16xf32> to vector<16xf32>
    %swap3A_48 = vector.shape_cast %broadcast_in_dim3A_44 : vector<16xf32> to vector<16xf32>
    tpu.vector_store %arg10[%swap3A_45], %swap3A_48 {strides = array<i32>} : memref<128xf32, #tpu.memory_space<vmem>>, vector<16xf32>,
    %mul3A_49 = arith.constant 640 : i32
    %mul3A_50 = arith.muli %arg1, %mul3A_49 : i32
    %add3A_51 = arith.constant 0 : i32
    %add3A_52 = arith.addi %mul3A_50, %add3A_51 : i32
    %dma_start3A = tpu.memref_slice %arg12[%add3A_52] : memref<10240xf32, #tpu.memory_space<vmem_shared>> -> memref<128xf32, #tpu.memory_space<vmem_shared>>
    %dma_start3A_53 = tpu.memref_slice %arg12[%add3A_52] : memref<10240xf32, #tpu.memory_space<vmem_shared>> -> memref<128xf32, #tpu.memory_space<vmem_shared>>
    tpu.enqueue_dma source(%arg10 : memref<128xf32, #tpu.memory_space<vmem>>) target(%dma_start3A_53 : memref<128xf32, #tpu.memory_space<vmem_shared>>) target_semaphore(%arg17 : memref<!tpu.dma_semaphore, #tpu.memory_space<semaphore_mem>>)
    %mul3A_54 = arith.constant 640 : i32
    %mul3A_55 = arith.muli %arg1, %mul3A_54 : i32
    %add3A_56 = arith.constant 128 : i32
    %add3A_57 = arith.addi %mul3A_55, %add3A_56 : i32
    %dma_start3A_58 = tpu.memref_slice %arg12[%add3A_57] : memref<10240xf32, #tpu.memory_space<vmem_shared>> -> memref<128xf32, #tpu.memory_space<vmem_shared>>
    %dma_start3A_59 = tpu.memref_slice %arg12[%add3A_57] : memref<10240xf32, #tpu.memory_space<vmem_shared>> -> memref<128xf32, #tpu.memory_space<vmem_shared>>
    tpu.enqueue_dma source(%arg10 : memref<128xf32, #tpu.memory_space<vmem>>) target(%dma_start3A_59 : memref<128xf32, #tpu.memory_space<vmem_shared>>) target_semaphore(%arg17 : memref<!tpu.dma_semaphore, #tpu.memory_space<semaphore_mem>>)
    %mul3A_60 = arith.constant 640 : i32
    %mul3A_61 = arith.muli %arg1, %mul3A_60 : i32
    %add3A_62 = arith.constant 256 : i32
    %add3A_63 = arith.addi %mul3A_61, %add3A_62 : i32
    %dma_start3A_64 = tpu.memref_slice %arg12[%add3A_63] : memref<10240xf32, #tpu.memory_space<vmem_shared>> -> memref<128xf32, #tpu.memory_space<vmem_shared>>
    %dma_start3A_65 = tpu.memref_slice %arg12[%add3A_63] : memref<10240xf32, #tpu.memory_space<vmem_shared>> -> memref<128xf32, #tpu.memory_space<vmem_shared>>
    tpu.enqueue_dma source(%arg10 : memref<128xf32, #tpu.memory_space<vmem>>) target(%dma_start3A_65 : memref<128xf32, #tpu.memory_space<vmem_shared>>) target_semaphore(%arg17 : memref<!tpu.dma_semaphore, #tpu.memory_space<semaphore_mem>>)
    %mul3A_66 = arith.constant 640 : i32
    %mul3A_67 = arith.muli %arg1, %mul3A_66 : i32
    %add3A_68 = arith.constant 384 : i32
    %add3A_69 = arith.addi %mul3A_67, %add3A_68 : i32
    %dma_start3A_70 = tpu.memref_slice %arg12[%add3A_69] : memref<10240xf32, #tpu.memory_space<vmem_shared>> -> memref<128xf32, #tpu.memory_space<vmem_shared>>
    %dma_start3A_71 = tpu.memref_slice %arg12[%add3A_69] : memref<10240xf32, #tpu.memory_space<vmem_shared>> -> memref<128xf32, #tpu.memory_space<vmem_shared>>
    tpu.enqueue_dma source(%arg10 : memref<128xf32, #tpu.memory_space<vmem>>) target(%dma_start3A_71 : memref<128xf32, #tpu.memory_space<vmem_shared>>) target_semaphore(%arg17 : memref<!tpu.dma_semaphore, #tpu.memory_space<semaphore_mem>>)
    %mul3A_72 = arith.constant 640 : i32
    %mul3A_73 = arith.muli %arg1, %mul3A_72 : i32
    %add3A_74 = arith.constant 512 : i32
    %add3A_75 = arith.addi %mul3A_73, %add3A_74 : i32
    %dma_start3A_76 = tpu.memref_slice %arg12[%add3A_75] : memref<10240xf32, #tpu.memory_space<vmem_shared>> -> memref<128xf32, #tpu.memory_space<vmem_shared>>
    %dma_start3A_77 = tpu.memref_slice %arg12[%add3A_75] : memref<10240xf32, #tpu.memory_space<vmem_shared>> -> memref<128xf32, #tpu.memory_space<vmem_shared>>
    tpu.enqueue_dma source(%arg10 : memref<128xf32, #tpu.memory_space<vmem>>) target(%dma_start3A_77 : memref<128xf32, #tpu.memory_space<vmem_shared>>) target_semaphore(%arg17 : memref<!tpu.dma_semaphore, #tpu.memory_space<semaphore_mem>>)
    %mul3A_78 = arith.constant 640 : i32
    %mul3A_79 = arith.muli %arg1, %mul3A_78 : i32
    %dma_wait3A = tpu.memref_slice %arg12[%mul3A_79] : memref<10240xf32, #tpu.memory_space<vmem_shared>> -> memref<128xf32, #tpu.memory_space<vmem_shared>>
    %dma_wait3A_80 = tpu.memref_slice %arg12[%mul3A_79] : memref<10240xf32, #tpu.memory_space<vmem_shared>> -> memref<128xf32, #tpu.memory_space<vmem_shared>>
    tpu.wait_dma2 semaphore(%arg17 : memref<!tpu.dma_semaphore, #tpu.memory_space<semaphore_mem>>) src(%arg10 : memref<128xf32, #tpu.memory_space<vmem>>) dst(%dma_wait3A_80 : memref<128xf32, #tpu.memory_space<vmem_shared>>)
    %mul3A_81 = arith.constant 640 : i32
    %mul3A_82 = arith.muli %arg1, %mul3A_81 : i32
    %dma_wait3A_83 = tpu.memref_slice %arg12[%mul3A_82] : memref<10240xf32, #tpu.memory_space<vmem_shared>> -> memref<128xf32, #tpu.memory_space<vmem_shared>>
    %dma_wait3A_84 = tpu.memref_slice %arg12[%mul3A_82] : memref<10240xf32, #tpu.memory_space<vmem_shared>> -> memref<128xf32, #tpu.memory_space<vmem_shared>>
    tpu.wait_dma2 semaphore(%arg17 : memref<!tpu.dma_semaphore, #tpu.memory_space<semaphore_mem>>) src(%arg10 : memref<128xf32, #tpu.memory_space<vmem>>) dst(%dma_wait3A_84 : memref<128xf32, #tpu.memory_space<vmem_shared>>)
    %mul3A_85 = arith.constant 640 : i32
    %mul3A_86 = arith.muli %arg1, %mul3A_85 : i32
    %dma_wait3A_87 = tpu.memref_slice %arg12[%mul3A_86] : memref<10240xf32, #tpu.memory_space<vmem_shared>> -> memref<128xf32, #tpu.memory_space<vmem_shared>>
    %dma_wait3A_88 = tpu.memref_slice %arg12[%mul3A_86] : memref<10240xf32, #tpu.memory_space<vmem_shared>> -> memref<128xf32, #tpu.memory_space<vmem_shared>>
    tpu.wait_dma2 semaphore(%arg17 : memref<!tpu.dma_semaphore, #tpu.memory_space<semaphore_mem>>) src(%arg10 : memref<128xf32, #tpu.memory_space<vmem>>) dst(%dma_wait3A_88 : memref<128xf32, #tpu.memory_space<vmem_shared>>)
    %mul3A_89 = arith.constant 640 : i32
    %mul3A_90 = arith.muli %arg1, %mul3A_89 : i32
    %dma_wait3A_91 = tpu.memref_slice %arg12[%mul3A_90] : memref<10240xf32, #tpu.memory_space<vmem_shared>> -> memref<128xf32, #tpu.memory_space<vmem_shared>>
    %dma_wait3A_92 = tpu.memref_slice %arg12[%mul3A_90] : memref<10240xf32, #tpu.memory_space<vmem_shared>> -> memref<128xf32, #tpu.memory_space<vmem_shared>>
    tpu.wait_dma2 semaphore(%arg17 : memref<!tpu.dma_semaphore, #tpu.memory_space<semaphore_mem>>) src(%arg10 : memref<128xf32, #tpu.memory_space<vmem>>) dst(%dma_wait3A_92 : memref<128xf32, #tpu.memory_space<vmem_shared>>)
    %mul3A_93 = arith.constant 640 : i32
    %mul3A_94 = arith.muli %arg1, %mul3A_93 : i32
    %dma_wait3A_95 = tpu.memref_slice %arg12[%mul3A_94] : memref<10240xf32, #tpu.memory_space<vmem_shared>> -> memref<128xf32, #tpu.memory_space<vmem_shared>>
    %dma_wait3A_96 = tpu.memref_slice %arg12[%mul3A_94] : memref<10240xf32, #tpu.memory_space<vmem_shared>> -> memref<128xf32, #tpu.memory_space<vmem_shared>>
    tpu.wait_dma2 semaphore(%arg17 : memref<!tpu.dma_semaphore, #tpu.memory_space<semaphore_mem>>) src(%arg10 : memref<128xf32, #tpu.memory_space<vmem>>) dst(%dma_wait3A_96 : memref<128xf32, #tpu.memory_space<vmem_shared>>)
    %barrier3A = arith.constant 0 : index
    tpu.barrier barrier_id(%barrier3A)
    %dma_start3A_97 = arith.constant 0 : i32
    %dma_start3A_98 = tpu.memref_slice %arg3[%mul3A_2, %dma_start3A_97] : memref<2560x128xi32, #tpu.memory_space<hbm>> -> memref<8x128xi32, #tpu.memory_space<hbm>>
    %dma_start3A_99 = arith.constant 0 : i32
    %dma_start3A_100 = tpu.memref_slice %arg3[%mul3A_2, %dma_start3A_99] : memref<2560x128xi32, #tpu.memory_space<hbm>> -> memref<8x128xi32, #tpu.memory_space<hbm>>
    tpu.enqueue_dma source(%dma_start3A_100 : memref<8x128xi32, #tpu.memory_space<hbm>>) target(%arg6 : memref<8x128xi32, #tpu.memory_space<vmem>>) target_semaphore(%arg13 : memref<!tpu.dma_semaphore, #tpu.memory_space<semaphore_mem>>)
    %dma_start3A_101 = arith.constant 0 : i32
    %dma_start3A_102 = tpu.memref_slice %arg4[%mul3A_2, %dma_start3A_101] : memref<2560x128xi32, #tpu.memory_space<hbm>> -> memref<8x128xi32, #tpu.memory_space<hbm>>
    %dma_start3A_103 = arith.constant 0 : i32
    %dma_start3A_104 = tpu.memref_slice %arg4[%mul3A_2, %dma_start3A_103] : memref<2560x128xi32, #tpu.memory_space<hbm>> -> memref<8x128xi32, #tpu.memory_space<hbm>>
    tpu.enqueue_dma source(%dma_start3A_104 : memref<8x128xi32, #tpu.memory_space<hbm>>) target(%arg8 : memref<8x128xi32, #tpu.memory_space<vmem>>) target_semaphore(%arg13 : memref<!tpu.dma_semaphore, #tpu.memory_space<semaphore_mem>>)
    %add3A_105 = arith.constant 8 : i32
    %add3A_106 = arith.addi %mul3A_2, %add3A_105 : i32
    %dma_start3A_107 = arith.constant 0 : i32
    %dma_start3A_108 = tpu.memref_slice %arg3[%add3A_106, %dma_start3A_107] : memref<2560x128xi32, #tpu.memory_space<hbm>> -> memref<8x128xi32, #tpu.memory_space<hbm>>
    %dma_start3A_109 = arith.constant 0 : i32
    %dma_start3A_110 = tpu.memref_slice %arg3[%add3A_106, %dma_start3A_109] : memref<2560x128xi32, #tpu.memory_space<hbm>> -> memref<8x128xi32, #tpu.memory_space<hbm>>
    tpu.enqueue_dma source(%dma_start3A_110 : memref<8x128xi32, #tpu.memory_space<hbm>>) target(%arg7 : memref<8x128xi32, #tpu.memory_space<vmem>>) target_semaphore(%arg14 : memref<!tpu.dma_semaphore, #tpu.memory_space<semaphore_mem>>)
    %add3A_111 = arith.constant 8 : i32
    %add3A_112 = arith.addi %mul3A_2, %add3A_111 : i32
    %dma_start3A_113 = arith.constant 0 : i32
    %dma_start3A_114 = tpu.memref_slice %arg4[%add3A_112, %dma_start3A_113] : memref<2560x128xi32, #tpu.memory_space<hbm>> -> memref<8x128xi32, #tpu.memory_space<hbm>>
    %dma_start3A_115 = arith.constant 0 : i32
    %dma_start3A_116 = tpu.memref_slice %arg4[%add3A_112, %dma_start3A_115] : memref<2560x128xi32, #tpu.memory_space<hbm>> -> memref<8x128xi32, #tpu.memory_space<hbm>>
    tpu.enqueue_dma source(%dma_start3A_116 : memref<8x128xi32, #tpu.memory_space<hbm>>) target(%arg9 : memref<8x128xi32, #tpu.memory_space<vmem>>) target_semaphore(%arg14 : memref<!tpu.dma_semaphore, #tpu.memory_space<semaphore_mem>>)
    %scan3A = arith.constant 0 : i32
    %scan3A_117 = arith.constant 0 : i32
    %scan3A_118 = arith.constant 5 : i32
    %scan3A_119 = arith.addi %scan3A_117, %scan3A_118 : i32
    %scan3A_120 = arith.constant 1 : i32
    scf.for %scan3A_146 = %scan3A_117 to %scan3A_119 step %scan3A_120  : i32 {
      %mul3A_147 = arith.constant 2 : i32
      %mul3A_148 = arith.muli %mul3A_147, %scan3A_146 : i32
      %add3A_149 = arith.constant 2 : i32
      %add3A_150 = arith.addi %mul3A_148, %add3A_149 : i32
      %min3A = arith.constant 9 : i32
      %min3A_151 = arith.minsi %add3A_150, %min3A : i32
      %dma_wait3A_152 = arith.constant 0 : i32
      %dma_wait3A_153 = tpu.memref_slice %arg3[%mul3A_2, %dma_wait3A_152] : memref<2560x128xi32, #tpu.memory_space<hbm>> -> memref<8x128xi32, #tpu.memory_space<hbm>>
      %dma_wait3A_154 = arith.constant 0 : i32
      %dma_wait3A_155 = tpu.memref_slice %arg3[%mul3A_2, %dma_wait3A_154] : memref<2560x128xi32, #tpu.memory_space<hbm>> -> memref<8x128xi32, #tpu.memory_space<hbm>>
      tpu.wait_dma2 semaphore(%arg13 : memref<!tpu.dma_semaphore, #tpu.memory_space<semaphore_mem>>) src(%dma_wait3A_155 : memref<8x128xi32, #tpu.memory_space<hbm>>) dst(%arg6 : memref<8x128xi32, #tpu.memory_space<vmem>>)
      %dma_wait3A_156 = arith.constant 0 : i32
      %dma_wait3A_157 = tpu.memref_slice %arg4[%mul3A_2, %dma_wait3A_156] : memref<2560x128xi32, #tpu.memory_space<hbm>> -> memref<8x128xi32, #tpu.memory_space<hbm>>
      %dma_wait3A_158 = arith.constant 0 : i32
      %dma_wait3A_159 = tpu.memref_slice %arg4[%mul3A_2, %dma_wait3A_158] : memref<2560x128xi32, #tpu.memory_space<hbm>> -> memref<8x128xi32, #tpu.memory_space<hbm>>
      tpu.wait_dma2 semaphore(%arg13 : memref<!tpu.dma_semaphore, #tpu.memory_space<semaphore_mem>>) src(%dma_wait3A_159 : memref<8x128xi32, #tpu.memory_space<hbm>>) dst(%arg8 : memref<8x128xi32, #tpu.memory_space<vmem>>)
      %scan3A_160 = arith.constant 0 : i32
      %scan3A_161 = arith.constant 0 : i32
      %scan3A_162 = arith.constant 4 : i32
      %scan3A_163 = arith.addi %scan3A_161, %scan3A_162 : i32
      %scan3A_164 = arith.constant 1 : i32
      scf.for %scan3A_236 = %scan3A_161 to %scan3A_163 step %scan3A_164  : i32 {
        %mul3A_237 = arith.constant 2 : i32
        %mul3A_238 = arith.muli %mul3A_237, %scan3A_236 : i32
        %gt3A = arith.constant 0 : i32
        %gt3A_239 = arith.cmpi sgt, %scan3A_236, %gt3A : i32
        %convert_element_type3A = arith.extui %gt3A_239 : i1 to i32
        %cond3A = arith.constant 0 : i32
        %cond3A_240 = arith.cmpi ne, %convert_element_type3A, %cond3A : i32
        scf.if %cond3A_240 {
          %dma_wait3A_275 = arith.constant 0 : i32
          %dma_wait3A_276 = arith.constant 0 : i32
          %dma_wait3A_277 = tpu.memref_slice %arg8[%dma_wait3A_275, %dma_wait3A_276] : memref<8x128xi32, #tpu.memory_space<vmem>> -> memref<1x128xi32, #tpu.memory_space<vmem>>
          %dma_wait3A_278 = tpu.memref_squeeze %dma_wait3A_277 : memref<1x128xi32, #tpu.memory_space<vmem>> -> memref<128xi32, #tpu.memory_space<vmem>>
          %dma_wait3A_279 = arith.constant 0 : i32
          %dma_wait3A_280 = tpu.memref_slice %arg12[%dma_wait3A_279] : memref<10240xf32, #tpu.memory_space<vmem_shared>> -> memref<10240xf32, #tpu.memory_space<vmem_shared>>
          tpu.wait_indirect_dma semaphore(%arg17 : memref<!tpu.dma_semaphore, #tpu.memory_space<semaphore_mem>>) src(%arg10 : memref<128xf32, #tpu.memory_space<vmem>>) dst(%dma_wait3A_280 : memref<10240xf32, #tpu.memory_space<vmem_shared>>)
          %dma_wait3A_281 = arith.constant 0 : i32
          %dma_wait3A_282 = arith.constant 0 : i32
          %dma_wait3A_283 = tpu.memref_slice %arg8[%dma_wait3A_281, %dma_wait3A_282] : memref<8x128xi32, #tpu.memory_space<vmem>> -> memref<1x128xi32, #tpu.memory_space<vmem>>
          %dma_wait3A_284 = tpu.memref_squeeze %dma_wait3A_283 : memref<1x128xi32, #tpu.memory_space<vmem>> -> memref<128xi32, #tpu.memory_space<vmem>>
          %dma_wait3A_285 = arith.constant 0 : i32
          %dma_wait3A_286 = tpu.memref_slice %arg12[%dma_wait3A_285] : memref<10240xf32, #tpu.memory_space<vmem_shared>> -> memref<10240xf32, #tpu.memory_space<vmem_shared>>
          tpu.wait_indirect_dma semaphore(%arg18 : memref<!tpu.dma_semaphore, #tpu.memory_space<semaphore_mem>>) src(%arg11 : memref<128xf32, #tpu.memory_space<vmem>>) dst(%dma_wait3A_286 : memref<10240xf32, #tpu.memory_space<vmem_shared>>)
        } else {
        }
        %dma_start3A_241 = arith.constant 0 : i32
        %dma_start3A_242 = tpu.memref_slice %arg6[%mul3A_238, %dma_start3A_241] : memref<8x128xi32, #tpu.memory_space<vmem>> -> memref<1x128xi32, #tpu.memory_space<vmem>>
        %dma_start3A_243 = tpu.memref_squeeze %dma_start3A_242 : memref<1x128xi32, #tpu.memory_space<vmem>> -> memref<128xi32, #tpu.memory_space<vmem>>
        %dma_start3A_244 = arith.constant 0 : i32
        %dma_start3A_245 = tpu.memref_slice %arg2[%dma_start3A_244] : memref<10000xf32, #tpu.memory_space<hbm>> -> memref<10000xf32, #tpu.memory_space<hbm>>
        tpu.enqueue_indirect_dma source(%dma_start3A_245 : memref<10000xf32, #tpu.memory_space<hbm>>) target(%arg10 : memref<128xf32, #tpu.memory_space<vmem>>) offsets(%dma_start3A_243 : memref<128xi32, #tpu.memory_space<vmem>>) semaphore(%arg15 : memref<!tpu.dma_semaphore, #tpu.memory_space<semaphore_mem>>)
        %add3A_246 = arith.constant 1 : i32
        %add3A_247 = arith.addi %mul3A_238, %add3A_246 : i32
        %dma_start3A_248 = arith.constant 0 : i32
        %dma_start3A_249 = tpu.memref_slice %arg6[%add3A_247, %dma_start3A_248] : memref<8x128xi32, #tpu.memory_space<vmem>> -> memref<1x128xi32, #tpu.memory_space<vmem>>
        %dma_start3A_250 = tpu.memref_squeeze %dma_start3A_249 : memref<1x128xi32, #tpu.memory_space<vmem>> -> memref<128xi32, #tpu.memory_space<vmem>>
        %dma_start3A_251 = arith.constant 0 : i32
        %dma_start3A_252 = tpu.memref_slice %arg2[%dma_start3A_251] : memref<10000xf32, #tpu.memory_space<hbm>> -> memref<10000xf32, #tpu.memory_space<hbm>>
        tpu.enqueue_indirect_dma source(%dma_start3A_252 : memref<10000xf32, #tpu.memory_space<hbm>>) target(%arg11 : memref<128xf32, #tpu.memory_space<vmem>>) offsets(%dma_start3A_250 : memref<128xi32, #tpu.memory_space<vmem>>) semaphore(%arg16 : memref<!tpu.dma_semaphore, #tpu.memory_space<semaphore_mem>>)
        %dma_wait3A_253 = arith.constant 0 : i32
        %dma_wait3A_254 = tpu.memref_slice %arg6[%mul3A_238, %dma_wait3A_253] : memref<8x128xi32, #tpu.memory_space<vmem>> -> memref<1x128xi32, #tpu.memory_space<vmem>>
        %dma_wait3A_255 = tpu.memref_squeeze %dma_wait3A_254 : memref<1x128xi32, #tpu.memory_space<vmem>> -> memref<128xi32, #tpu.memory_space<vmem>>
        %dma_wait3A_256 = arith.constant 0 : i32
        %dma_wait3A_257 = tpu.memref_slice %arg2[%dma_wait3A_256] : memref<10000xf32, #tpu.memory_space<hbm>> -> memref<10000xf32, #tpu.memory_space<hbm>>
        tpu.wait_indirect_dma semaphore(%arg15 : memref<!tpu.dma_semaphore, #tpu.memory_space<semaphore_mem>>) src(%dma_wait3A_257 : memref<10000xf32, #tpu.memory_space<hbm>>) dst(%arg10 : memref<128xf32, #tpu.memory_space<vmem>>)
        %dma_start3A_258 = arith.constant 0 : i32
        %dma_start3A_259 = tpu.memref_slice %arg8[%mul3A_238, %dma_start3A_258] : memref<8x128xi32, #tpu.memory_space<vmem>> -> memref<1x128xi32, #tpu.memory_space<vmem>>
        %dma_start3A_260 = tpu.memref_squeeze %dma_start3A_259 : memref<1x128xi32, #tpu.memory_space<vmem>> -> memref<128xi32, #tpu.memory_space<vmem>>
        %dma_start3A_261 = arith.constant 0 : i32
        %dma_start3A_262 = tpu.memref_slice %arg12[%dma_start3A_261] : memref<10240xf32, #tpu.memory_space<vmem_shared>> -> memref<10240xf32, #tpu.memory_space<vmem_shared>>
        tpu.enqueue_indirect_dma source(%arg10 : memref<128xf32, #tpu.memory_space<vmem>>) target(%dma_start3A_262 : memref<10240xf32, #tpu.memory_space<vmem_shared>>) offsets(%dma_start3A_260 : memref<128xi32, #tpu.memory_space<vmem>>) semaphore(%arg17 : memref<!tpu.dma_semaphore, #tpu.memory_space<semaphore_mem>>) {add = true}
        %dma_wait3A_263 = arith.constant 0 : i32
        %dma_wait3A_264 = tpu.memref_slice %arg6[%mul3A_238, %dma_wait3A_263] : memref<8x128xi32, #tpu.memory_space<vmem>> -> memref<1x128xi32, #tpu.memory_space<vmem>>
        %dma_wait3A_265 = tpu.memref_squeeze %dma_wait3A_264 : memref<1x128xi32, #tpu.memory_space<vmem>> -> memref<128xi32, #tpu.memory_space<vmem>>
        %dma_wait3A_266 = arith.constant 0 : i32
        %dma_wait3A_267 = tpu.memref_slice %arg2[%dma_wait3A_266] : memref<10000xf32, #tpu.memory_space<hbm>> -> memref<10000xf32, #tpu.memory_space<hbm>>
        tpu.wait_indirect_dma semaphore(%arg16 : memref<!tpu.dma_semaphore, #tpu.memory_space<semaphore_mem>>) src(%dma_wait3A_267 : memref<10000xf32, #tpu.memory_space<hbm>>) dst(%arg11 : memref<128xf32, #tpu.memory_space<vmem>>)
        %add3A_268 = arith.constant 1 : i32
        %add3A_269 = arith.addi %mul3A_238, %add3A_268 : i32
        %dma_start3A_270 = arith.constant 0 : i32
        %dma_start3A_271 = tpu.memref_slice %arg8[%add3A_269, %dma_start3A_270] : memref<8x128xi32, #tpu.memory_space<vmem>> -> memref<1x128xi32, #tpu.memory_space<vmem>>
        %dma_start3A_272 = tpu.memref_squeeze %dma_start3A_271 : memref<1x128xi32, #tpu.memory_space<vmem>> -> memref<128xi32, #tpu.memory_space<vmem>>
        %dma_start3A_273 = arith.constant 0 : i32
        %dma_start3A_274 = tpu.memref_slice %arg12[%dma_start3A_273] : memref<10240xf32, #tpu.memory_space<vmem_shared>> -> memref<10240xf32, #tpu.memory_space<vmem_shared>>
        tpu.enqueue_indirect_dma source(%arg11 : memref<128xf32, #tpu.memory_space<vmem>>) target(%dma_start3A_274 : memref<10240xf32, #tpu.memory_space<vmem_shared>>) offsets(%dma_start3A_272 : memref<128xi32, #tpu.memory_space<vmem>>) semaphore(%arg18 : memref<!tpu.dma_semaphore, #tpu.memory_space<semaphore_mem>>) {add = true}
      }
      %scan3A_165 = arith.constant 4 : i32
      %dma_wait3A_166 = arith.constant 0 : i32
      %dma_wait3A_167 = arith.constant 0 : i32
      %dma_wait3A_168 = tpu.memref_slice %arg8[%dma_wait3A_166, %dma_wait3A_167] : memref<8x128xi32, #tpu.memory_space<vmem>> -> memref<1x128xi32, #tpu.memory_space<vmem>>
      %dma_wait3A_169 = tpu.memref_squeeze %dma_wait3A_168 : memref<1x128xi32, #tpu.memory_space<vmem>> -> memref<128xi32, #tpu.memory_space<vmem>>
      %dma_wait3A_170 = arith.constant 0 : i32
      %dma_wait3A_171 = tpu.memref_slice %arg12[%dma_wait3A_170] : memref<10240xf32, #tpu.memory_space<vmem_shared>> -> memref<10240xf32, #tpu.memory_space<vmem_shared>>
      tpu.wait_indirect_dma semaphore(%arg17 : memref<!tpu.dma_semaphore, #tpu.memory_space<semaphore_mem>>) src(%arg10 : memref<128xf32, #tpu.memory_space<vmem>>) dst(%dma_wait3A_171 : memref<10240xf32, #tpu.memory_space<vmem_shared>>)
      %dma_wait3A_172 = arith.constant 0 : i32
      %dma_wait3A_173 = arith.constant 0 : i32
      %dma_wait3A_174 = tpu.memref_slice %arg8[%dma_wait3A_172, %dma_wait3A_173] : memref<8x128xi32, #tpu.memory_space<vmem>> -> memref<1x128xi32, #tpu.memory_space<vmem>>
      %dma_wait3A_175 = tpu.memref_squeeze %dma_wait3A_174 : memref<1x128xi32, #tpu.memory_space<vmem>> -> memref<128xi32, #tpu.memory_space<vmem>>
      %dma_wait3A_176 = arith.constant 0 : i32
      %dma_wait3A_177 = tpu.memref_slice %arg12[%dma_wait3A_176] : memref<10240xf32, #tpu.memory_space<vmem_shared>> -> memref<10240xf32, #tpu.memory_space<vmem_shared>>
      tpu.wait_indirect_dma semaphore(%arg18 : memref<!tpu.dma_semaphore, #tpu.memory_space<semaphore_mem>>) src(%arg11 : memref<128xf32, #tpu.memory_space<vmem>>) dst(%dma_wait3A_177 : memref<10240xf32, #tpu.memory_space<vmem_shared>>)
      %mul3A_178 = arith.constant 8 : i32
      %mul3A_179 = arith.muli %min3A_151, %mul3A_178 : i32
      %add3A_180 = arith.addi %mul3A_2, %mul3A_179 : i32
      %dma_start3A_181 = arith.constant 0 : i32
      %dma_start3A_182 = tpu.memref_slice %arg3[%add3A_180, %dma_start3A_181] : memref<2560x128xi32, #tpu.memory_space<hbm>> -> memref<8x128xi32, #tpu.memory_space<hbm>>
      %dma_start3A_183 = arith.constant 0 : i32
      %dma_start3A_184 = tpu.memref_slice %arg3[%add3A_180, %dma_start3A_183] : memref<2560x128xi32, #tpu.memory_space<hbm>> -> memref<8x128xi32, #tpu.memory_space<hbm>>
      tpu.enqueue_dma source(%dma_start3A_184 : memref<8x128xi32, #tpu.memory_space<hbm>>) target(%arg6 : memref<8x128xi32, #tpu.memory_space<vmem>>) target_semaphore(%arg13 : memref<!tpu.dma_semaphore, #tpu.memory_space<semaphore_mem>>)
      %mul3A_185 = arith.constant 8 : i32
      %mul3A_186 = arith.muli %min3A_151, %mul3A_185 : i32
      %add3A_187 = arith.addi %mul3A_2, %mul3A_186 : i32
      %dma_start3A_188 = arith.constant 0 : i32
      %dma_start3A_189 = tpu.memref_slice %arg4[%add3A_187, %dma_start3A_188] : memref<2560x128xi32, #tpu.memory_space<hbm>> -> memref<8x128xi32, #tpu.memory_space<hbm>>
      %dma_start3A_190 = arith.constant 0 : i32
      %dma_start3A_191 = tpu.memref_slice %arg4[%add3A_187, %dma_start3A_190] : memref<2560x128xi32, #tpu.memory_space<hbm>> -> memref<8x128xi32, #tpu.memory_space<hbm>>
      tpu.enqueue_dma source(%dma_start3A_191 : memref<8x128xi32, #tpu.memory_space<hbm>>) target(%arg8 : memref<8x128xi32, #tpu.memory_space<vmem>>) target_semaphore(%arg13 : memref<!tpu.dma_semaphore, #tpu.memory_space<semaphore_mem>>)
      %add3A_192 = arith.constant 3 : i32
      %add3A_193 = arith.addi %mul3A_148, %add3A_192 : i32
      %min3A_194 = arith.constant 9 : i32
      %min3A_195 = arith.minsi %add3A_193, %min3A_194 : i32
      %dma_wait3A_196 = arith.constant 0 : i32
      %dma_wait3A_197 = tpu.memref_slice %arg3[%mul3A_2, %dma_wait3A_196] : memref<2560x128xi32, #tpu.memory_space<hbm>> -> memref<8x128xi32, #tpu.memory_space<hbm>>
      %dma_wait3A_198 = arith.constant 0 : i32
      %dma_wait3A_199 = tpu.memref_slice %arg3[%mul3A_2, %dma_wait3A_198] : memref<2560x128xi32, #tpu.memory_space<hbm>> -> memref<8x128xi32, #tpu.memory_space<hbm>>
      tpu.wait_dma2 semaphore(%arg14 : memref<!tpu.dma_semaphore, #tpu.memory_space<semaphore_mem>>) src(%dma_wait3A_199 : memref<8x128xi32, #tpu.memory_space<hbm>>) dst(%arg7 : memref<8x128xi32, #tpu.memory_space<vmem>>)
      %dma_wait3A_200 = arith.constant 0 : i32
      %dma_wait3A_201 = tpu.memref_slice %arg4[%mul3A_2, %dma_wait3A_200] : memref<2560x128xi32, #tpu.memory_space<hbm>> -> memref<8x128xi32, #tpu.memory_space<hbm>>
      %dma_wait3A_202 = arith.constant 0 : i32
      %dma_wait3A_203 = tpu.memref_slice %arg4[%mul3A_2, %dma_wait3A_202] : memref<2560x128xi32, #tpu.memory_space<hbm>> -> memref<8x128xi32, #tpu.memory_space<hbm>>
      tpu.wait_dma2 semaphore(%arg14 : memref<!tpu.dma_semaphore, #tpu.memory_space<semaphore_mem>>) src(%dma_wait3A_203 : memref<8x128xi32, #tpu.memory_space<hbm>>) dst(%arg9 : memref<8x128xi32, #tpu.memory_space<vmem>>)
      %scan3A_204 = arith.constant 0 : i32
      %scan3A_205 = arith.constant 0 : i32
      %scan3A_206 = arith.constant 4 : i32
      %scan3A_207 = arith.addi %scan3A_205, %scan3A_206 : i32
      %scan3A_208 = arith.constant 1 : i32
      scf.for %scan3A_236 = %scan3A_205 to %scan3A_207 step %scan3A_208  : i32 {
        %mul3A_237 = arith.constant 2 : i32
        %mul3A_238 = arith.muli %mul3A_237, %scan3A_236 : i32
        %gt3A = arith.constant 0 : i32
        %gt3A_239 = arith.cmpi sgt, %scan3A_236, %gt3A : i32
        %convert_element_type3A = arith.extui %gt3A_239 : i1 to i32
        %cond3A = arith.constant 0 : i32
        %cond3A_240 = arith.cmpi ne, %convert_element_type3A, %cond3A : i32
        scf.if %cond3A_240 {
          %dma_wait3A_275 = arith.constant 0 : i32
          %dma_wait3A_276 = arith.constant 0 : i32
          %dma_wait3A_277 = tpu.memref_slice %arg9[%dma_wait3A_275, %dma_wait3A_276] : memref<8x128xi32, #tpu.memory_space<vmem>> -> memref<1x128xi32, #tpu.memory_space<vmem>>
          %dma_wait3A_278 = tpu.memref_squeeze %dma_wait3A_277 : memref<1x128xi32, #tpu.memory_space<vmem>> -> memref<128xi32, #tpu.memory_space<vmem>>
          %dma_wait3A_279 = arith.constant 0 : i32
          %dma_wait3A_280 = tpu.memref_slice %arg12[%dma_wait3A_279] : memref<10240xf32, #tpu.memory_space<vmem_shared>> -> memref<10240xf32, #tpu.memory_space<vmem_shared>>
          tpu.wait_indirect_dma semaphore(%arg17 : memref<!tpu.dma_semaphore, #tpu.memory_space<semaphore_mem>>) src(%arg10 : memref<128xf32, #tpu.memory_space<vmem>>) dst(%dma_wait3A_280 : memref<10240xf32, #tpu.memory_space<vmem_shared>>)
          %dma_wait3A_281 = arith.constant 0 : i32
          %dma_wait3A_282 = arith.constant 0 : i32
          %dma_wait3A_283 = tpu.memref_slice %arg9[%dma_wait3A_281, %dma_wait3A_282] : memref<8x128xi32, #tpu.memory_space<vmem>> -> memref<1x128xi32, #tpu.memory_space<vmem>>
          %dma_wait3A_284 = tpu.memref_squeeze %dma_wait3A_283 : memref<1x128xi32, #tpu.memory_space<vmem>> -> memref<128xi32, #tpu.memory_space<vmem>>
          %dma_wait3A_285 = arith.constant 0 : i32
          %dma_wait3A_286 = tpu.memref_slice %arg12[%dma_wait3A_285] : memref<10240xf32, #tpu.memory_space<vmem_shared>> -> memref<10240xf32, #tpu.memory_space<vmem_shared>>
          tpu.wait_indirect_dma semaphore(%arg18 : memref<!tpu.dma_semaphore, #tpu.memory_space<semaphore_mem>>) src(%arg11 : memref<128xf32, #tpu.memory_space<vmem>>) dst(%dma_wait3A_286 : memref<10240xf32, #tpu.memory_space<vmem_shared>>)
        } else {
        }
        %dma_start3A_241 = arith.constant 0 : i32
        %dma_start3A_242 = tpu.memref_slice %arg7[%mul3A_238, %dma_start3A_241] : memref<8x128xi32, #tpu.memory_space<vmem>> -> memref<1x128xi32, #tpu.memory_space<vmem>>
        %dma_start3A_243 = tpu.memref_squeeze %dma_start3A_242 : memref<1x128xi32, #tpu.memory_space<vmem>> -> memref<128xi32, #tpu.memory_space<vmem>>
        %dma_start3A_244 = arith.constant 0 : i32
        %dma_start3A_245 = tpu.memref_slice %arg2[%dma_start3A_244] : memref<10000xf32, #tpu.memory_space<hbm>> -> memref<10000xf32, #tpu.memory_space<hbm>>
        tpu.enqueue_indirect_dma source(%dma_start3A_245 : memref<10000xf32, #tpu.memory_space<hbm>>) target(%arg10 : memref<128xf32, #tpu.memory_space<vmem>>) offsets(%dma_start3A_243 : memref<128xi32, #tpu.memory_space<vmem>>) semaphore(%arg15 : memref<!tpu.dma_semaphore, #tpu.memory_space<semaphore_mem>>)
        %add3A_246 = arith.constant 1 : i32
        %add3A_247 = arith.addi %mul3A_238, %add3A_246 : i32
        %dma_start3A_248 = arith.constant 0 : i32
        %dma_start3A_249 = tpu.memref_slice %arg7[%add3A_247, %dma_start3A_248] : memref<8x128xi32, #tpu.memory_space<vmem>> -> memref<1x128xi32, #tpu.memory_space<vmem>>
        %dma_start3A_250 = tpu.memref_squeeze %dma_start3A_249 : memref<1x128xi32, #tpu.memory_space<vmem>> -> memref<128xi32, #tpu.memory_space<vmem>>
        %dma_start3A_251 = arith.constant 0 : i32
        %dma_start3A_252 = tpu.memref_slice %arg2[%dma_start3A_251] : memref<10000xf32, #tpu.memory_space<hbm>> -> memref<10000xf32, #tpu.memory_space<hbm>>
        tpu.enqueue_indirect_dma source(%dma_start3A_252 : memref<10000xf32, #tpu.memory_space<hbm>>) target(%arg11 : memref<128xf32, #tpu.memory_space<vmem>>) offsets(%dma_start3A_250 : memref<128xi32, #tpu.memory_space<vmem>>) semaphore(%arg16 : memref<!tpu.dma_semaphore, #tpu.memory_space<semaphore_mem>>)
        %dma_wait3A_253 = arith.constant 0 : i32
        %dma_wait3A_254 = tpu.memref_slice %arg7[%mul3A_238, %dma_wait3A_253] : memref<8x128xi32, #tpu.memory_space<vmem>> -> memref<1x128xi32, #tpu.memory_space<vmem>>
        %dma_wait3A_255 = tpu.memref_squeeze %dma_wait3A_254 : memref<1x128xi32, #tpu.memory_space<vmem>> -> memref<128xi32, #tpu.memory_space<vmem>>
        %dma_wait3A_256 = arith.constant 0 : i32
        %dma_wait3A_257 = tpu.memref_slice %arg2[%dma_wait3A_256] : memref<10000xf32, #tpu.memory_space<hbm>> -> memref<10000xf32, #tpu.memory_space<hbm>>
        tpu.wait_indirect_dma semaphore(%arg15 : memref<!tpu.dma_semaphore, #tpu.memory_space<semaphore_mem>>) src(%dma_wait3A_257 : memref<10000xf32, #tpu.memory_space<hbm>>) dst(%arg10 : memref<128xf32, #tpu.memory_space<vmem>>)
        %dma_start3A_258 = arith.constant 0 : i32
        %dma_start3A_259 = tpu.memref_slice %arg9[%mul3A_238, %dma_start3A_258] : memref<8x128xi32, #tpu.memory_space<vmem>> -> memref<1x128xi32, #tpu.memory_space<vmem>>
        %dma_start3A_260 = tpu.memref_squeeze %dma_start3A_259 : memref<1x128xi32, #tpu.memory_space<vmem>> -> memref<128xi32, #tpu.memory_space<vmem>>
        %dma_start3A_261 = arith.constant 0 : i32
        %dma_start3A_262 = tpu.memref_slice %arg12[%dma_start3A_261] : memref<10240xf32, #tpu.memory_space<vmem_shared>> -> memref<10240xf32, #tpu.memory_space<vmem_shared>>
        tpu.enqueue_indirect_dma source(%arg10 : memref<128xf32, #tpu.memory_space<vmem>>) target(%dma_start3A_262 : memref<10240xf32, #tpu.memory_space<vmem_shared>>) offsets(%dma_start3A_260 : memref<128xi32, #tpu.memory_space<vmem>>) semaphore(%arg17 : memref<!tpu.dma_semaphore, #tpu.memory_space<semaphore_mem>>) {add = true}
        %dma_wait3A_263 = arith.constant 0 : i32
        %dma_wait3A_264 = tpu.memref_slice %arg7[%mul3A_238, %dma_wait3A_263] : memref<8x128xi32, #tpu.memory_space<vmem>> -> memref<1x128xi32, #tpu.memory_space<vmem>>
        %dma_wait3A_265 = tpu.memref_squeeze %dma_wait3A_264 : memref<1x128xi32, #tpu.memory_space<vmem>> -> memref<128xi32, #tpu.memory_space<vmem>>
        %dma_wait3A_266 = arith.constant 0 : i32
        %dma_wait3A_267 = tpu.memref_slice %arg2[%dma_wait3A_266] : memref<10000xf32, #tpu.memory_space<hbm>> -> memref<10000xf32, #tpu.memory_space<hbm>>
        tpu.wait_indirect_dma semaphore(%arg16 : memref<!tpu.dma_semaphore, #tpu.memory_space<semaphore_mem>>) src(%dma_wait3A_267 : memref<10000xf32, #tpu.memory_space<hbm>>) dst(%arg11 : memref<128xf32, #tpu.memory_space<vmem>>)
        %add3A_268 = arith.constant 1 : i32
        %add3A_269 = arith.addi %mul3A_238, %add3A_268 : i32
        %dma_start3A_270 = arith.constant 0 : i32
        %dma_start3A_271 = tpu.memref_slice %arg9[%add3A_269, %dma_start3A_270] : memref<8x128xi32, #tpu.memory_space<vmem>> -> memref<1x128xi32, #tpu.memory_space<vmem>>
        %dma_start3A_272 = tpu.memref_squeeze %dma_start3A_271 : memref<1x128xi32, #tpu.memory_space<vmem>> -> memref<128xi32, #tpu.memory_space<vmem>>
        %dma_start3A_273 = arith.constant 0 : i32
        %dma_start3A_274 = tpu.memref_slice %arg12[%dma_start3A_273] : memref<10240xf32, #tpu.memory_space<vmem_shared>> -> memref<10240xf32, #tpu.memory_space<vmem_shared>>
        tpu.enqueue_indirect_dma source(%arg11 : memref<128xf32, #tpu.memory_space<vmem>>) target(%dma_start3A_274 : memref<10240xf32, #tpu.memory_space<vmem_shared>>) offsets(%dma_start3A_272 : memref<128xi32, #tpu.memory_space<vmem>>) semaphore(%arg18 : memref<!tpu.dma_semaphore, #tpu.memory_space<semaphore_mem>>) {add = true}
      }
      %scan3A_209 = arith.constant 4 : i32
      %dma_wait3A_210 = arith.constant 0 : i32
      %dma_wait3A_211 = arith.constant 0 : i32
      %dma_wait3A_212 = tpu.memref_slice %arg9[%dma_wait3A_210, %dma_wait3A_211] : memref<8x128xi32, #tpu.memory_space<vmem>> -> memref<1x128xi32, #tpu.memory_space<vmem>>
      %dma_wait3A_213 = tpu.memref_squeeze %dma_wait3A_212 : memref<1x128xi32, #tpu.memory_space<vmem>> -> memref<128xi32, #tpu.memory_space<vmem>>
      %dma_wait3A_214 = arith.constant 0 : i32
      %dma_wait3A_215 = tpu.memref_slice %arg12[%dma_wait3A_214] : memref<10240xf32, #tpu.memory_space<vmem_shared>> -> memref<10240xf32, #tpu.memory_space<vmem_shared>>
      tpu.wait_indirect_dma semaphore(%arg17 : memref<!tpu.dma_semaphore, #tpu.memory_space<semaphore_mem>>) src(%arg10 : memref<128xf32, #tpu.memory_space<vmem>>) dst(%dma_wait3A_215 : memref<10240xf32, #tpu.memory_space<vmem_shared>>)
      %dma_wait3A_216 = arith.constant 0 : i32
      %dma_wait3A_217 = arith.constant 0 : i32
      %dma_wait3A_218 = tpu.memref_slice %arg9[%dma_wait3A_216, %dma_wait3A_217] : memref<8x128xi32, #tpu.memory_space<vmem>> -> memref<1x128xi32, #tpu.memory_space<vmem>>
      %dma_wait3A_219 = tpu.memref_squeeze %dma_wait3A_218 : memref<1x128xi32, #tpu.memory_space<vmem>> -> memref<128xi32, #tpu.memory_space<vmem>>
      %dma_wait3A_220 = arith.constant 0 : i32
      %dma_wait3A_221 = tpu.memref_slice %arg12[%dma_wait3A_220] : memref<10240xf32, #tpu.memory_space<vmem_shared>> -> memref<10240xf32, #tpu.memory_space<vmem_shared>>
      tpu.wait_indirect_dma semaphore(%arg18 : memref<!tpu.dma_semaphore, #tpu.memory_space<semaphore_mem>>) src(%arg11 : memref<128xf32, #tpu.memory_space<vmem>>) dst(%dma_wait3A_221 : memref<10240xf32, #tpu.memory_space<vmem_shared>>)
      %mul3A_222 = arith.constant 8 : i32
      %mul3A_223 = arith.muli %min3A_195, %mul3A_222 : i32
      %add3A_224 = arith.addi %mul3A_2, %mul3A_223 : i32
      %dma_start3A_225 = arith.constant 0 : i32
      %dma_start3A_226 = tpu.memref_slice %arg3[%add3A_224, %dma_start3A_225] : memref<2560x128xi32, #tpu.memory_space<hbm>> -> memref<8x128xi32, #tpu.memory_space<hbm>>
      %dma_start3A_227 = arith.constant 0 : i32
      %dma_start3A_228 = tpu.memref_slice %arg3[%add3A_224, %dma_start3A_227] : memref<2560x128xi32, #tpu.memory_space<hbm>> -> memref<8x128xi32, #tpu.memory_space<hbm>>
      tpu.enqueue_dma source(%dma_start3A_228 : memref<8x128xi32, #tpu.memory_space<hbm>>) target(%arg7 : memref<8x128xi32, #tpu.memory_space<vmem>>) target_semaphore(%arg14 : memref<!tpu.dma_semaphore, #tpu.memory_space<semaphore_mem>>)
      %mul3A_229 = arith.constant 8 : i32
      %mul3A_230 = arith.muli %min3A_195, %mul3A_229 : i32
      %add3A_231 = arith.addi %mul3A_2, %mul3A_230 : i32
      %dma_start3A_232 = arith.constant 0 : i32
      %dma_start3A_233 = tpu.memref_slice %arg4[%add3A_231, %dma_start3A_232] : memref<2560x128xi32, #tpu.memory_space<hbm>> -> memref<8x128xi32, #tpu.memory_space<hbm>>
      %dma_start3A_234 = arith.constant 0 : i32
      %dma_start3A_235 = tpu.memref_slice %arg4[%add3A_231, %dma_start3A_234] : memref<2560x128xi32, #tpu.memory_space<hbm>> -> memref<8x128xi32, #tpu.memory_space<hbm>>
      tpu.enqueue_dma source(%dma_start3A_235 : memref<8x128xi32, #tpu.memory_space<hbm>>) target(%arg9 : memref<8x128xi32, #tpu.memory_space<vmem>>) target_semaphore(%arg14 : memref<!tpu.dma_semaphore, #tpu.memory_space<semaphore_mem>>)
    }
    %scan3A_121 = arith.constant 5 : i32
    %dma_wait3A_122 = arith.constant 0 : i32
    %dma_wait3A_123 = tpu.memref_slice %arg3[%mul3A_2, %dma_wait3A_122] : memref<2560x128xi32, #tpu.memory_space<hbm>> -> memref<8x128xi32, #tpu.memory_space<hbm>>
    %dma_wait3A_124 = arith.constant 0 : i32
    %dma_wait3A_125 = tpu.memref_slice %arg3[%mul3A_2, %dma_wait3A_124] : memref<2560x128xi32, #tpu.memory_space<hbm>> -> memref<8x128xi32, #tpu.memory_space<hbm>>
    tpu.wait_dma2 semaphore(%arg13 : memref<!tpu.dma_semaphore, #tpu.memory_space<semaphore_mem>>) src(%dma_wait3A_125 : memref<8x128xi32, #tpu.memory_space<hbm>>) dst(%arg6 : memref<8x128xi32, #tpu.memory_space<vmem>>)
    %dma_wait3A_126 = arith.constant 0 : i32
    %dma_wait3A_127 = tpu.memref_slice %arg4[%mul3A_2, %dma_wait3A_126] : memref<2560x128xi32, #tpu.memory_space<hbm>> -> memref<8x128xi32, #tpu.memory_space<hbm>>
    %dma_wait3A_128 = arith.constant 0 : i32
    %dma_wait3A_129 = tpu.memref_slice %arg4[%mul3A_2, %dma_wait3A_128] : memref<2560x128xi32, #tpu.memory_space<hbm>> -> memref<8x128xi32, #tpu.memory_space<hbm>>
    tpu.wait_dma2 semaphore(%arg13 : memref<!tpu.dma_semaphore, #tpu.memory_space<semaphore_mem>>) src(%dma_wait3A_129 : memref<8x128xi32, #tpu.memory_space<hbm>>) dst(%arg8 : memref<8x128xi32, #tpu.memory_space<vmem>>)
    %dma_wait3A_130 = arith.constant 0 : i32
    %dma_wait3A_131 = tpu.memref_slice %arg3[%mul3A_2, %dma_wait3A_130] : memref<2560x128xi32, #tpu.memory_space<hbm>> -> memref<8x128xi32, #tpu.memory_space<hbm>>
    %dma_wait3A_132 = arith.constant 0 : i32
    %dma_wait3A_133 = tpu.memref_slice %arg3[%mul3A_2, %dma_wait3A_132] : memref<2560x128xi32, #tpu.memory_space<hbm>> -> memref<8x128xi32, #tpu.memory_space<hbm>>
    tpu.wait_dma2 semaphore(%arg14 : memref<!tpu.dma_semaphore, #tpu.memory_space<semaphore_mem>>) src(%dma_wait3A_133 : memref<8x128xi32, #tpu.memory_space<hbm>>) dst(%arg7 : memref<8x128xi32, #tpu.memory_space<vmem>>)
    %dma_wait3A_134 = arith.constant 0 : i32
    %dma_wait3A_135 = tpu.memref_slice %arg4[%mul3A_2, %dma_wait3A_134] : memref<2560x128xi32, #tpu.memory_space<hbm>> -> memref<8x128xi32, #tpu.memory_space<hbm>>
    %dma_wait3A_136 = arith.constant 0 : i32
    %dma_wait3A_137 = tpu.memref_slice %arg4[%mul3A_2, %dma_wait3A_136] : memref<2560x128xi32, #tpu.memory_space<hbm>> -> memref<8x128xi32, #tpu.memory_space<hbm>>
    tpu.wait_dma2 semaphore(%arg14 : memref<!tpu.dma_semaphore, #tpu.memory_space<semaphore_mem>>) src(%dma_wait3A_137 : memref<8x128xi32, #tpu.memory_space<hbm>>) dst(%arg9 : memref<8x128xi32, #tpu.memory_space<vmem>>)
    %barrier3A_138 = arith.constant 0 : index
    tpu.barrier barrier_id(%barrier3A_138)
    %mul3A_139 = arith.constant 640 : i32
    %mul3A_140 = arith.muli %arg1, %mul3A_139 : i32
    %mul3A_141 = arith.constant 10240 : i32
    %mul3A_142 = arith.muli %arg0, %mul3A_141 : i32
    %mul3A_143 = arith.constant 640 : i32
    %mul3A_144 = arith.muli %arg1, %mul3A_143 : i32
    %add3A_145 = arith.addi %mul3A_142, %mul3A_144 : i32
    "tpu.region"() ({
      %run_scoped3A = tpu.sem_alloc : memref<!tpu.dma_semaphore, #tpu.memory_space<semaphore_mem>>
      %dma_start3A_146 = tpu.memref_slice %arg5[%add3A_145] : memref<20480xf32, #tpu.memory_space<hbm>> -> memref<640xf32, #tpu.memory_space<hbm>>
      %dma_start3A_147 = tpu.memref_slice %arg12[%mul3A_140] : memref<10240xf32, #tpu.memory_space<vmem_shared>> -> memref<640xf32, #tpu.memory_space<vmem_shared>>
      tpu.enqueue_dma source(%dma_start3A_147 : memref<640xf32, #tpu.memory_space<vmem_shared>>) target(%dma_start3A_146 : memref<640xf32, #tpu.memory_space<hbm>>) target_semaphore(%run_scoped3A : memref<!tpu.dma_semaphore, #tpu.memory_space<semaphore_mem>>)
      %dma_wait3A_148 = tpu.memref_slice %arg5[%add3A_145] : memref<20480xf32, #tpu.memory_space<hbm>> -> memref<640xf32, #tpu.memory_space<hbm>>
      %dma_wait3A_149 = tpu.memref_slice %arg12[%mul3A_140] : memref<10240xf32, #tpu.memory_space<vmem_shared>> -> memref<640xf32, #tpu.memory_space<vmem_shared>>
      tpu.wait_dma2 semaphore(%run_scoped3A : memref<!tpu.dma_semaphore, #tpu.memory_space<semaphore_mem>>) src(%dma_wait3A_149 : memref<640xf32, #tpu.memory_space<vmem_shared>>) dst(%dma_wait3A_148 : memref<640xf32, #tpu.memory_space<hbm>>)
      tpu.yield
    }) : () -> ()
    return
  }
}

#map = affine_map<(d0, d1) -> (0, 0)>
#map1 = affine_map<(d0, d1) -> (0)>
module attributes {stable_mosaic.version = 14 : i64} {
  func.func @sc_gcn_prop128(%arg0: i32, %arg1: i32, %arg2: memref<10000x128xf32, #tpu.memory_space<hbm>>, %arg3: memref<322560xi32, #tpu.memory_space<hbm>>, %arg4: memref<322560xi32, #tpu.memory_space<hbm>>, %arg5: memref<20480x128xf32, #tpu.memory_space<hbm>>, %arg6: memref<80xi32, #tpu.memory_space<vmem>>, %arg7: memref<80xi32, #tpu.memory_space<vmem>>, %arg8: memref<80xi32, #tpu.memory_space<vmem>>, %arg9: memref<80xi32, #tpu.memory_space<vmem>>, %arg10: memref<80x128xf32, #tpu.memory_space<vmem>>, %arg11: memref<80x128xf32, #tpu.memory_space<vmem>>, %arg12: memref<10240x128xf32, #tpu.memory_space<vmem_shared>>, %arg13: memref<!tpu.dma_semaphore, #tpu.memory_space<semaphore_mem>>, %arg14: memref<!tpu.dma_semaphore, #tpu.memory_space<semaphore_mem>>, %arg15: memref<!tpu.dma_semaphore, #tpu.memory_space<semaphore_mem>>, %arg16: memref<!tpu.dma_semaphore, #tpu.memory_space<semaphore_mem>>) attributes {dimension_semantics = [#tpu.dimension_semantics<core_parallel>, #tpu.dimension_semantics<subcore_parallel>], iteration_bounds = array<i64: 2, 16>, scalar_prefetch = 0 : i64, scratch_operands = 11 : i64, tpu.core_type = #tpu.core_type<sc_vector_subcore>, window_params = [{transform_indices = #map}, {transform_indices = #map1}, {transform_indices = #map1}, {transform_indices = #map}]} {
    %mul3A = arith.constant 16 : i32
    %mul3A_0 = arith.muli %arg0, %mul3A : i32
    %add3A = arith.addi %mul3A_0, %arg1 : i32
    %mul3A_1 = arith.constant 10080 : i32
    %mul3A_2 = arith.muli %add3A, %mul3A_1 : i32
    %scan3A = arith.constant 0 : i32
    %scan3A_3 = arith.constant 0 : i32
    %scan3A_4 = arith.constant 80 : i32
    %scan3A_5 = arith.addi %scan3A_3, %scan3A_4 : i32
    %scan3A_6 = arith.constant 1 : i32
    scf.for %scan3A_78 = %scan3A_3 to %scan3A_5 step %scan3A_6  : i32 {
      %broadcast_in_dim3A = arith.constant 0.000000e+00 : f32
      %broadcast_in_dim3A_79 = vector.broadcast %broadcast_in_dim3A : f32 to vector<16xf32>
      %swap3A = arith.index_cast %scan3A_78 : i32 to index
      %swap3A_80 = arith.constant 0 : index
      %swap3A_81 = tpu.vector_load %arg10[%swap3A, %swap3A_80] {strides = array<i32>} : memref<80x128xf32, #tpu.memory_space<vmem>>, vector<1x16xf32>,
      %swap3A_82 = vector.shape_cast %swap3A_81 : vector<1x16xf32> to vector<16xf32>
      %swap3A_83 = vector.shape_cast %broadcast_in_dim3A_79 : vector<16xf32> to vector<1x16xf32>
      tpu.vector_store %arg10[%swap3A, %swap3A_80], %swap3A_83 {strides = array<i32>} : memref<80x128xf32, #tpu.memory_space<vmem>>, vector<1x16xf32>,
      %broadcast_in_dim3A_84 = arith.constant 0.000000e+00 : f32
      %broadcast_in_dim3A_85 = vector.broadcast %broadcast_in_dim3A_84 : f32 to vector<16xf32>
      %swap3A_86 = arith.index_cast %scan3A_78 : i32 to index
      %swap3A_87 = arith.constant 16 : index
      %swap3A_88 = tpu.vector_load %arg10[%swap3A_86, %swap3A_87] {strides = array<i32>} : memref<80x128xf32, #tpu.memory_space<vmem>>, vector<1x16xf32>,
      %swap3A_89 = vector.shape_cast %swap3A_88 : vector<1x16xf32> to vector<16xf32>
      %swap3A_90 = vector.shape_cast %broadcast_in_dim3A_85 : vector<16xf32> to vector<1x16xf32>
      tpu.vector_store %arg10[%swap3A_86, %swap3A_87], %swap3A_90 {strides = array<i32>} : memref<80x128xf32, #tpu.memory_space<vmem>>, vector<1x16xf32>,
      %broadcast_in_dim3A_91 = arith.constant 0.000000e+00 : f32
      %broadcast_in_dim3A_92 = vector.broadcast %broadcast_in_dim3A_91 : f32 to vector<16xf32>
      %swap3A_93 = arith.index_cast %scan3A_78 : i32 to index
      %swap3A_94 = arith.constant 32 : index
      %swap3A_95 = tpu.vector_load %arg10[%swap3A_93, %swap3A_94] {strides = array<i32>} : memref<80x128xf32, #tpu.memory_space<vmem>>, vector<1x16xf32>,
      %swap3A_96 = vector.shape_cast %swap3A_95 : vector<1x16xf32> to vector<16xf32>
      %swap3A_97 = vector.shape_cast %broadcast_in_dim3A_92 : vector<16xf32> to vector<1x16xf32>
      tpu.vector_store %arg10[%swap3A_93, %swap3A_94], %swap3A_97 {strides = array<i32>} : memref<80x128xf32, #tpu.memory_space<vmem>>, vector<1x16xf32>,
      %broadcast_in_dim3A_98 = arith.constant 0.000000e+00 : f32
      %broadcast_in_dim3A_99 = vector.broadcast %broadcast_in_dim3A_98 : f32 to vector<16xf32>
      %swap3A_100 = arith.index_cast %scan3A_78 : i32 to index
      %swap3A_101 = arith.constant 48 : index
      %swap3A_102 = tpu.vector_load %arg10[%swap3A_100, %swap3A_101] {strides = array<i32>} : memref<80x128xf32, #tpu.memory_space<vmem>>, vector<1x16xf32>,
      %swap3A_103 = vector.shape_cast %swap3A_102 : vector<1x16xf32> to vector<16xf32>
      %swap3A_104 = vector.shape_cast %broadcast_in_dim3A_99 : vector<16xf32> to vector<1x16xf32>
      tpu.vector_store %arg10[%swap3A_100, %swap3A_101], %swap3A_104 {strides = array<i32>} : memref<80x128xf32, #tpu.memory_space<vmem>>, vector<1x16xf32>,
      %broadcast_in_dim3A_105 = arith.constant 0.000000e+00 : f32
      %broadcast_in_dim3A_106 = vector.broadcast %broadcast_in_dim3A_105 : f32 to vector<16xf32>
      %swap3A_107 = arith.index_cast %scan3A_78 : i32 to index
      %swap3A_108 = arith.constant 64 : index
      %swap3A_109 = tpu.vector_load %arg10[%swap3A_107, %swap3A_108] {strides = array<i32>} : memref<80x128xf32, #tpu.memory_space<vmem>>, vector<1x16xf32>,
      %swap3A_110 = vector.shape_cast %swap3A_109 : vector<1x16xf32> to vector<16xf32>
      %swap3A_111 = vector.shape_cast %broadcast_in_dim3A_106 : vector<16xf32> to vector<1x16xf32>
      tpu.vector_store %arg10[%swap3A_107, %swap3A_108], %swap3A_111 {strides = array<i32>} : memref<80x128xf32, #tpu.memory_space<vmem>>, vector<1x16xf32>,
      %broadcast_in_dim3A_112 = arith.constant 0.000000e+00 : f32
      %broadcast_in_dim3A_113 = vector.broadcast %broadcast_in_dim3A_112 : f32 to vector<16xf32>
      %swap3A_114 = arith.index_cast %scan3A_78 : i32 to index
      %swap3A_115 = arith.constant 80 : index
      %swap3A_116 = tpu.vector_load %arg10[%swap3A_114, %swap3A_115] {strides = array<i32>} : memref<80x128xf32, #tpu.memory_space<vmem>>, vector<1x16xf32>,
      %swap3A_117 = vector.shape_cast %swap3A_116 : vector<1x16xf32> to vector<16xf32>
      %swap3A_118 = vector.shape_cast %broadcast_in_dim3A_113 : vector<16xf32> to vector<1x16xf32>
      tpu.vector_store %arg10[%swap3A_114, %swap3A_115], %swap3A_118 {strides = array<i32>} : memref<80x128xf32, #tpu.memory_space<vmem>>, vector<1x16xf32>,
      %broadcast_in_dim3A_119 = arith.constant 0.000000e+00 : f32
      %broadcast_in_dim3A_120 = vector.broadcast %broadcast_in_dim3A_119 : f32 to vector<16xf32>
      %swap3A_121 = arith.index_cast %scan3A_78 : i32 to index
      %swap3A_122 = arith.constant 96 : index
      %swap3A_123 = tpu.vector_load %arg10[%swap3A_121, %swap3A_122] {strides = array<i32>} : memref<80x128xf32, #tpu.memory_space<vmem>>, vector<1x16xf32>,
      %swap3A_124 = vector.shape_cast %swap3A_123 : vector<1x16xf32> to vector<16xf32>
      %swap3A_125 = vector.shape_cast %broadcast_in_dim3A_120 : vector<16xf32> to vector<1x16xf32>
      tpu.vector_store %arg10[%swap3A_121, %swap3A_122], %swap3A_125 {strides = array<i32>} : memref<80x128xf32, #tpu.memory_space<vmem>>, vector<1x16xf32>,
      %broadcast_in_dim3A_126 = arith.constant 0.000000e+00 : f32
      %broadcast_in_dim3A_127 = vector.broadcast %broadcast_in_dim3A_126 : f32 to vector<16xf32>
      %swap3A_128 = arith.index_cast %scan3A_78 : i32 to index
      %swap3A_129 = arith.constant 112 : index
      %swap3A_130 = tpu.vector_load %arg10[%swap3A_128, %swap3A_129] {strides = array<i32>} : memref<80x128xf32, #tpu.memory_space<vmem>>, vector<1x16xf32>,
      %swap3A_131 = vector.shape_cast %swap3A_130 : vector<1x16xf32> to vector<16xf32>
      %swap3A_132 = vector.shape_cast %broadcast_in_dim3A_127 : vector<16xf32> to vector<1x16xf32>
      tpu.vector_store %arg10[%swap3A_128, %swap3A_129], %swap3A_132 {strides = array<i32>} : memref<80x128xf32, #tpu.memory_space<vmem>>, vector<1x16xf32>,
    }
    %scan3A_7 = arith.constant 80 : i32
    %mul3A_8 = arith.constant 640 : i32
    %mul3A_9 = arith.muli %arg1, %mul3A_8 : i32
    %add3A_10 = arith.constant 0 : i32
    %add3A_11 = arith.addi %mul3A_9, %add3A_10 : i32
    "tpu.region"() ({
      %run_scoped3A = tpu.sem_alloc : memref<!tpu.dma_semaphore, #tpu.memory_space<semaphore_mem>>
      %dma_start3A_78 = arith.constant 0 : i32
      %dma_start3A_79 = tpu.memref_slice %arg12[%add3A_11, %dma_start3A_78] : memref<10240x128xf32, #tpu.memory_space<vmem_shared>> -> memref<80x128xf32, #tpu.memory_space<vmem_shared>>
      %dma_start3A_80 = arith.constant 0 : i32
      %dma_start3A_81 = tpu.memref_slice %arg12[%add3A_11, %dma_start3A_80] : memref<10240x128xf32, #tpu.memory_space<vmem_shared>> -> memref<80x128xf32, #tpu.memory_space<vmem_shared>>
      tpu.enqueue_dma source(%arg10 : memref<80x128xf32, #tpu.memory_space<vmem>>) target(%dma_start3A_81 : memref<80x128xf32, #tpu.memory_space<vmem_shared>>) target_semaphore(%run_scoped3A : memref<!tpu.dma_semaphore, #tpu.memory_space<semaphore_mem>>)
      %dma_wait3A_82 = arith.constant 0 : i32
      %dma_wait3A_83 = tpu.memref_slice %arg12[%add3A_11, %dma_wait3A_82] : memref<10240x128xf32, #tpu.memory_space<vmem_shared>> -> memref<80x128xf32, #tpu.memory_space<vmem_shared>>
      %dma_wait3A_84 = arith.constant 0 : i32
      %dma_wait3A_85 = tpu.memref_slice %arg12[%add3A_11, %dma_wait3A_84] : memref<10240x128xf32, #tpu.memory_space<vmem_shared>> -> memref<80x128xf32, #tpu.memory_space<vmem_shared>>
      tpu.wait_dma2 semaphore(%run_scoped3A : memref<!tpu.dma_semaphore, #tpu.memory_space<semaphore_mem>>) src(%arg10 : memref<80x128xf32, #tpu.memory_space<vmem>>) dst(%dma_wait3A_85 : memref<80x128xf32, #tpu.memory_space<vmem_shared>>)
      tpu.yield
    }) : () -> ()
    %mul3A_12 = arith.constant 640 : i32
    %mul3A_13 = arith.muli %arg1, %mul3A_12 : i32
    %add3A_14 = arith.constant 80 : i32
    %add3A_15 = arith.addi %mul3A_13, %add3A_14 : i32
    "tpu.region"() ({
      %run_scoped3A = tpu.sem_alloc : memref<!tpu.dma_semaphore, #tpu.memory_space<semaphore_mem>>
      %dma_start3A_78 = arith.constant 0 : i32
      %dma_start3A_79 = tpu.memref_slice %arg12[%add3A_15, %dma_start3A_78] : memref<10240x128xf32, #tpu.memory_space<vmem_shared>> -> memref<80x128xf32, #tpu.memory_space<vmem_shared>>
      %dma_start3A_80 = arith.constant 0 : i32
      %dma_start3A_81 = tpu.memref_slice %arg12[%add3A_15, %dma_start3A_80] : memref<10240x128xf32, #tpu.memory_space<vmem_shared>> -> memref<80x128xf32, #tpu.memory_space<vmem_shared>>
      tpu.enqueue_dma source(%arg10 : memref<80x128xf32, #tpu.memory_space<vmem>>) target(%dma_start3A_81 : memref<80x128xf32, #tpu.memory_space<vmem_shared>>) target_semaphore(%run_scoped3A : memref<!tpu.dma_semaphore, #tpu.memory_space<semaphore_mem>>)
      %dma_wait3A_82 = arith.constant 0 : i32
      %dma_wait3A_83 = tpu.memref_slice %arg12[%add3A_15, %dma_wait3A_82] : memref<10240x128xf32, #tpu.memory_space<vmem_shared>> -> memref<80x128xf32, #tpu.memory_space<vmem_shared>>
      %dma_wait3A_84 = arith.constant 0 : i32
      %dma_wait3A_85 = tpu.memref_slice %arg12[%add3A_15, %dma_wait3A_84] : memref<10240x128xf32, #tpu.memory_space<vmem_shared>> -> memref<80x128xf32, #tpu.memory_space<vmem_shared>>
      tpu.wait_dma2 semaphore(%run_scoped3A : memref<!tpu.dma_semaphore, #tpu.memory_space<semaphore_mem>>) src(%arg10 : memref<80x128xf32, #tpu.memory_space<vmem>>) dst(%dma_wait3A_85 : memref<80x128xf32, #tpu.memory_space<vmem_shared>>)
      tpu.yield
    }) : () -> ()
    %mul3A_16 = arith.constant 640 : i32
    %mul3A_17 = arith.muli %arg1, %mul3A_16 : i32
    %add3A_18 = arith.constant 160 : i32
    %add3A_19 = arith.addi %mul3A_17, %add3A_18 : i32
    "tpu.region"() ({
      %run_scoped3A = tpu.sem_alloc : memref<!tpu.dma_semaphore, #tpu.memory_space<semaphore_mem>>
      %dma_start3A_78 = arith.constant 0 : i32
      %dma_start3A_79 = tpu.memref_slice %arg12[%add3A_19, %dma_start3A_78] : memref<10240x128xf32, #tpu.memory_space<vmem_shared>> -> memref<80x128xf32, #tpu.memory_space<vmem_shared>>
      %dma_start3A_80 = arith.constant 0 : i32
      %dma_start3A_81 = tpu.memref_slice %arg12[%add3A_19, %dma_start3A_80] : memref<10240x128xf32, #tpu.memory_space<vmem_shared>> -> memref<80x128xf32, #tpu.memory_space<vmem_shared>>
      tpu.enqueue_dma source(%arg10 : memref<80x128xf32, #tpu.memory_space<vmem>>) target(%dma_start3A_81 : memref<80x128xf32, #tpu.memory_space<vmem_shared>>) target_semaphore(%run_scoped3A : memref<!tpu.dma_semaphore, #tpu.memory_space<semaphore_mem>>)
      %dma_wait3A_82 = arith.constant 0 : i32
      %dma_wait3A_83 = tpu.memref_slice %arg12[%add3A_19, %dma_wait3A_82] : memref<10240x128xf32, #tpu.memory_space<vmem_shared>> -> memref<80x128xf32, #tpu.memory_space<vmem_shared>>
      %dma_wait3A_84 = arith.constant 0 : i32
      %dma_wait3A_85 = tpu.memref_slice %arg12[%add3A_19, %dma_wait3A_84] : memref<10240x128xf32, #tpu.memory_space<vmem_shared>> -> memref<80x128xf32, #tpu.memory_space<vmem_shared>>
      tpu.wait_dma2 semaphore(%run_scoped3A : memref<!tpu.dma_semaphore, #tpu.memory_space<semaphore_mem>>) src(%arg10 : memref<80x128xf32, #tpu.memory_space<vmem>>) dst(%dma_wait3A_85 : memref<80x128xf32, #tpu.memory_space<vmem_shared>>)
      tpu.yield
    }) : () -> ()
    %mul3A_20 = arith.constant 640 : i32
    %mul3A_21 = arith.muli %arg1, %mul3A_20 : i32
    %add3A_22 = arith.constant 240 : i32
    %add3A_23 = arith.addi %mul3A_21, %add3A_22 : i32
    "tpu.region"() ({
      %run_scoped3A = tpu.sem_alloc : memref<!tpu.dma_semaphore, #tpu.memory_space<semaphore_mem>>
      %dma_start3A_78 = arith.constant 0 : i32
      %dma_start3A_79 = tpu.memref_slice %arg12[%add3A_23, %dma_start3A_78] : memref<10240x128xf32, #tpu.memory_space<vmem_shared>> -> memref<80x128xf32, #tpu.memory_space<vmem_shared>>
      %dma_start3A_80 = arith.constant 0 : i32
      %dma_start3A_81 = tpu.memref_slice %arg12[%add3A_23, %dma_start3A_80] : memref<10240x128xf32, #tpu.memory_space<vmem_shared>> -> memref<80x128xf32, #tpu.memory_space<vmem_shared>>
      tpu.enqueue_dma source(%arg10 : memref<80x128xf32, #tpu.memory_space<vmem>>) target(%dma_start3A_81 : memref<80x128xf32, #tpu.memory_space<vmem_shared>>) target_semaphore(%run_scoped3A : memref<!tpu.dma_semaphore, #tpu.memory_space<semaphore_mem>>)
      %dma_wait3A_82 = arith.constant 0 : i32
      %dma_wait3A_83 = tpu.memref_slice %arg12[%add3A_23, %dma_wait3A_82] : memref<10240x128xf32, #tpu.memory_space<vmem_shared>> -> memref<80x128xf32, #tpu.memory_space<vmem_shared>>
      %dma_wait3A_84 = arith.constant 0 : i32
      %dma_wait3A_85 = tpu.memref_slice %arg12[%add3A_23, %dma_wait3A_84] : memref<10240x128xf32, #tpu.memory_space<vmem_shared>> -> memref<80x128xf32, #tpu.memory_space<vmem_shared>>
      tpu.wait_dma2 semaphore(%run_scoped3A : memref<!tpu.dma_semaphore, #tpu.memory_space<semaphore_mem>>) src(%arg10 : memref<80x128xf32, #tpu.memory_space<vmem>>) dst(%dma_wait3A_85 : memref<80x128xf32, #tpu.memory_space<vmem_shared>>)
      tpu.yield
    }) : () -> ()
    %mul3A_24 = arith.constant 640 : i32
    %mul3A_25 = arith.muli %arg1, %mul3A_24 : i32
    %add3A_26 = arith.constant 320 : i32
    %add3A_27 = arith.addi %mul3A_25, %add3A_26 : i32
    "tpu.region"() ({
      %run_scoped3A = tpu.sem_alloc : memref<!tpu.dma_semaphore, #tpu.memory_space<semaphore_mem>>
      %dma_start3A_78 = arith.constant 0 : i32
      %dma_start3A_79 = tpu.memref_slice %arg12[%add3A_27, %dma_start3A_78] : memref<10240x128xf32, #tpu.memory_space<vmem_shared>> -> memref<80x128xf32, #tpu.memory_space<vmem_shared>>
      %dma_start3A_80 = arith.constant 0 : i32
      %dma_start3A_81 = tpu.memref_slice %arg12[%add3A_27, %dma_start3A_80] : memref<10240x128xf32, #tpu.memory_space<vmem_shared>> -> memref<80x128xf32, #tpu.memory_space<vmem_shared>>
      tpu.enqueue_dma source(%arg10 : memref<80x128xf32, #tpu.memory_space<vmem>>) target(%dma_start3A_81 : memref<80x128xf32, #tpu.memory_space<vmem_shared>>) target_semaphore(%run_scoped3A : memref<!tpu.dma_semaphore, #tpu.memory_space<semaphore_mem>>)
      %dma_wait3A_82 = arith.constant 0 : i32
      %dma_wait3A_83 = tpu.memref_slice %arg12[%add3A_27, %dma_wait3A_82] : memref<10240x128xf32, #tpu.memory_space<vmem_shared>> -> memref<80x128xf32, #tpu.memory_space<vmem_shared>>
      %dma_wait3A_84 = arith.constant 0 : i32
      %dma_wait3A_85 = tpu.memref_slice %arg12[%add3A_27, %dma_wait3A_84] : memref<10240x128xf32, #tpu.memory_space<vmem_shared>> -> memref<80x128xf32, #tpu.memory_space<vmem_shared>>
      tpu.wait_dma2 semaphore(%run_scoped3A : memref<!tpu.dma_semaphore, #tpu.memory_space<semaphore_mem>>) src(%arg10 : memref<80x128xf32, #tpu.memory_space<vmem>>) dst(%dma_wait3A_85 : memref<80x128xf32, #tpu.memory_space<vmem_shared>>)
      tpu.yield
    }) : () -> ()
    %mul3A_28 = arith.constant 640 : i32
    %mul3A_29 = arith.muli %arg1, %mul3A_28 : i32
    %add3A_30 = arith.constant 400 : i32
    %add3A_31 = arith.addi %mul3A_29, %add3A_30 : i32
    "tpu.region"() ({
      %run_scoped3A = tpu.sem_alloc : memref<!tpu.dma_semaphore, #tpu.memory_space<semaphore_mem>>
      %dma_start3A_78 = arith.constant 0 : i32
      %dma_start3A_79 = tpu.memref_slice %arg12[%add3A_31, %dma_start3A_78] : memref<10240x128xf32, #tpu.memory_space<vmem_shared>> -> memref<80x128xf32, #tpu.memory_space<vmem_shared>>
      %dma_start3A_80 = arith.constant 0 : i32
      %dma_start3A_81 = tpu.memref_slice %arg12[%add3A_31, %dma_start3A_80] : memref<10240x128xf32, #tpu.memory_space<vmem_shared>> -> memref<80x128xf32, #tpu.memory_space<vmem_shared>>
      tpu.enqueue_dma source(%arg10 : memref<80x128xf32, #tpu.memory_space<vmem>>) target(%dma_start3A_81 : memref<80x128xf32, #tpu.memory_space<vmem_shared>>) target_semaphore(%run_scoped3A : memref<!tpu.dma_semaphore, #tpu.memory_space<semaphore_mem>>)
      %dma_wait3A_82 = arith.constant 0 : i32
      %dma_wait3A_83 = tpu.memref_slice %arg12[%add3A_31, %dma_wait3A_82] : memref<10240x128xf32, #tpu.memory_space<vmem_shared>> -> memref<80x128xf32, #tpu.memory_space<vmem_shared>>
      %dma_wait3A_84 = arith.constant 0 : i32
      %dma_wait3A_85 = tpu.memref_slice %arg12[%add3A_31, %dma_wait3A_84] : memref<10240x128xf32, #tpu.memory_space<vmem_shared>> -> memref<80x128xf32, #tpu.memory_space<vmem_shared>>
      tpu.wait_dma2 semaphore(%run_scoped3A : memref<!tpu.dma_semaphore, #tpu.memory_space<semaphore_mem>>) src(%arg10 : memref<80x128xf32, #tpu.memory_space<vmem>>) dst(%dma_wait3A_85 : memref<80x128xf32, #tpu.memory_space<vmem_shared>>)
      tpu.yield
    }) : () -> ()
    %mul3A_32 = arith.constant 640 : i32
    %mul3A_33 = arith.muli %arg1, %mul3A_32 : i32
    %add3A_34 = arith.constant 480 : i32
    %add3A_35 = arith.addi %mul3A_33, %add3A_34 : i32
    "tpu.region"() ({
      %run_scoped3A = tpu.sem_alloc : memref<!tpu.dma_semaphore, #tpu.memory_space<semaphore_mem>>
      %dma_start3A_78 = arith.constant 0 : i32
      %dma_start3A_79 = tpu.memref_slice %arg12[%add3A_35, %dma_start3A_78] : memref<10240x128xf32, #tpu.memory_space<vmem_shared>> -> memref<80x128xf32, #tpu.memory_space<vmem_shared>>
      %dma_start3A_80 = arith.constant 0 : i32
      %dma_start3A_81 = tpu.memref_slice %arg12[%add3A_35, %dma_start3A_80] : memref<10240x128xf32, #tpu.memory_space<vmem_shared>> -> memref<80x128xf32, #tpu.memory_space<vmem_shared>>
      tpu.enqueue_dma source(%arg10 : memref<80x128xf32, #tpu.memory_space<vmem>>) target(%dma_start3A_81 : memref<80x128xf32, #tpu.memory_space<vmem_shared>>) target_semaphore(%run_scoped3A : memref<!tpu.dma_semaphore, #tpu.memory_space<semaphore_mem>>)
      %dma_wait3A_82 = arith.constant 0 : i32
      %dma_wait3A_83 = tpu.memref_slice %arg12[%add3A_35, %dma_wait3A_82] : memref<10240x128xf32, #tpu.memory_space<vmem_shared>> -> memref<80x128xf32, #tpu.memory_space<vmem_shared>>
      %dma_wait3A_84 = arith.constant 0 : i32
      %dma_wait3A_85 = tpu.memref_slice %arg12[%add3A_35, %dma_wait3A_84] : memref<10240x128xf32, #tpu.memory_space<vmem_shared>> -> memref<80x128xf32, #tpu.memory_space<vmem_shared>>
      tpu.wait_dma2 semaphore(%run_scoped3A : memref<!tpu.dma_semaphore, #tpu.memory_space<semaphore_mem>>) src(%arg10 : memref<80x128xf32, #tpu.memory_space<vmem>>) dst(%dma_wait3A_85 : memref<80x128xf32, #tpu.memory_space<vmem_shared>>)
      tpu.yield
    }) : () -> ()
    %mul3A_36 = arith.constant 640 : i32
    %mul3A_37 = arith.muli %arg1, %mul3A_36 : i32
    %add3A_38 = arith.constant 560 : i32
    %add3A_39 = arith.addi %mul3A_37, %add3A_38 : i32
    "tpu.region"() ({
      %run_scoped3A = tpu.sem_alloc : memref<!tpu.dma_semaphore, #tpu.memory_space<semaphore_mem>>
      %dma_start3A_78 = arith.constant 0 : i32
      %dma_start3A_79 = tpu.memref_slice %arg12[%add3A_39, %dma_start3A_78] : memref<10240x128xf32, #tpu.memory_space<vmem_shared>> -> memref<80x128xf32, #tpu.memory_space<vmem_shared>>
      %dma_start3A_80 = arith.constant 0 : i32
      %dma_start3A_81 = tpu.memref_slice %arg12[%add3A_39, %dma_start3A_80] : memref<10240x128xf32, #tpu.memory_space<vmem_shared>> -> memref<80x128xf32, #tpu.memory_space<vmem_shared>>
      tpu.enqueue_dma source(%arg10 : memref<80x128xf32, #tpu.memory_space<vmem>>) target(%dma_start3A_81 : memref<80x128xf32, #tpu.memory_space<vmem_shared>>) target_semaphore(%run_scoped3A : memref<!tpu.dma_semaphore, #tpu.memory_space<semaphore_mem>>)
      %dma_wait3A_82 = arith.constant 0 : i32
      %dma_wait3A_83 = tpu.memref_slice %arg12[%add3A_39, %dma_wait3A_82] : memref<10240x128xf32, #tpu.memory_space<vmem_shared>> -> memref<80x128xf32, #tpu.memory_space<vmem_shared>>
      %dma_wait3A_84 = arith.constant 0 : i32
      %dma_wait3A_85 = tpu.memref_slice %arg12[%add3A_39, %dma_wait3A_84] : memref<10240x128xf32, #tpu.memory_space<vmem_shared>> -> memref<80x128xf32, #tpu.memory_space<vmem_shared>>
      tpu.wait_dma2 semaphore(%run_scoped3A : memref<!tpu.dma_semaphore, #tpu.memory_space<semaphore_mem>>) src(%arg10 : memref<80x128xf32, #tpu.memory_space<vmem>>) dst(%dma_wait3A_85 : memref<80x128xf32, #tpu.memory_space<vmem_shared>>)
      tpu.yield
    }) : () -> ()
    %barrier3A = arith.constant 0 : index
    tpu.barrier barrier_id(%barrier3A)
    %dma_start3A = tpu.memref_slice %arg3[%mul3A_2] : memref<322560xi32, #tpu.memory_space<hbm>> -> memref<80xi32, #tpu.memory_space<hbm>>
    %dma_start3A_40 = tpu.memref_slice %arg3[%mul3A_2] : memref<322560xi32, #tpu.memory_space<hbm>> -> memref<80xi32, #tpu.memory_space<hbm>>
    tpu.enqueue_dma source(%dma_start3A_40 : memref<80xi32, #tpu.memory_space<hbm>>) target(%arg6 : memref<80xi32, #tpu.memory_space<vmem>>) target_semaphore(%arg13 : memref<!tpu.dma_semaphore, #tpu.memory_space<semaphore_mem>>)
    %dma_start3A_41 = tpu.memref_slice %arg4[%mul3A_2] : memref<322560xi32, #tpu.memory_space<hbm>> -> memref<80xi32, #tpu.memory_space<hbm>>
    %dma_start3A_42 = tpu.memref_slice %arg4[%mul3A_2] : memref<322560xi32, #tpu.memory_space<hbm>> -> memref<80xi32, #tpu.memory_space<hbm>>
    tpu.enqueue_dma source(%dma_start3A_42 : memref<80xi32, #tpu.memory_space<hbm>>) target(%arg8 : memref<80xi32, #tpu.memory_space<vmem>>) target_semaphore(%arg13 : memref<!tpu.dma_semaphore, #tpu.memory_space<semaphore_mem>>)
    %add3A_43 = arith.constant 80 : i32
    %add3A_44 = arith.addi %mul3A_2, %add3A_43 : i32
    %dma_start3A_45 = tpu.memref_slice %arg3[%add3A_44] : memref<322560xi32, #tpu.memory_space<hbm>> -> memref<80xi32, #tpu.memory_space<hbm>>
    %dma_start3A_46 = tpu.memref_slice %arg3[%add3A_44] : memref<322560xi32, #tpu.memory_space<hbm>> -> memref<80xi32, #tpu.memory_space<hbm>>
    tpu.enqueue_dma source(%dma_start3A_46 : memref<80xi32, #tpu.memory_space<hbm>>) target(%arg7 : memref<80xi32, #tpu.memory_space<vmem>>) target_semaphore(%arg14 : memref<!tpu.dma_semaphore, #tpu.memory_space<semaphore_mem>>)
    %add3A_47 = arith.constant 80 : i32
    %add3A_48 = arith.addi %mul3A_2, %add3A_47 : i32
    %dma_start3A_49 = tpu.memref_slice %arg4[%add3A_48] : memref<322560xi32, #tpu.memory_space<hbm>> -> memref<80xi32, #tpu.memory_space<hbm>>
    %dma_start3A_50 = tpu.memref_slice %arg4[%add3A_48] : memref<322560xi32, #tpu.memory_space<hbm>> -> memref<80xi32, #tpu.memory_space<hbm>>
    tpu.enqueue_dma source(%dma_start3A_50 : memref<80xi32, #tpu.memory_space<hbm>>) target(%arg9 : memref<80xi32, #tpu.memory_space<vmem>>) target_semaphore(%arg14 : memref<!tpu.dma_semaphore, #tpu.memory_space<semaphore_mem>>)
    %dma_wait3A = tpu.memref_slice %arg3[%mul3A_2] : memref<322560xi32, #tpu.memory_space<hbm>> -> memref<80xi32, #tpu.memory_space<hbm>>
    %dma_wait3A_51 = tpu.memref_slice %arg3[%mul3A_2] : memref<322560xi32, #tpu.memory_space<hbm>> -> memref<80xi32, #tpu.memory_space<hbm>>
    tpu.wait_dma2 semaphore(%arg13 : memref<!tpu.dma_semaphore, #tpu.memory_space<semaphore_mem>>) src(%dma_wait3A_51 : memref<80xi32, #tpu.memory_space<hbm>>) dst(%arg6 : memref<80xi32, #tpu.memory_space<vmem>>)
    %dma_wait3A_52 = tpu.memref_slice %arg4[%mul3A_2] : memref<322560xi32, #tpu.memory_space<hbm>> -> memref<80xi32, #tpu.memory_space<hbm>>
    %dma_wait3A_53 = tpu.memref_slice %arg4[%mul3A_2] : memref<322560xi32, #tpu.memory_space<hbm>> -> memref<80xi32, #tpu.memory_space<hbm>>
    tpu.wait_dma2 semaphore(%arg13 : memref<!tpu.dma_semaphore, #tpu.memory_space<semaphore_mem>>) src(%dma_wait3A_53 : memref<80xi32, #tpu.memory_space<hbm>>) dst(%arg8 : memref<80xi32, #tpu.memory_space<vmem>>)
    %dma_start3A_54 = arith.constant 0 : i32
    %dma_start3A_55 = arith.constant 0 : i32
    %dma_start3A_56 = tpu.memref_slice %arg2[%dma_start3A_54, %dma_start3A_55] : memref<10000x128xf32, #tpu.memory_space<hbm>> -> memref<10000x128xf32, #tpu.memory_space<hbm>>
    tpu.enqueue_indirect_dma source(%dma_start3A_56 : memref<10000x128xf32, #tpu.memory_space<hbm>>) target(%arg10 : memref<80x128xf32, #tpu.memory_space<vmem>>) offsets(%arg6 : memref<80xi32, #tpu.memory_space<vmem>>) semaphore(%arg15 : memref<!tpu.dma_semaphore, #tpu.memory_space<semaphore_mem>>)
    %scan3A_57 = arith.constant 0 : i32
    %scan3A_58 = arith.constant 0 : i32
    %scan3A_59 = arith.constant 63 : i32
    %scan3A_60 = arith.addi %scan3A_58, %scan3A_59 : i32
    %scan3A_61 = arith.constant 1 : i32
    scf.for %scan3A_78 = %scan3A_58 to %scan3A_60 step %scan3A_61  : i32 {
      %mul3A_79 = arith.constant 2 : i32
      %mul3A_80 = arith.muli %scan3A_78, %mul3A_79 : i32
      %add3A_81 = arith.constant 2 : i32
      %add3A_82 = arith.addi %mul3A_80, %add3A_81 : i32
      %min3A = arith.constant 125 : i32
      %min3A_83 = arith.minsi %add3A_82, %min3A : i32
      %mul3A_84 = arith.constant 80 : i32
      %mul3A_85 = arith.muli %min3A_83, %mul3A_84 : i32
      %add3A_86 = arith.addi %mul3A_2, %mul3A_85 : i32
      %add3A_87 = arith.constant 3 : i32
      %add3A_88 = arith.addi %mul3A_80, %add3A_87 : i32
      %min3A_89 = arith.constant 125 : i32
      %min3A_90 = arith.minsi %add3A_88, %min3A_89 : i32
      %mul3A_91 = arith.constant 80 : i32
      %mul3A_92 = arith.muli %min3A_90, %mul3A_91 : i32
      %add3A_93 = arith.addi %mul3A_2, %mul3A_92 : i32
      %dma_wait3A_94 = tpu.memref_slice %arg3[%mul3A_2] : memref<322560xi32, #tpu.memory_space<hbm>> -> memref<80xi32, #tpu.memory_space<hbm>>
      %dma_wait3A_95 = tpu.memref_slice %arg3[%mul3A_2] : memref<322560xi32, #tpu.memory_space<hbm>> -> memref<80xi32, #tpu.memory_space<hbm>>
      tpu.wait_dma2 semaphore(%arg14 : memref<!tpu.dma_semaphore, #tpu.memory_space<semaphore_mem>>) src(%dma_wait3A_95 : memref<80xi32, #tpu.memory_space<hbm>>) dst(%arg7 : memref<80xi32, #tpu.memory_space<vmem>>)
      %dma_wait3A_96 = tpu.memref_slice %arg4[%mul3A_2] : memref<322560xi32, #tpu.memory_space<hbm>> -> memref<80xi32, #tpu.memory_space<hbm>>
      %dma_wait3A_97 = tpu.memref_slice %arg4[%mul3A_2] : memref<322560xi32, #tpu.memory_space<hbm>> -> memref<80xi32, #tpu.memory_space<hbm>>
      tpu.wait_dma2 semaphore(%arg14 : memref<!tpu.dma_semaphore, #tpu.memory_space<semaphore_mem>>) src(%dma_wait3A_97 : memref<80xi32, #tpu.memory_space<hbm>>) dst(%arg9 : memref<80xi32, #tpu.memory_space<vmem>>)
      %dma_start3A_98 = arith.constant 0 : i32
      %dma_start3A_99 = arith.constant 0 : i32
      %dma_start3A_100 = tpu.memref_slice %arg2[%dma_start3A_98, %dma_start3A_99] : memref<10000x128xf32, #tpu.memory_space<hbm>> -> memref<10000x128xf32, #tpu.memory_space<hbm>>
      tpu.enqueue_indirect_dma source(%dma_start3A_100 : memref<10000x128xf32, #tpu.memory_space<hbm>>) target(%arg11 : memref<80x128xf32, #tpu.memory_space<vmem>>) offsets(%arg7 : memref<80xi32, #tpu.memory_space<vmem>>) semaphore(%arg16 : memref<!tpu.dma_semaphore, #tpu.memory_space<semaphore_mem>>)
      %dma_wait3A_101 = arith.constant 0 : i32
      %dma_wait3A_102 = arith.constant 0 : i32
      %dma_wait3A_103 = tpu.memref_slice %arg2[%dma_wait3A_101, %dma_wait3A_102] : memref<10000x128xf32, #tpu.memory_space<hbm>> -> memref<10000x128xf32, #tpu.memory_space<hbm>>
      tpu.wait_indirect_dma semaphore(%arg15 : memref<!tpu.dma_semaphore, #tpu.memory_space<semaphore_mem>>) src(%dma_wait3A_103 : memref<10000x128xf32, #tpu.memory_space<hbm>>) dst(%arg10 : memref<80x128xf32, #tpu.memory_space<vmem>>)
      "tpu.region"() ({
        %run_scoped3A = tpu.sem_alloc : memref<!tpu.dma_semaphore, #tpu.memory_space<semaphore_mem>>
        %dma_start3A_122 = arith.constant 0 : i32
        %dma_start3A_123 = arith.constant 0 : i32
        %dma_start3A_124 = tpu.memref_slice %arg12[%dma_start3A_122, %dma_start3A_123] : memref<10240x128xf32, #tpu.memory_space<vmem_shared>> -> memref<10240x128xf32, #tpu.memory_space<vmem_shared>>
        tpu.enqueue_indirect_dma source(%arg10 : memref<80x128xf32, #tpu.memory_space<vmem>>) target(%dma_start3A_124 : memref<10240x128xf32, #tpu.memory_space<vmem_shared>>) offsets(%arg8 : memref<80xi32, #tpu.memory_space<vmem>>) semaphore(%run_scoped3A : memref<!tpu.dma_semaphore, #tpu.memory_space<semaphore_mem>>) {add = true}
        %dma_wait3A_125 = arith.constant 0 : i32
        %dma_wait3A_126 = arith.constant 0 : i32
        %dma_wait3A_127 = tpu.memref_slice %arg12[%dma_wait3A_125, %dma_wait3A_126] : memref<10240x128xf32, #tpu.memory_space<vmem_shared>> -> memref<10240x128xf32, #tpu.memory_space<vmem_shared>>
        tpu.wait_indirect_dma semaphore(%run_scoped3A : memref<!tpu.dma_semaphore, #tpu.memory_space<semaphore_mem>>) src(%arg10 : memref<80x128xf32, #tpu.memory_space<vmem>>) dst(%dma_wait3A_127 : memref<10240x128xf32, #tpu.memory_space<vmem_shared>>)
        tpu.yield
      }) : () -> ()
      %dma_start3A_104 = tpu.memref_slice %arg3[%add3A_86] : memref<322560xi32, #tpu.memory_space<hbm>> -> memref<80xi32, #tpu.memory_space<hbm>>
      %dma_start3A_105 = tpu.memref_slice %arg3[%add3A_86] : memref<322560xi32, #tpu.memory_space<hbm>> -> memref<80xi32, #tpu.memory_space<hbm>>
      tpu.enqueue_dma source(%dma_start3A_105 : memref<80xi32, #tpu.memory_space<hbm>>) target(%arg6 : memref<80xi32, #tpu.memory_space<vmem>>) target_semaphore(%arg13 : memref<!tpu.dma_semaphore, #tpu.memory_space<semaphore_mem>>)
      %dma_start3A_106 = tpu.memref_slice %arg4[%add3A_86] : memref<322560xi32, #tpu.memory_space<hbm>> -> memref<80xi32, #tpu.memory_space<hbm>>
      %dma_start3A_107 = tpu.memref_slice %arg4[%add3A_86] : memref<322560xi32, #tpu.memory_space<hbm>> -> memref<80xi32, #tpu.memory_space<hbm>>
      tpu.enqueue_dma source(%dma_start3A_107 : memref<80xi32, #tpu.memory_space<hbm>>) target(%arg8 : memref<80xi32, #tpu.memory_space<vmem>>) target_semaphore(%arg13 : memref<!tpu.dma_semaphore, #tpu.memory_space<semaphore_mem>>)
      %dma_wait3A_108 = tpu.memref_slice %arg3[%mul3A_2] : memref<322560xi32, #tpu.memory_space<hbm>> -> memref<80xi32, #tpu.memory_space<hbm>>
      %dma_wait3A_109 = tpu.memref_slice %arg3[%mul3A_2] : memref<322560xi32, #tpu.memory_space<hbm>> -> memref<80xi32, #tpu.memory_space<hbm>>
      tpu.wait_dma2 semaphore(%arg13 : memref<!tpu.dma_semaphore, #tpu.memory_space<semaphore_mem>>) src(%dma_wait3A_109 : memref<80xi32, #tpu.memory_space<hbm>>) dst(%arg6 : memref<80xi32, #tpu.memory_space<vmem>>)
      %dma_wait3A_110 = tpu.memref_slice %arg4[%mul3A_2] : memref<322560xi32, #tpu.memory_space<hbm>> -> memref<80xi32, #tpu.memory_space<hbm>>
      %dma_wait3A_111 = tpu.memref_slice %arg4[%mul3A_2] : memref<322560xi32, #tpu.memory_space<hbm>> -> memref<80xi32, #tpu.memory_space<hbm>>
      tpu.wait_dma2 semaphore(%arg13 : memref<!tpu.dma_semaphore, #tpu.memory_space<semaphore_mem>>) src(%dma_wait3A_111 : memref<80xi32, #tpu.memory_space<hbm>>) dst(%arg8 : memref<80xi32, #tpu.memory_space<vmem>>)
      %dma_start3A_112 = arith.constant 0 : i32
      %dma_start3A_113 = arith.constant 0 : i32
      %dma_start3A_114 = tpu.memref_slice %arg2[%dma_start3A_112, %dma_start3A_113] : memref<10000x128xf32, #tpu.memory_space<hbm>> -> memref<10000x128xf32, #tpu.memory_space<hbm>>
      tpu.enqueue_indirect_dma source(%dma_start3A_114 : memref<10000x128xf32, #tpu.memory_space<hbm>>) target(%arg10 : memref<80x128xf32, #tpu.memory_space<vmem>>) offsets(%arg6 : memref<80xi32, #tpu.memory_space<vmem>>) semaphore(%arg15 : memref<!tpu.dma_semaphore, #tpu.memory_space<semaphore_mem>>)
      %dma_wait3A_115 = arith.constant 0 : i32
      %dma_wait3A_116 = arith.constant 0 : i32
      %dma_wait3A_117 = tpu.memref_slice %arg2[%dma_wait3A_115, %dma_wait3A_116] : memref<10000x128xf32, #tpu.memory_space<hbm>> -> memref<10000x128xf32, #tpu.memory_space<hbm>>
      tpu.wait_indirect_dma semaphore(%arg16 : memref<!tpu.dma_semaphore, #tpu.memory_space<semaphore_mem>>) src(%dma_wait3A_117 : memref<10000x128xf32, #tpu.memory_space<hbm>>) dst(%arg11 : memref<80x128xf32, #tpu.memory_space<vmem>>)
      "tpu.region"() ({
        %run_scoped3A = tpu.sem_alloc : memref<!tpu.dma_semaphore, #tpu.memory_space<semaphore_mem>>
        %dma_start3A_122 = arith.constant 0 : i32
        %dma_start3A_123 = arith.constant 0 : i32
        %dma_start3A_124 = tpu.memref_slice %arg12[%dma_start3A_122, %dma_start3A_123] : memref<10240x128xf32, #tpu.memory_space<vmem_shared>> -> memref<10240x128xf32, #tpu.memory_space<vmem_shared>>
        tpu.enqueue_indirect_dma source(%arg11 : memref<80x128xf32, #tpu.memory_space<vmem>>) target(%dma_start3A_124 : memref<10240x128xf32, #tpu.memory_space<vmem_shared>>) offsets(%arg9 : memref<80xi32, #tpu.memory_space<vmem>>) semaphore(%run_scoped3A : memref<!tpu.dma_semaphore, #tpu.memory_space<semaphore_mem>>) {add = true}
        %dma_wait3A_125 = arith.constant 0 : i32
        %dma_wait3A_126 = arith.constant 0 : i32
        %dma_wait3A_127 = tpu.memref_slice %arg12[%dma_wait3A_125, %dma_wait3A_126] : memref<10240x128xf32, #tpu.memory_space<vmem_shared>> -> memref<10240x128xf32, #tpu.memory_space<vmem_shared>>
        tpu.wait_indirect_dma semaphore(%run_scoped3A : memref<!tpu.dma_semaphore, #tpu.memory_space<semaphore_mem>>) src(%arg11 : memref<80x128xf32, #tpu.memory_space<vmem>>) dst(%dma_wait3A_127 : memref<10240x128xf32, #tpu.memory_space<vmem_shared>>)
        tpu.yield
      }) : () -> ()
      %dma_start3A_118 = tpu.memref_slice %arg3[%add3A_93] : memref<322560xi32, #tpu.memory_space<hbm>> -> memref<80xi32, #tpu.memory_space<hbm>>
      %dma_start3A_119 = tpu.memref_slice %arg3[%add3A_93] : memref<322560xi32, #tpu.memory_space<hbm>> -> memref<80xi32, #tpu.memory_space<hbm>>
      tpu.enqueue_dma source(%dma_start3A_119 : memref<80xi32, #tpu.memory_space<hbm>>) target(%arg7 : memref<80xi32, #tpu.memory_space<vmem>>) target_semaphore(%arg14 : memref<!tpu.dma_semaphore, #tpu.memory_space<semaphore_mem>>)
      %dma_start3A_120 = tpu.memref_slice %arg4[%add3A_93] : memref<322560xi32, #tpu.memory_space<hbm>> -> memref<80xi32, #tpu.memory_space<hbm>>
      %dma_start3A_121 = tpu.memref_slice %arg4[%add3A_93] : memref<322560xi32, #tpu.memory_space<hbm>> -> memref<80xi32, #tpu.memory_space<hbm>>
      tpu.enqueue_dma source(%dma_start3A_121 : memref<80xi32, #tpu.memory_space<hbm>>) target(%arg9 : memref<80xi32, #tpu.memory_space<vmem>>) target_semaphore(%arg14 : memref<!tpu.dma_semaphore, #tpu.memory_space<semaphore_mem>>)
    }
    %scan3A_62 = arith.constant 63 : i32
    %dma_wait3A_63 = arith.constant 0 : i32
    %dma_wait3A_64 = arith.constant 0 : i32
    %dma_wait3A_65 = tpu.memref_slice %arg2[%dma_wait3A_63, %dma_wait3A_64] : memref<10000x128xf32, #tpu.memory_space<hbm>> -> memref<10000x128xf32, #tpu.memory_space<hbm>>
    tpu.wait_indirect_dma semaphore(%arg15 : memref<!tpu.dma_semaphore, #tpu.memory_space<semaphore_mem>>) src(%dma_wait3A_65 : memref<10000x128xf32, #tpu.memory_space<hbm>>) dst(%arg10 : memref<80x128xf32, #tpu.memory_space<vmem>>)
    %dma_wait3A_66 = tpu.memref_slice %arg3[%mul3A_2] : memref<322560xi32, #tpu.memory_space<hbm>> -> memref<80xi32, #tpu.memory_space<hbm>>
    %dma_wait3A_67 = tpu.memref_slice %arg3[%mul3A_2] : memref<322560xi32, #tpu.memory_space<hbm>> -> memref<80xi32, #tpu.memory_space<hbm>>
    tpu.wait_dma2 semaphore(%arg14 : memref<!tpu.dma_semaphore, #tpu.memory_space<semaphore_mem>>) src(%dma_wait3A_67 : memref<80xi32, #tpu.memory_space<hbm>>) dst(%arg7 : memref<80xi32, #tpu.memory_space<vmem>>)
    %dma_wait3A_68 = tpu.memref_slice %arg4[%mul3A_2] : memref<322560xi32, #tpu.memory_space<hbm>> -> memref<80xi32, #tpu.memory_space<hbm>>
    %dma_wait3A_69 = tpu.memref_slice %arg4[%mul3A_2] : memref<322560xi32, #tpu.memory_space<hbm>> -> memref<80xi32, #tpu.memory_space<hbm>>
    tpu.wait_dma2 semaphore(%arg14 : memref<!tpu.dma_semaphore, #tpu.memory_space<semaphore_mem>>) src(%dma_wait3A_69 : memref<80xi32, #tpu.memory_space<hbm>>) dst(%arg9 : memref<80xi32, #tpu.memory_space<vmem>>)
    %barrier3A_70 = arith.constant 0 : index
    tpu.barrier barrier_id(%barrier3A_70)
    %mul3A_71 = arith.constant 640 : i32
    %mul3A_72 = arith.muli %arg1, %mul3A_71 : i32
    %mul3A_73 = arith.constant 10240 : i32
    %mul3A_74 = arith.muli %arg0, %mul3A_73 : i32
    %mul3A_75 = arith.constant 640 : i32
    %mul3A_76 = arith.muli %arg1, %mul3A_75 : i32
    %add3A_77 = arith.addi %mul3A_74, %mul3A_76 : i32
    "tpu.region"() ({
      %run_scoped3A = tpu.sem_alloc : memref<!tpu.dma_semaphore, #tpu.memory_space<semaphore_mem>>
      %dma_start3A_78 = arith.constant 0 : i32
      %dma_start3A_79 = tpu.memref_slice %arg5[%add3A_77, %dma_start3A_78] : memref<20480x128xf32, #tpu.memory_space<hbm>> -> memref<640x128xf32, #tpu.memory_space<hbm>>
      %dma_start3A_80 = arith.constant 0 : i32
      %dma_start3A_81 = tpu.memref_slice %arg12[%mul3A_72, %dma_start3A_80] : memref<10240x128xf32, #tpu.memory_space<vmem_shared>> -> memref<640x128xf32, #tpu.memory_space<vmem_shared>>
      tpu.enqueue_dma source(%dma_start3A_81 : memref<640x128xf32, #tpu.memory_space<vmem_shared>>) target(%dma_start3A_79 : memref<640x128xf32, #tpu.memory_space<hbm>>) target_semaphore(%run_scoped3A : memref<!tpu.dma_semaphore, #tpu.memory_space<semaphore_mem>>)
      %dma_wait3A_82 = arith.constant 0 : i32
      %dma_wait3A_83 = tpu.memref_slice %arg5[%add3A_77, %dma_wait3A_82] : memref<20480x128xf32, #tpu.memory_space<hbm>> -> memref<640x128xf32, #tpu.memory_space<hbm>>
      %dma_wait3A_84 = arith.constant 0 : i32
      %dma_wait3A_85 = tpu.memref_slice %arg12[%mul3A_72, %dma_wait3A_84] : memref<10240x128xf32, #tpu.memory_space<vmem_shared>> -> memref<640x128xf32, #tpu.memory_space<vmem_shared>>
      tpu.wait_dma2 semaphore(%run_scoped3A : memref<!tpu.dma_semaphore, #tpu.memory_space<semaphore_mem>>) src(%dma_wait3A_85 : memref<640x128xf32, #tpu.memory_space<vmem_shared>>) dst(%dma_wait3A_83 : memref<640x128xf32, #tpu.memory_space<hbm>>)
      tpu.yield
    }) : () -> ()
    return
  }
}

module attributes {stable_mosaic.version = 14 : i64} {
  func.func @body(%arg0: memref<10000x128xf32, #tpu.memory_space<vmem>>, %arg1: memref<128x128xf32, #tpu.memory_space<vmem>>, %arg2: memref<20480x1xf32, #tpu.memory_space<vmem>>, %arg3: memref<10000x128xf32, #tpu.memory_space<vmem>>, %arg4: memref<10000x1xf32, #tpu.memory_space<vmem>>) attributes {dimension_semantics = [], scalar_prefetch = 0 : i64, scratch_operands = 0 : i64, tpu.core_type = #tpu.core_type<tc>} {
    %get3A = arith.constant 0 : index
    %get3A_0 = arith.constant 0 : index
    %get3A_1 = vector.load %arg2[%get3A, %get3A_0] : memref<20480x1xf32, #tpu.memory_space<vmem>>, vector<10000x1xf32>
    %get3A_2 = arith.constant 10240 : index
    %get3A_3 = arith.constant 0 : index
    %get3A_4 = vector.load %arg2[%get3A_2, %get3A_3] : memref<20480x1xf32, #tpu.memory_space<vmem>>, vector<10000x1xf32>
    %add3A = arith.addf %get3A_1, %get3A_4 : vector<10000x1xf32>
    %add3A_5 = arith.constant 1.000000e+00 : f32
    %add3A_6 = vector.broadcast %add3A_5 : f32 to vector<10000x1xf32>
    %add3A_7 = arith.addf %add3A, %add3A_6 : vector<10000x1xf32>
    %max3A = arith.constant 1.000000e+00 : f32
    %max3A_8 = vector.broadcast %max3A : f32 to vector<10000x1xf32>
    %max3A_9 = arith.maximumf %add3A_7, %max3A_8 : vector<10000x1xf32>
    %rsqrt3A = math.rsqrt %max3A_9 : vector<10000x1xf32>
    %get3A_10 = arith.constant 0 : index
    %get3A_11 = arith.constant 0 : index
    %get3A_12 = vector.load %arg0[%get3A_10, %get3A_11] : memref<10000x128xf32, #tpu.memory_space<vmem>>, vector<10000x128xf32>
    %get3A_13 = arith.constant 0 : index
    %get3A_14 = arith.constant 0 : index
    %get3A_15 = vector.load %arg1[%get3A_13, %get3A_14] : memref<128x128xf32, #tpu.memory_space<vmem>>, vector<128x128xf32>
    %dot_general3A = arith.constant dense<0.000000e+00> : vector<10000x128xf32>
    %dot_general3A_16 = tpu.matmul %get3A_12, %get3A_15, %dot_general3A {dimension_numbers = #tpu.dot_dimension_numbers<[1], [0], [0], [1], [0, 0, 1, 1], [], []>, transpose_lhs_hint = false} : vector<10000x128xf32>, vector<128x128xf32>, vector<10000x128xf32> -> vector<10000x128xf32>
    %mul3A = vector.broadcast %rsqrt3A : vector<10000x1xf32> to vector<10000x128xf32>
    %mul3A_17 = arith.mulf %dot_general3A_16, %mul3A : vector<10000x128xf32>
    %swap3A = arith.constant 0 : index
    %swap3A_18 = arith.constant 0 : index
    %swap3A_19 = vector.load %arg3[%swap3A, %swap3A_18] : memref<10000x128xf32, #tpu.memory_space<vmem>>, vector<10000x128xf32>
    tpu.vector_store %arg3[%swap3A, %swap3A_18], %mul3A_17 {strides = array<i32>} : memref<10000x128xf32, #tpu.memory_space<vmem>>, vector<10000x128xf32>,
    %swap3A_20 = arith.constant 0 : index
    %swap3A_21 = arith.constant 0 : index
    %swap3A_22 = vector.load %arg4[%swap3A_20, %swap3A_21] : memref<10000x1xf32, #tpu.memory_space<vmem>>, vector<10000x1xf32>
    tpu.vector_store %arg4[%swap3A_20, %swap3A_21], %rsqrt3A {strides = array<i32>} : memref<10000x1xf32, #tpu.memory_space<vmem>>, vector<10000x1xf32>,
    return
  }
}

module attributes {stable_mosaic.version = 14 : i64} {
  func.func @body(%arg0: memref<20480x128xf32, #tpu.memory_space<vmem>>, %arg1: memref<10000x128xf32, #tpu.memory_space<vmem>>, %arg2: memref<10000x1xf32, #tpu.memory_space<vmem>>, %arg3: memref<1x128xf32, #tpu.memory_space<vmem>>, %arg4: memref<128x1xf32, #tpu.memory_space<vmem>>, %arg5: memref<10000x1xf32, #tpu.memory_space<vmem>>) attributes {dimension_semantics = [], scalar_prefetch = 0 : i64, scratch_operands = 0 : i64, tpu.core_type = #tpu.core_type<tc>} {
    %get3A = arith.constant 0 : index
    %get3A_0 = arith.constant 0 : index
    %get3A_1 = vector.load %arg0[%get3A, %get3A_0] : memref<20480x128xf32, #tpu.memory_space<vmem>>, vector<10000x128xf32>
    %get3A_2 = arith.constant 10240 : index
    %get3A_3 = arith.constant 0 : index
    %get3A_4 = vector.load %arg0[%get3A_2, %get3A_3] : memref<20480x128xf32, #tpu.memory_space<vmem>>, vector<10000x128xf32>
    %add3A = arith.addf %get3A_1, %get3A_4 : vector<10000x128xf32>
    %get3A_5 = arith.constant 0 : index
    %get3A_6 = arith.constant 0 : index
    %get3A_7 = vector.load %arg1[%get3A_5, %get3A_6] : memref<10000x128xf32, #tpu.memory_space<vmem>>, vector<10000x128xf32>
    %add3A_8 = arith.addf %add3A, %get3A_7 : vector<10000x128xf32>
    %get3A_9 = arith.constant 0 : index
    %get3A_10 = arith.constant 0 : index
    %get3A_11 = vector.load %arg2[%get3A_9, %get3A_10] : memref<10000x1xf32, #tpu.memory_space<vmem>>, vector<10000x1xf32>
    %mul3A = vector.broadcast %get3A_11 : vector<10000x1xf32> to vector<10000x128xf32>
    %mul3A_12 = arith.mulf %mul3A, %add3A_8 : vector<10000x128xf32>
    %get3A_13 = arith.constant 0 : index
    %get3A_14 = arith.constant 0 : index
    %get3A_15 = vector.load %arg3[%get3A_13, %get3A_14] : memref<1x128xf32, #tpu.memory_space<vmem>>, vector<1x128xf32>
    %add3A_16 = vector.broadcast %get3A_15 : vector<1x128xf32> to vector<10000x128xf32>
    %add3A_17 = arith.addf %mul3A_12, %add3A_16 : vector<10000x128xf32>
    %max3A = arith.constant 0.000000e+00 : f32
    %max3A_18 = vector.broadcast %max3A : f32 to vector<10000x128xf32>
    %max3A_19 = arith.maximumf %add3A_17, %max3A_18 : vector<10000x128xf32>
    %get3A_20 = arith.constant 0 : index
    %get3A_21 = arith.constant 0 : index
    %get3A_22 = vector.load %arg4[%get3A_20, %get3A_21] : memref<128x1xf32, #tpu.memory_space<vmem>>, vector<128x1xf32>
    %dot_general3A = arith.constant dense<0.000000e+00> : vector<10000x1xf32>
    %dot_general3A_23 = tpu.matmul %max3A_19, %get3A_22, %dot_general3A {dimension_numbers = #tpu.dot_dimension_numbers<[1], [0], [0], [1], [0, 0, 1, 1], [], []>, transpose_lhs_hint = false} : vector<10000x128xf32>, vector<128x1xf32>, vector<10000x1xf32> -> vector<10000x1xf32>
    %get3A_24 = arith.constant 0 : index
    %get3A_25 = arith.constant 0 : index
    %get3A_26 = vector.load %arg2[%get3A_24, %get3A_25] : memref<10000x1xf32, #tpu.memory_space<vmem>>, vector<10000x1xf32>
    %mul3A_27 = arith.mulf %get3A_26, %dot_general3A_23 : vector<10000x1xf32>
    %swap3A = arith.constant 0 : index
    %swap3A_28 = arith.constant 0 : index
    %swap3A_29 = vector.load %arg5[%swap3A, %swap3A_28] : memref<10000x1xf32, #tpu.memory_space<vmem>>, vector<10000x1xf32>
    tpu.vector_store %arg5[%swap3A, %swap3A_28], %mul3A_27 {strides = array<i32>} : memref<10000x1xf32, #tpu.memory_space<vmem>>, vector<10000x1xf32>,
    return
  }
}

module attributes {stable_mosaic.version = 14 : i64} {
  func.func @body(%arg0: memref<20480x1xf32, #tpu.memory_space<vmem>>, %arg1: memref<10000x1xf32, #tpu.memory_space<vmem>>, %arg2: memref<10000x1xf32, #tpu.memory_space<vmem>>, %arg3: memref<1x1xf32, #tpu.memory_space<vmem>>, %arg4: memref<10000x1xf32, #tpu.memory_space<vmem>>) attributes {dimension_semantics = [], scalar_prefetch = 0 : i64, scratch_operands = 0 : i64, tpu.core_type = #tpu.core_type<tc>} {
    %get3A = arith.constant 0 : index
    %get3A_0 = arith.constant 0 : index
    %get3A_1 = vector.load %arg0[%get3A, %get3A_0] : memref<20480x1xf32, #tpu.memory_space<vmem>>, vector<10000x1xf32>
    %get3A_2 = arith.constant 10240 : index
    %get3A_3 = arith.constant 0 : index
    %get3A_4 = vector.load %arg0[%get3A_2, %get3A_3] : memref<20480x1xf32, #tpu.memory_space<vmem>>, vector<10000x1xf32>
    %add3A = arith.addf %get3A_1, %get3A_4 : vector<10000x1xf32>
    %get3A_5 = arith.constant 0 : index
    %get3A_6 = arith.constant 0 : index
    %get3A_7 = vector.load %arg1[%get3A_5, %get3A_6] : memref<10000x1xf32, #tpu.memory_space<vmem>>, vector<10000x1xf32>
    %add3A_8 = arith.addf %add3A, %get3A_7 : vector<10000x1xf32>
    %get3A_9 = arith.constant 0 : index
    %get3A_10 = arith.constant 0 : index
    %get3A_11 = vector.load %arg2[%get3A_9, %get3A_10] : memref<10000x1xf32, #tpu.memory_space<vmem>>, vector<10000x1xf32>
    %mul3A = arith.mulf %get3A_11, %add3A_8 : vector<10000x1xf32>
    %get3A_12 = arith.constant 0 : index
    %get3A_13 = arith.constant 0 : index
    %get3A_14 = vector.load %arg3[%get3A_12, %get3A_13] : memref<1x1xf32, #tpu.memory_space<vmem>>, vector<1x1xf32>
    %add3A_15 = vector.broadcast %get3A_14 : vector<1x1xf32> to vector<10000x1xf32>
    %add3A_16 = arith.addf %mul3A, %add3A_15 : vector<10000x1xf32>
    %neg3A = arith.constant 0.000000e+00 : f32
    %neg3A_17 = vector.broadcast %neg3A : f32 to vector<10000x1xf32>
    %neg3A_18 = arith.subf %neg3A_17, %add3A_16 : vector<10000x1xf32>
    %exp3A = math.exp %neg3A_18 : vector<10000x1xf32>
    %add3A_19 = arith.constant 1.000000e+00 : f32
    %add3A_20 = vector.broadcast %add3A_19 : f32 to vector<10000x1xf32>
    %add3A_21 = arith.addf %add3A_20, %exp3A : vector<10000x1xf32>
    %div3A = arith.constant 1.000000e+00 : f32
    %div3A_22 = vector.broadcast %div3A : f32 to vector<10000x1xf32>
    %div3A_23 = arith.divf %div3A_22, %add3A_21 : vector<10000x1xf32>
    %swap3A = arith.constant 0 : index
    %swap3A_24 = arith.constant 0 : index
    %swap3A_25 = vector.load %arg4[%swap3A, %swap3A_24] : memref<10000x1xf32, #tpu.memory_space<vmem>>, vector<10000x1xf32>
    tpu.vector_store %arg4[%swap3A, %swap3A_24], %div3A_23 {strides = array<i32>} : memref<10000x1xf32, #tpu.memory_space<vmem>>, vector<10000x1xf32>,
    return
  }
}

</mosaic_0001>

<sc_bundles>
// kernel: sc_gcn_degree.3.cloned.1.call-start
scs
__scs_entry_jumppad:
0x0: {  	(pc) =	sbr.rel $0x88, $3  }
0x1: {  	(tag) =	ssettag $0x0;
	lr =	simm.s32 $0x1  }
0x2: {  	[smem:$0x3F9B] =	sst lr;
	_ =	strace $0xD0000000  }
0x3: {  	_ = 	snop  }
0x4: {  	_ = 	snop  }
0x5: {  	_ = 	snop  }
0x6: {  	_ = 	snop  }
0x7: {  	_ = 	snop  }
__scs_overlays_trampoline_lowered:
0x8: {  	[smem:$0x3FAA] =	sst s0  }
0x9: {  	[smem:$0x3FAB] =	sst s1  }
0xa: {  	[smem:$0x3FAC] =	sst s2  }
0xb: {  	[smem:$0x3FAD] =	sst s3  }
0xc: {  	[smem:$0x3FAE] =	sst s4  }
0xd: {  	[smem:$0x3FAF] =	sst s5  }
0xe: {  	[smem:$0x3FB0] =	sst s6  }
0xf: {  	[smem:$0x3FB1] =	sst s7  }
0x10: {  	[smem:$0x3FB2] =	sst s8  }
0x11: {  	[smem:$0x3FB3] =	sst s9;
	s0 =	simm.s32 @!p0 $0x0  }
0x12: {  	s1 =	sld [smem:$0x3F99];
	s0 =	simm.s32 @p0 $0x1  }
0x13: {  	[smem:$0x3FB4] =	sst s0;
	s0 =	simm.s32 @!p1 $0x0  }
0x14: {  	s2 =	sld [smem:$0x3F98];
	s0 =	simm.s32 @p1 $0x1  }
0x15: {  	[smem:$0x3FB5] =	sst s0;
	s0 =	simm.s32 @!p2 $0x0  }
0x16: {  	s3 =	sld [smem:$0x3FDB];
	s0 =	simm.s32 @p2 $0x1  }
0x17: {  	s4 =	simm.s32 $0x1BF5;
	[smem:$0x3FB7] =	sst s0  }
0x18: {  	s0 =	sld [smem:$0x3F9A];
	_ =	swait.ge [sflag:s4], $0x0  }
0x19: {  	s7 =	sld [smem:$0x3F9B]  }
0x1a: {  	s8 =	sadd.s32 $0xFFFFE003, lr  }
0x1b: {  	s9 =	sadd.s32 $0xFFFFFEF7, lr;
	s5 =	simm.s32 $0xFFFFFFFF;
	p2 =	slt.u32 s8, $0xFFFFF086  }
0x1c: {  	p1 =	slt.u32 s9, $0xF7A;
	s5 =	simm.s32 @!p2 $0x0  }
0x1d: {  	s5 =	simm.s32 @p1 $0x1;
	p0 =	seq.s32 s7, s2  }
0x1e: {  	s7 =	smul.u32 @!p0 $0xF7A, s2;
	p2 =	seq.s32 @!p0 s5, $0x0  }
0x1f: {  	s9 =	smul.u32 $0xF7A, s1;
	s8 =	simm.s32 @!p0 $0x1BF5;
	p2 =	por !p2, p0  }
0x20: {  	[sflag:s8] =	ssyncset.s32 @!p0 $0xFFFFF086;
	s6 =	sadd.s32 @!p0 s3, s7;
	s7 =	simm.s32 @!p0 $0x108  }
0x21: {  	s3 =	sadd.s32 s3, s9;
	s6 =	sadd.s32 @!p0 $0x88, s6;
	s7 =	simm.s32 @p2 $0x1082  }
0x22: {  	[simem:s7], [sflag:s8] =	dma.local @!p0 [hbm:s6], $0xF7A  }
0x23: {  	s9 =	sor.u32 $0xD0000000, s2;
	s6 =	simm.s32 $0x108;
	_ =	swait.ge @!p0 [sflag:s8], $0x0  }
0x24: {  	s3 =	sadd.s32 $0x88, s3;
	s6 =	simm.s32 @!p1 $0x1082;
	[sflag:s4] =	ssyncset.s32 $0xFFFFF086  }
0x25: {  	[simem:s6], [sflag:s4] =	dma.local [hbm:s3], $0xF7A  }
0x26: {  	[smem:$0x3F9B] =	sst s1;
	(tag) =	ssettag s2;
	_ =	strace s9  }
0x27: {  	s1 =	sld [smem:$0x3FAB]  }
0x28: {  	s2 =	sld [smem:$0x3FAC]  }
0x29: {  	s4 =	sld [smem:$0x3FAE]  }
0x2a: {  	p0 =	seq.s32 s5, $0x0;
	s5 =	sld [smem:$0x3FAF]  }
0x2b: {  	s6 =	sld [smem:$0x3FB0]  }
0x2c: {  	s7 =	sld [smem:$0x3FB1]  }
0x2d: {  	s3 =	simm.s32 $0x108;
	s8 =	sld [smem:$0x3FB2]  }
0x2e: {  	s3 =	simm.s32 @!p0 $0x1082;
	s9 =	sld [smem:$0x3FB3]  }
0x2f: {  	lr =	sadd.s32 s0, s3;
	s0 =	sld [smem:$0x3FAA]  }
0x30: {  	s3 =	sld [smem:$0x3FAD]  }
0x31: {  	[smem:$0x3FB6] =	sst s10  }
0x32: {  	s10 =	sld [smem:$0x3FB4];
	_ =	sdelay $0x3  }
0x33: {  	p0 =	seq.s32 s10, $0x1;
	s10 =	sld [smem:$0x3FB6];
	_ =	sdelay $0x3  }
0x34: {  	[smem:$0x3FB6] =	sst s10  }
0x35: {  	s10 =	sld [smem:$0x3FB5];
	_ =	sdelay $0x3  }
0x36: {  	p1 =	seq.s32 s10, $0x1;
	s10 =	sld [smem:$0x3FB6];
	_ =	sdelay $0x3  }
0x37: {  	[smem:$0x3FB6] =	sst s10  }
0x38: {  	s10 =	sld [smem:$0x3FB7]  }
0x39: {  	_ = 	snop;
	(pc) =	sbr.ind lr, $3  }
0x3a: {  	_ = 	snop  }
0x3b: {  	_ = 	snop  }
0x3c: {  	p2 =	seq.s32 s10, $0x1;
	s10 =	sld [smem:$0x3FB6]  }
0x3d: {  	_ =	shalt  }
0x3e: {  	_ =	shalt  }
0x3f: {  	_ =	shalt  }
0x40: {  	_ =	shalt  }
0x41: {  	_ =	shalt  }
0x42: {  	_ =	shalt  }
0x43: {  	_ =	shalt  }
0x44: {  	_ =	shalt  }
0x45: {  	_ =	shalt  }
0x46: {  	_ =	shalt  }
0x47: {  	_ =	shalt  }
0x48: {  	_ =	shalt  }
0x49: {  	_ =	shalt  }
0x4a: {  	_ =	shalt  }
0x4b: {  	_ =	shalt  }
0x4c: {  	_ =	shalt  }
0x4d: {  	_ =	shalt  }
0x4e: {  	_ =	shalt  }
0x4f: {  	_ =	shalt  }
0x50: {  	_ =	shalt  }
0x51: {  	_ =	shalt  }
0x52: {  	_ =	shalt  }
0x53: {  	_ =	shalt  }
0x54: {  	_ =	shalt  }
0x55: {  	_ =	shalt  }
0x56: {  	_ =	shalt  }
0x57: {  	_ =	shalt  }
0x58: {  	_ =	shalt  }
0x59: {  	_ =	shalt  }
0x5a: {  	_ =	shalt  }
0x5b: {  	_ =	shalt  }
0x5c: {  	_ =	shalt  }
0x5d: {  	_ =	shalt  }
0x5e: {  	_ =	shalt  }
0x5f: {  	_ =	shalt  }
0x60: {  	_ =	shalt  }
0x61: {  	_ =	shalt  }
0x62: {  	_ =	shalt  }
0x63: {  	_ =	shalt  }
0x64: {  	_ =	shalt  }
0x65: {  	_ =	shalt  }
0x66: {  	_ =	shalt  }
0x67: {  	_ =	shalt  }
0x68: {  	_ =	shalt  }
0x69: {  	_ =	shalt  }
0x6a: {  	_ =	shalt  }
0x6b: {  	_ =	shalt  }
0x6c: {  	_ =	shalt  }
0x6d: {  	_ =	shalt  }
0x6e: {  	_ =	shalt  }
0x6f: {  	_ =	shalt  }
0x70: {  	_ =	shalt  }
0x71: {  	_ =	shalt  }
0x72: {  	_ =	shalt  }
0x73: {  	_ =	shalt  }
0x74: {  	_ =	shalt  }
0x75: {  	_ =	shalt  }
0x76: {  	_ =	shalt  }
0x77: {  	_ =	shalt  }
0x78: {  	_ =	shalt  }
0x79: {  	_ =	shalt  }
0x7a: {  	_ =	shalt  }
0x7b: {  	_ =	shalt  }
0x7c: {  	_ =	shalt  }
0x7d: {  	_ =	shalt  }
0x7e: {  	_ =	shalt  }
0x7f: {  	_ =	shalt  }
0x80: {  	_ =	shalt  }
0x81: {  	_ =	shalt  }
0x82: {  	_ =	shalt  }
0x83: {  	_ =	shalt  }
0x84: {  	_ =	shalt  }
0x85: {  	_ =	shalt  }
0x86: {  	_ =	shalt  }
0x87: {  	_ =	shalt  }
.Lfunc_end0:
.L_simem_size_0:
called_computation_lowered:
.L_overlay_start_0:
0x88: {  	s2 =	sld [smem:$0x3FD9]  }
0x89: {  	s3 =	sld [smem:$0x3FFE];
	_ =	sdelay $0x1  }
0x8a: {  	s1 =	srdreg.scid  }
0x8b: {  	s0 =	sand.u32 $0x1, s1  }
0x8c: {  	s16 =	sshll.u32 s0, $0xA;
	s2 =	sadd.s32 s3, s2  }
0x8d: {  	s2 =	sadd.s32 s2, s16  }
0x8e: {  	[smem:$0x3FC2] =	sst s2  }
0x8f: {  	_ = 	snop  }
0x90: {  	(tm) =	ssettm $0x1  }
0x91: {  	s17 =	sld [smem:$0x3FFB];
	_ =	sdelay $0x3  }
0x92: {  	_ =	strace s17  }
0x93: {  	s2 =	sld [smem:$0x3FFC];
	_ =	sdelay $0x3  }
0x94: {  	_ =	strace s2  }
0x95: {  	s2 =	sld [smem:$0x3FFD];
	_ =	sdelay $0x3  }
0x96: {  	_ =	strace s2  }
0x97: {  	_ =	strace $0x8FFFFFFF  }
0x98: {  	s18 =	sld [smem:$0x3FDB];
	_ =	sdelay $0x1  }
0x99: {  	s19 =	simm.s32 $_scs_section_size  }
0x9a: {  	s4 =	simm.s32 $_size__tile_overlayer_lowered;
	s5 =	simm.s32 $_tile_overlayer_lowered  }
0x9b: {  	s22 =	simm.s32 $0x1BFF;
	s21 =	sshll.u32 s5, $0x1;
	s2 =	sadd.s32 s19, s18  }
0x9c: {  	s6 =	simm.s32 $0x0;
	s20 =	sshll.u32 s4, $0x1;
	s4 =	sadd.s32 s21, s2  }
0x9d: {  	[timem:s6], [sflag:s22] =	dma.local [hbm:s4], s20  }
0x9e: {  	_ =	swait.ge [sflag:s22], s20  }
0x9f: {  	s3 =	ssub.s32 $0x0, s20;
	[sflag:s22] =	ssyncset.done $0x0  }
0xa0: {  	[sflag:s22] =	ssyncadd.s32 s3;
	_ =	sdelay $0x1  }
0xa1: {  	s23 =	simm.s32 $0x1B8B  }
0xa2: {  	_ =	swait.ge [sflag:s23], $0x1  }
0xa3: {  	[sflag:s23] =	ssyncset.done $0x0  }
0xa4: {  	s25 =	simm.s32 $0x1B8E;
	s24 =	sld [smem:$0x3FFE];
	[sflag:s23] =	ssyncadd.s32 $0xFFFFFFFF  }
0xa5: {  	s26 =	simm.s32 $execute0_lowered;
	[smem:$0x3FD2] =	sst s25  }
0xa6: {  	s4 =	sshll.u32 s26, $0x1;
	_ =	strace $0x80000046;
	[dreg:$0x1] =	wrdreg $0xFFFFFFFF  }
0xa7: {  	s28 =	simm.s32 $_size_execute0_lowered;
	s2 =	sadd.s32 s2, s4;
	[dreg:$0x0] =	wrdreg $0x0  }
0xa8: {  	s4 =	sshll.u32 s28, $0x1;
	[dreg:$0x2] =	wrdreg s2  }
0xa9: {  	[dreg:$0x3] =	wrdreg s4  }
0xaa: {  	[dreg:$0x4] =	wrdreg $0xC0  }
0xab: {  	_ =	task [dreg:s6], $0x5FFFF  }
0xac: {  	[dreg:$0x1] =	wrdreg $0xFFFFFFFF  }
0xad: {  	[dreg:$0x0] =	wrdreg $0x60  }
0xae: {  	[dreg:$0x2] =	wrdreg s24  }
0xaf: {  	[dreg:$0x3] =	wrdreg $0x8800  }
0xb0: {  	[dreg:$0x4] =	wrdreg $0x9  }
0xb1: {  	_ =	task.clear_ibuf [dreg:s6], $0x5FFFF;
	_ =	strace $0x90000046  }
0xb2: {  	s29 =	simm.s32 $0x9;
	_ =	strace $0x80000048  }
0xb3: {  	_ =	swait.ge [sflag:s29], $0x1  }
0xb4: {  	[sflag:s29] =	ssyncadd.s32 $0xFFFFFFFF  }
0xb5: {  	_ =	strace $0x90000048  }
0xb6: {  	_ =	sfence  }
0xb7: {  	s30 =	sld [smem:$0x0];
	_ =	sdelay $0x2  }
0xb8: {  	s31 =	sshll.u32 s1, $0xD;
	s1 =	sshrl.u32 s1, $0x2  }
0xb9: {  	s3 =	sand.u32 $0x4000, s31;
	s1 =	sadd.s32 s1, s30  }
0xba: {  	s0 =	sor.u32 s3, s0;
	s1 =	sshll.u32 s1, $0x11  }
0xbb: {  	s0 =	sor.u32 s1, s0  }
0xbc: {  	s0 =	sadd.s32 $0x8F2B, s0  }
0xbd: {  	[sflag:s0] =	ssyncadd.remote.s32 $0x1  }
0xbe: {  	_ =	sfence.sel $0xFFFF  }
0xbf: {  	[dreg:$0x0] =	wrdreg $0xFFFFFFFF;
	(pc) =	sbr.abs _section_cstart, $3  }
0xc0: {  	[dreg:$0x1] =	wrdreg $0xFFFFFFFF  }
0xc1: {  	_ =	task.clear_ibuf [dreg:s6], $0x2FFFF;
	_ =	strace $0x9FFFFFFF  }
0xc2: {  	(tm) =	ssettm $0x7FFFFFFF  }
0xc3: {  	_ =	shalt  }
tec
execute0_lowered:
.L_overlay_start_1:
0x0: {  	(tag) =	ssettag $0x1  }
0x1: {  	s0 =	rddreg [dreg:$0x0]  }
0x2: {  	s2 =	rddreg [dreg:$0x1];
	s1 =	srdreg.scid  }
0x3: {  	s8 =	stileid.u32;
	s3 =	simm.s32 $0x0;
	s14 =	simm.s32 $0x800  }
0x4: {  	s15 =	simm.s32 $0x3;
	s16 =	simm.s32 $0x400;
	s17 =	simm.s32 $0x1  }
0x5: {  	s25 =	simm.s32 $0x100;
	s26 =	simm.s32 $0x180;
	s28 =	simm.s32 $0x580  }
0x6: {  	s29 =	simm.s32 $0x600;
	s30 =	simm.s32 $0x680;
	s31 =	simm.s32 $0x700  }
0x7: {  	s1 =	sand.u32 $0x1, s1;
	s5 =	smul.u32 $0x280, s8;
	[smem:$0x7FF] =	sst s3  }
0x8: {  	s4 =	sadd.s32 $0x1600, s0;
	s6 =	smul.u32 $0x2800, s1;
	_ =	strace $0x80000047  }
0x9: {  	s7 =	sshll.u32 s1, $0x4;
	s1 =	ssub.s32 $0x2, s1;
	[dreg:$0x5] =	wrdreg s25  }
0xa: {  	[dreg:$0x6] =	wrdreg s26;
	s25 =	simm.s32 $0x480;
	s26 =	simm.s32 $0x500  }
0xb: {  	s7 =	sor.u32 s8, s7;
	s18 =	sshrl.u32 s1, $0x1;
	s6 =	sadd.s32 s5, s6  }
0xc: {  	s8 =	smul.u32 $0x500, s7;
	s1 =	ssub.s32 s1, s18;
	s5 =	sadd.s32 s5, s2  }
0xd: {  	s19 =	smul.u32 $0xA, s7;
	s18 =	simm.s32 $0x80;
	s20 =	sadd.s32 $0x80, s5  }
0xe: {  	s6 =	sshrl.u32 s6, $0x3;
	s21 =	sadd.s32 $0x100, s5;
	[dreg:$0x7] =	wrdreg s20  }
0xf: {  	s22 =	sadd.s32 $0x180, s5;
	s23 =	sadd.s32 $0x200, s5;
	[dreg:$0x8] =	wrdreg s21  }
0x10: {  	s13 =	smax.u32 s1, $0x1;
	s1 =	simm.s32 $0x5;
	[dreg:$0x9] =	wrdreg s22  }
0x11: {  	s0 =	sadd.s32 s6, s0;
	[dreg:$0xa] =	wrdreg s23;
	s10 =	sadd.s32 s4, s8  }
0x12: {  	s24 =	sadd.s32 $0x2, s19;
	s6 =	sadd.s32 $0x3, s19;
	s19 =	simm.s32 $0x4  }
0x13: {  	s20 =	simm.s32 $0x200;
	s21 =	simm.s32 $0x280;
	s22 =	simm.s32 $0x300  }
0x14: {  	s23 =	simm.s32 $0x380;
	s8 =	sadd.s32 $0x80, s10;
	[dreg:$0x3] =	wrdreg s24  }
0x15: {  	[dreg:$0x4] =	wrdreg s6;
	s12 =	sadd.s32 $0x15600, s0;
	s24 =	simm.s32 $0x2  }
0x16: {  	v0 =	vimm.f32 $0.0e+00;
	v1 =	vimm.f32 $1.000000000e+00;
	s0 =	simm.s32 $0x780;
	s6 =	simm.s32 $0x0;
	[dreg:$0xb] =	wrdreg s8  }
.LBB2_1:
0x17: {  	[tilespmem:$0x800] =	vst v0  }
0x18: {  	[tilespmem:$0x810] =	vst v0  }
0x19: {  	[tilespmem:$0x820] =	vst v0  }
0x1a: {  	[tilespmem:$0x830] =	vst v0  }
0x1b: {  	[tilespmem:$0x840] =	vst v0  }
0x1c: {  	[tilespmem:$0x850] =	vst v0  }
0x1d: {  	[tilespmem:$0x860] =	vst v0  }
0x1e: {  	[tilespmem:$0x870] =	vst v0  }
0x1f: {  	[spmem:s5] =	stream.linear.scatter [tilespmem:s14], [sflag:$0x3], $0x80, $0x38;
	[tilespmem:$0xB00] =	vst v63  }
0x20: {  	s7 =	rddreg [dreg:$0x7]  }
0x21: {  	[spmem:s7] =	stream.linear.scatter [tilespmem:s14], [sflag:$0x3], $0x80, $0x38;
	[tilespmem:$0xB00] =	vst v63  }
0x22: {  	s9 =	rddreg [dreg:$0x8]  }
0x23: {  	[spmem:s9] =	stream.linear.scatter [tilespmem:s14], [sflag:$0x3], $0x80, $0x38;
	[tilespmem:$0xB00] =	vst v63  }
0x24: {  	s11 =	rddreg [dreg:$0x9]  }
0x25: {  	[spmem:s11] =	stream.linear.scatter [tilespmem:s14], [sflag:$0x3], $0x80, $0x38;
	[tilespmem:$0xB00] =	vst v63  }
0x26: {  	s8 =	rddreg [dreg:$0xa]  }
0x27: {  	[spmem:s8] =	stream.linear.scatter [tilespmem:s14], [sflag:$0x3], $0x80, $0x38;
	[tilespmem:$0xB00] =	vst v63  }
0x28: {  	_ =	swait.ge [sflag:s15], $0x80  }
0x29: {  	[sflag:s15] =	ssyncset.done $0x0  }
0x2a: {  	[sflag:s15] =	ssyncadd.s32 $0xFFFFFF80  }
0x2b: {  	_ =	swait.ge [sflag:s15], $0x80  }
0x2c: {  	[sflag:s15] =	ssyncset.done $0x0  }
0x2d: {  	[sflag:s15] =	ssyncadd.s32 $0xFFFFFF80  }
0x2e: {  	_ =	swait.ge [sflag:s15], $0x80  }
0x2f: {  	[sflag:s15] =	ssyncset.done $0x0  }
0x30: {  	[sflag:s15] =	ssyncadd.s32 $0xFFFFFF80  }
0x31: {  	_ =	swait.ge [sflag:s15], $0x80  }
0x32: {  	[sflag:s15] =	ssyncset.done $0x0  }
0x33: {  	[sflag:s15] =	ssyncadd.s32 $0xFFFFFF80  }
0x34: {  	_ =	swait.ge [sflag:s15], $0x80  }
0x35: {  	[sflag:s15] =	ssyncset.done $0x0  }
0x36: {  	[sflag:s15] =	ssyncadd.s32 $0xFFFFFF80  }
0x37: {  	[bflag:$0x0] =	sbarrier.arrive $0xFFFF  }
0x38: {  	[tilespmem:$0x800] =	vst v1  }
0x39: {  	[tilespmem:$0x810] =	vst v1  }
0x3a: {  	[tilespmem:$0x820] =	vst v1  }
0x3b: {  	[tilespmem:$0x830] =	vst v1  }
0x3c: {  	[tilespmem:$0x840] =	vst v1  }
0x3d: {  	[tilespmem:$0x850] =	vst v1  }
0x3e: {  	[tilespmem:$0x860] =	vst v1  }
0x3f: {  	[tilespmem:$0x870] =	vst v1  }
0x40: {  	[tilespmem:s3], [sflag:$0x1] =	stream.linear.gather [hbm4b:s10+s3], $0x400, $0x38;
	[tilespmem:$0xB00] =	vst v63  }
0x41: {  	s9 =	rddreg [dreg:$0xb]  }
0x42: {  	[tilespmem:s16], [sflag:$0x2] =	stream.linear.gather [hbm4b:s9+s3], $0x400, $0x38;
	[tilespmem:$0xB00] =	vst v63  }
0x43: {  	_ =	swait.ge [sflag:s17], $0x400  }
0x44: {  	[sflag:s17] =	ssyncset.done $0x0  }
0x45: {  	[sflag:s17] =	ssyncadd.s32 $0xFFFFFC00  }
0x46: {  	[spmem:s2] =	stream.indirect.scatter.add.f32 [tilespmem:s14], [sflag:$0x3], $0x1, s3, s18, $0xb8;
	[tilespmem:$0xB00] =	vst v63  }
0x47: {  	_ = 	snop  }
0x48: {  	[spmem:s2] =	stream.indirect.scatter.add.f32 [tilespmem:s14], [sflag:$0x4], $0x1, s18, s18, $0xb8;
	[tilespmem:$0xB00] =	vst v63  }
0x49: {  	_ =	swait.ge [sflag:s15], $0x80  }
0x4a: {  	[sflag:s15] =	ssyncset.done $0x0  }
0x4b: {  	[sflag:s15] =	ssyncadd.s32 $0xFFFFFF80  }
0x4c: {  	_ =	swait.ge [sflag:s19], $0x80  }
0x4d: {  	[sflag:s19] =	ssyncset.done $0x0  }
0x4e: {  	s11 =	rddreg [dreg:$0x5];
	[sflag:s19] =	ssyncadd.s32 $0xFFFFFF80  }
0x4f: {  	[spmem:s2] =	stream.indirect.scatter.add.f32 [tilespmem:s14], [sflag:$0x3], $0x1, s11, s18, $0xb8;
	[tilespmem:$0xB00] =	vst v63  }
0x50: {  	s8 =	rddreg [dreg:$0x6]  }
0x51: {  	[spmem:s2] =	stream.indirect.scatter.add.f32 [tilespmem:s14], [sflag:$0x4], $0x1, s8, s18, $0xb8;
	[tilespmem:$0xB00] =	vst v63  }
0x52: {  	_ =	swait.ge [sflag:s15], $0x80  }
0x53: {  	[sflag:s15] =	ssyncset.done $0x0  }
0x54: {  	[sflag:s15] =	ssyncadd.s32 $0xFFFFFF80  }
0x55: {  	_ =	swait.ge [sflag:s19], $0x80  }
0x56: {  	[sflag:s19] =	ssyncset.done $0x0  }
0x57: {  	[sflag:s19] =	ssyncadd.s32 $0xFFFFFF80  }
0x58: {  	[spmem:s2] =	stream.indirect.scatter.add.f32 [tilespmem:s14], [sflag:$0x3], $0x1, s20, s18, $0xb8;
	[tilespmem:$0xB00] =	vst v63  }
0x59: {  	_ = 	snop  }
0x5a: {  	[spmem:s2] =	stream.indirect.scatter.add.f32 [tilespmem:s14], [sflag:$0x4], $0x1, s21, s18, $0xb8;
	[tilespmem:$0xB00] =	vst v63  }
0x5b: {  	_ =	swait.ge [sflag:s15], $0x80  }
0x5c: {  	[sflag:s15] =	ssyncset.done $0x0  }
0x5d: {  	[sflag:s15] =	ssyncadd.s32 $0xFFFFFF80  }
0x5e: {  	_ =	swait.ge [sflag:s19], $0x80  }
0x5f: {  	[sflag:s19] =	ssyncset.done $0x0  }
0x60: {  	[sflag:s19] =	ssyncadd.s32 $0xFFFFFF80  }
0x61: {  	[spmem:s2] =	stream.indirect.scatter.add.f32 [tilespmem:s14], [sflag:$0x3], $0x1, s22, s18, $0xb8;
	[tilespmem:$0xB00] =	vst v63  }
0x62: {  	_ = 	snop  }
0x63: {  	[spmem:s2] =	stream.indirect.scatter.add.f32 [tilespmem:s14], [sflag:$0x4], $0x1, s23, s18, $0xb8;
	[tilespmem:$0xB00] =	vst v63  }
0x64: {  	_ =	swait.ge [sflag:s15], $0x80  }
0x65: {  	[sflag:s15] =	ssyncset.done $0x0  }
0x66: {  	[sflag:s15] =	ssyncadd.s32 $0xFFFFFF80  }
0x67: {  	_ =	swait.ge [sflag:s19], $0x80  }
0x68: {  	s11 =	smin.u32 s3, $0x7;
	s9 =	rddreg [dreg:$0x3]  }
0x69: {  	s7 =	sadd.s32 s11, s9  }
0x6a: {  	[sflag:s19] =	ssyncset.done $0x0;
	s7 =	sshll.u32 s7, $0x7  }
0x6b: {  	[sflag:s19] =	ssyncadd.s32 $0xFFFFFF80;
	s7 =	sadd.s32 s4, s7  }
0x6c: {  	[tilespmem:s3], [sflag:$0x1] =	stream.linear.gather [hbm4b:s7+s3], $0x400, $0x38;
	[tilespmem:$0xB00] =	vst v63  }
0x6d: {  	_ =	swait.ge [sflag:s24], $0x400  }
0x6e: {  	[sflag:s24] =	ssyncset.done $0x0  }
0x6f: {  	[sflag:s24] =	ssyncadd.s32 $0xFFFFFC00  }
0x70: {  	[spmem:s2] =	stream.indirect.scatter.add.f32 [tilespmem:s14], [sflag:$0x3], $0x1, s16, s18, $0xb8;
	[tilespmem:$0xB00] =	vst v63  }
0x71: {  	_ = 	snop  }
0x72: {  	[spmem:s2] =	stream.indirect.scatter.add.f32 [tilespmem:s14], [sflag:$0x4], $0x1, s25, s18, $0xb8;
	[tilespmem:$0xB00] =	vst v63  }
0x73: {  	_ =	swait.ge [sflag:s15], $0x80  }
0x74: {  	[sflag:s15] =	ssyncset.done $0x0  }
0x75: {  	[sflag:s15] =	ssyncadd.s32 $0xFFFFFF80  }
0x76: {  	_ =	swait.ge [sflag:s19], $0x80  }
0x77: {  	[sflag:s19] =	ssyncset.done $0x0  }
0x78: {  	[sflag:s19] =	ssyncadd.s32 $0xFFFFFF80  }
0x79: {  	[spmem:s2] =	stream.indirect.scatter.add.f32 [tilespmem:s14], [sflag:$0x3], $0x1, s26, s18, $0xb8;
	[tilespmem:$0xB00] =	vst v63  }
0x7a: {  	_ = 	snop  }
0x7b: {  	[spmem:s2] =	stream.indirect.scatter.add.f32 [tilespmem:s14], [sflag:$0x4], $0x1, s28, s18, $0xb8;
	[tilespmem:$0xB00] =	vst v63  }
0x7c: {  	_ =	swait.ge [sflag:s15], $0x80  }
0x7d: {  	[sflag:s15] =	ssyncset.done $0x0  }
0x7e: {  	[sflag:s15] =	ssyncadd.s32 $0xFFFFFF80  }
0x7f: {  	_ =	swait.ge [sflag:s19], $0x80  }
0x80: {  	[sflag:s19] =	ssyncset.done $0x0  }
0x81: {  	[sflag:s19] =	ssyncadd.s32 $0xFFFFFF80  }
0x82: {  	[spmem:s2] =	stream.indirect.scatter.add.f32 [tilespmem:s14], [sflag:$0x3], $0x1, s29, s18, $0xb8;
	[tilespmem:$0xB00] =	vst v63  }
0x83: {  	_ = 	snop  }
0x84: {  	[spmem:s2] =	stream.indirect.scatter.add.f32 [tilespmem:s14], [sflag:$0x4], $0x1, s30, s18, $0xb8;
	[tilespmem:$0xB00] =	vst v63  }
0x85: {  	_ =	swait.ge [sflag:s15], $0x80  }
0x86: {  	[sflag:s15] =	ssyncset.done $0x0  }
0x87: {  	[sflag:s15] =	ssyncadd.s32 $0xFFFFFF80  }
0x88: {  	_ =	swait.ge [sflag:s19], $0x80  }
0x89: {  	[sflag:s19] =	ssyncset.done $0x0  }
0x8a: {  	[sflag:s19] =	ssyncadd.s32 $0xFFFFFF80  }
0x8b: {  	[spmem:s2] =	stream.indirect.scatter.add.f32 [tilespmem:s14], [sflag:$0x3], $0x1, s31, s18, $0xb8;
	[tilespmem:$0xB00] =	vst v63  }
0x8c: {  	_ = 	snop  }
0x8d: {  	[spmem:s2] =	stream.indirect.scatter.add.f32 [tilespmem:s14], [sflag:$0x4], $0x1, s0, s18, $0xb8;
	[tilespmem:$0xB00] =	vst v63  }
0x8e: {  	_ =	swait.ge [sflag:s15], $0x80  }
0x8f: {  	[sflag:s15] =	ssyncset.done $0x0  }
0x90: {  	[sflag:s15] =	ssyncadd.s32 $0xFFFFFF80  }
0x91: {  	p0 =	por $0x1, $0x1;
	s8 =	simm.s32 $0x0;
	_ =	swait.ge [sflag:s19], $0x80  }
0x92: {  	s8 =	simm.s32 @!p0 $0x6;
	s9 =	rddreg [dreg:$0x4]  }
0x93: {  	s7 =	sadd.s32 s8, s9  }
0x94: {  	s7 =	sshll.u32 s7, $0x7  }
0x95: {  	[sflag:s19] =	ssyncset.done $0x0;
	s11 =	sand.u32 $0x1FFFFF80, s7  }
0x96: {  	[sflag:s19] =	ssyncadd.s32 $0xFFFFFF80;
	s7 =	simm.s32 $0x2;
	s8 =	sadd.s32 s4, s11  }
.LBB2_2:
0x97: {  	[tilespmem:s16], [sflag:$0x2] =	stream.linear.gather [hbm4b:s8+s3], $0x400, $0x38;
	[tilespmem:$0xB00] =	vst v63  }
0x98: {  	_ =	swait.ge [sflag:s17], $0x400  }
0x99: {  	[sflag:s17] =	ssyncset.done $0x0  }
0x9a: {  	[sflag:s17] =	ssyncadd.s32 $0xFFFFFC00  }
0x9b: {  	[spmem:s2] =	stream.indirect.scatter.add.f32 [tilespmem:s14], [sflag:$0x3], $0x1, s3, s18, $0xb8;
	[tilespmem:$0xB00] =	vst v63  }
0x9c: {  	_ = 	snop  }
0x9d: {  	[spmem:s2] =	stream.indirect.scatter.add.f32 [tilespmem:s14], [sflag:$0x4], $0x1, s18, s18, $0xb8;
	[tilespmem:$0xB00] =	vst v63  }
0x9e: {  	_ =	swait.ge [sflag:s15], $0x80  }
0x9f: {  	[sflag:s15] =	ssyncset.done $0x0  }
0xa0: {  	[sflag:s15] =	ssyncadd.s32 $0xFFFFFF80  }
0xa1: {  	_ =	swait.ge [sflag:s19], $0x80  }
0xa2: {  	[sflag:s19] =	ssyncset.done $0x0  }
0xa3: {  	s9 =	rddreg [dreg:$0x5];
	[sflag:s19] =	ssyncadd.s32 $0xFFFFFF80  }
0xa4: {  	[spmem:s2] =	stream.indirect.scatter.add.f32 [tilespmem:s14], [sflag:$0x3], $0x1, s9, s18, $0xb8;
	[tilespmem:$0xB00] =	vst v63  }
0xa5: {  	s11 =	rddreg [dreg:$0x6]  }
0xa6: {  	[spmem:s2] =	stream.indirect.scatter.add.f32 [tilespmem:s14], [sflag:$0x4], $0x1, s11, s18, $0xb8;
	[tilespmem:$0xB00] =	vst v63  }
0xa7: {  	_ =	swait.ge [sflag:s15], $0x80  }
0xa8: {  	[sflag:s15] =	ssyncset.done $0x0  }
0xa9: {  	[sflag:s15] =	ssyncadd.s32 $0xFFFFFF80  }
0xaa: {  	_ =	swait.ge [sflag:s19], $0x80  }
0xab: {  	[sflag:s19] =	ssyncset.done $0x0  }
0xac: {  	[sflag:s19] =	ssyncadd.s32 $0xFFFFFF80  }
0xad: {  	[spmem:s2] =	stream.indirect.scatter.add.f32 [tilespmem:s14], [sflag:$0x3], $0x1, s20, s18, $0xb8;
	[tilespmem:$0xB00] =	vst v63  }
0xae: {  	_ = 	snop  }
0xaf: {  	[spmem:s2] =	stream.indirect.scatter.add.f32 [tilespmem:s14], [sflag:$0x4], $0x1, s21, s18, $0xb8;
	[tilespmem:$0xB00] =	vst v63  }
0xb0: {  	_ =	swait.ge [sflag:s15], $0x80  }
0xb1: {  	[sflag:s15] =	ssyncset.done $0x0  }
0xb2: {  	[sflag:s15] =	ssyncadd.s32 $0xFFFFFF80  }
0xb3: {  	_ =	swait.ge [sflag:s19], $0x80  }
0xb4: {  	[sflag:s19] =	ssyncset.done $0x0  }
0xb5: {  	[sflag:s19] =	ssyncadd.s32 $0xFFFFFF80  }
0xb6: {  	[spmem:s2] =	stream.indirect.scatter.add.f32 [tilespmem:s14], [sflag:$0x3], $0x1, s22, s18, $0xb8;
	[tilespmem:$0xB00] =	vst v63  }
0xb7: {  	_ = 	snop  }
0xb8: {  	[spmem:s2] =	stream.indirect.scatter.add.f32 [tilespmem:s14], [sflag:$0x4], $0x1, s23, s18, $0xb8;
	[tilespmem:$0xB00] =	vst v63  }
0xb9: {  	_ =	swait.ge [sflag:s15], $0x80  }
0xba: {  	[sflag:s15] =	ssyncset.done $0x0  }
0xbb: {  	[sflag:s15] =	ssyncadd.s32 $0xFFFFFF80  }
0xbc: {  	s8 =	smov.u32 s7;
	_ =	swait.ge [sflag:s19], $0x80  }
0xbd: {  	s11 =	smin.u32 s8, $0x7;
	s9 =	rddreg [dreg:$0x3]  }
0xbe: {  	s9 =	sadd.s32 s11, s9  }
0xbf: {  	[sflag:s19] =	ssyncset.done $0x0;
	s9 =	sshll.u32 s9, $0x7  }
0xc0: {  	[sflag:s19] =	ssyncadd.s32 $0xFFFFFF80;
	s9 =	sadd.s32 s4, s9  }
0xc1: {  	[tilespmem:s3], [sflag:$0x1] =	stream.linear.gather [hbm4b:s9+s3], $0x400, $0x38;
	[tilespmem:$0xB00] =	vst v63  }
0xc2: {  	_ =	swait.ge [sflag:s24], $0x400  }
0xc3: {  	[sflag:s24] =	ssyncset.done $0x0  }
0xc4: {  	[sflag:s24] =	ssyncadd.s32 $0xFFFFFC00  }
0xc5: {  	[spmem:s2] =	stream.indirect.scatter.add.f32 [tilespmem:s14], [sflag:$0x3], $0x1, s16, s18, $0xb8;
	[tilespmem:$0xB00] =	vst v63  }
0xc6: {  	_ = 	snop  }
0xc7: {  	[spmem:s2] =	stream.indirect.scatter.add.f32 [tilespmem:s14], [sflag:$0x4], $0x1, s25, s18, $0xb8;
	[tilespmem:$0xB00] =	vst v63  }
0xc8: {  	_ =	swait.ge [sflag:s15], $0x80  }
0xc9: {  	[sflag:s15] =	ssyncset.done $0x0  }
0xca: {  	[sflag:s15] =	ssyncadd.s32 $0xFFFFFF80  }
0xcb: {  	_ =	swait.ge [sflag:s19], $0x80  }
0xcc: {  	[sflag:s19] =	ssyncset.done $0x0  }
0xcd: {  	[sflag:s19] =	ssyncadd.s32 $0xFFFFFF80  }
0xce: {  	[spmem:s2] =	stream.indirect.scatter.add.f32 [tilespmem:s14], [sflag:$0x3], $0x1, s26, s18, $0xb8;
	[tilespmem:$0xB00] =	vst v63  }
0xcf: {  	_ = 	snop  }
0xd0: {  	[spmem:s2] =	stream.indirect.scatter.add.f32 [tilespmem:s14], [sflag:$0x4], $0x1, s28, s18, $0xb8;
	[tilespmem:$0xB00] =	vst v63  }
0xd1: {  	_ =	swait.ge [sflag:s15], $0x80  }
0xd2: {  	[sflag:s15] =	ssyncset.done $0x0  }
0xd3: {  	[sflag:s15] =	ssyncadd.s32 $0xFFFFFF80  }
0xd4: {  	_ =	swait.ge [sflag:s19], $0x80  }
0xd5: {  	[sflag:s19] =	ssyncset.done $0x0  }
0xd6: {  	[sflag:s19] =	ssyncadd.s32 $0xFFFFFF80  }
0xd7: {  	[spmem:s2] =	stream.indirect.scatter.add.f32 [tilespmem:s14], [sflag:$0x3], $0x1, s29, s18, $0xb8;
	[tilespmem:$0xB00] =	vst v63  }
0xd8: {  	_ = 	snop  }
0xd9: {  	[spmem:s2] =	stream.indirect.scatter.add.f32 [tilespmem:s14], [sflag:$0x4], $0x1, s30, s18, $0xb8;
	[tilespmem:$0xB00] =	vst v63  }
0xda: {  	_ =	swait.ge [sflag:s15], $0x80  }
0xdb: {  	[sflag:s15] =	ssyncset.done $0x0  }
0xdc: {  	[sflag:s15] =	ssyncadd.s32 $0xFFFFFF80  }
0xdd: {  	_ =	swait.ge [sflag:s19], $0x80  }
0xde: {  	[sflag:s19] =	ssyncset.done $0x0  }
0xdf: {  	[sflag:s19] =	ssyncadd.s32 $0xFFFFFF80  }
0xe0: {  	[spmem:s2] =	stream.indirect.scatter.add.f32 [tilespmem:s14], [sflag:$0x3], $0x1, s31, s18, $0xb8;
	[tilespmem:$0xB00] =	vst v63  }
0xe1: {  	_ = 	snop  }
0xe2: {  	[spmem:s2] =	stream.indirect.scatter.add.f32 [tilespmem:s14], [sflag:$0x4], $0x1, s0, s18, $0xb8;
	[tilespmem:$0xB00] =	vst v63  }
0xe3: {  	_ =	swait.ge [sflag:s15], $0x80  }
0xe4: {  	[sflag:s15] =	ssyncset.done $0x0  }
0xe5: {  	[sflag:s15] =	ssyncadd.s32 $0xFFFFFF80  }
0xe6: {  	p0 =	sne.s32 s7, $0x8;
	p1 =	slt.s32 s8, $0x6;
	_ =	swait.ge [sflag:s19], $0x80  }
.Ltmp0:
0xe7: {  	s8 =	simm.s32 @!p1 $0x6;
	s11 =	rddreg [dreg:$0x4];
	(pc) =	sbr.rel @p0 .LBB2_2-.Ltmp0, $4  }
0xe8: {  	s8 =	sadd.s32 s8, s11  }
0xe9: {  	s8 =	sshll.u32 s8, $0x7  }
0xea: {  	[sflag:s19] =	ssyncset.done $0x0;
	s8 =	sand.u32 $0x1FFFFF80, s8  }
0xeb: {  	s7 =	sadd.s32 $0x2, s7;
	[sflag:s19] =	ssyncadd.s32 $0xFFFFFF80;
	s8 =	sadd.s32 s4, s8  }
0xec: {  	[tilespmem:s16], [sflag:$0x2] =	stream.linear.gather [hbm4b:s8+s3], $0x400, $0x38;
	[tilespmem:$0xB00] =	vst v63  }
0xed: {  	_ =	swait.ge [sflag:s17], $0x400  }
0xee: {  	[sflag:s17] =	ssyncset.done $0x0  }
0xef: {  	[sflag:s17] =	ssyncadd.s32 $0xFFFFFC00  }
0xf0: {  	s7 =	stileid.u32;
	_ =	swait.ge [sflag:s24], $0x400  }
0xf1: {  	s11 =	sshrl.u32 s5, $0x3;
	s6 =	sadd.s32 $0x1, s6;
	[sflag:s24] =	ssyncset.done $0x0  }
0xf2: {  	s7 =	sshll.u32 s7, $0x6;
	p0 =	sne.s32 s6, s13;
	[sflag:s24] =	ssyncadd.s32 $0xFFFFFC00  }
.Ltmp1:
0xf3: {  	s7 =	sor.u32 $0x1C05, s7;
	[bflag:$0x0] =	sbarrier.arrive $0xFFFF;
	(pc) =	sbr.rel @p0 .LBB2_1-.Ltmp1, $4  }
0xf4: {  	[hbm:s12], [sflag:s7] =	dma.local [spmem:s11], $0x50  }
0xf5: {  	_ =	swait.ge [sflag:s1], $0x50  }
0xf6: {  	[sflag:s1] =	ssyncset.done $0x0  }
0xf7: {  	[sflag:s1] =	ssyncadd.s32 $0xFFFFFFB0  }
0xf8: {  	_ =	sfence.sel $0x180000  }
0xf9: {  	[bflag:$0x0] =	sbarrier.arrive $0xFFFF  }
0xfa: {  	_ =	strace $0x90000047  }
0xfb: {  	s0 =	stileid.u32;
	[bflag:$0x2] =	sbarrier.arrive $0xFFFF  }
0xfc: {  	p0 =	sne.s32 s0, $0x0;
	s0 =	rddreg [dreg:$0x2]  }
0xfd: {  	s0 =	sadd.s32 @!p0 $0x100000, s0  }
0xfe: {  	[sflag:s0] =	ssyncadd.tile.s32 @!p0 $0x1;
	_ =	shalt  }
.Lfunc_end2:
_tile_overlayer_lowered:
.L_overlay_start_2:
0xff: {  	(tag) =	ssettag $0x2  }
0x100: {  	s0 =	rddreg [dreg:$0x0];
	s2 =	stileid.u32  }
0x101: {  	s1 =	rddreg [dreg:$0x1];
	p0 =	sne.s32 s2, $0x0  }
0x102: {  	s3 =	rddreg [dreg:$0x2];
	[bflag:$0x3] =	sbarrier.arrive $0xFFFF;
	s2 =	simm.s32 @!p0 $0x1C05  }
0x103: {  	[timem:s3], [sflag:s2] =	dma.local @!p0 [hbm:s0], s1  }
0x104: {  	s0 =	simm.s32 @!p0 $0x5  }
0x105: {  	_ =	swait.ge @!p0 [sflag:s0], s1  }
0x106: {  	s1 =	ssub.s32 @!p0 $0x0, s1;
	[sflag:s0] =	ssyncset.done @!p0 $0x0  }
0x107: {  	[sflag:s0] =	ssyncadd.s32 @!p0 s1  }
0x108: {  	[bflag:$0x3] =	sbarrier.arrive $0xFFFF  }
0x109: {  	_ =	shalt  }

// kernel: sc_gcn_prop1.3.cloned.1.call-start
scs
__scs_entry_jumppad:
0x0: {  	(pc) =	sbr.rel $0x88, $3  }
0x1: {  	(tag) =	ssettag $0x0;
	lr =	simm.s32 $0x1  }
0x2: {  	[smem:$0x3F9B] =	sst lr;
	_ =	strace $0xD0000000  }
0x3: {  	_ = 	snop  }
0x4: {  	_ = 	snop  }
0x5: {  	_ = 	snop  }
0x6: {  	_ = 	snop  }
0x7: {  	_ = 	snop  }
__scs_overlays_trampoline_lowered:
0x8: {  	[smem:$0x3FAA] =	sst s0  }
0x9: {  	[smem:$0x3FAB] =	sst s1  }
0xa: {  	[smem:$0x3FAC] =	sst s2  }
0xb: {  	[smem:$0x3FAD] =	sst s3  }
0xc: {  	[smem:$0x3FAE] =	sst s4  }
0xd: {  	[smem:$0x3FAF] =	sst s5  }
0xe: {  	[smem:$0x3FB0] =	sst s6  }
0xf: {  	[smem:$0x3FB1] =	sst s7  }
0x10: {  	[smem:$0x3FB2] =	sst s8  }
0x11: {  	[smem:$0x3FB3] =	sst s9;
	s0 =	simm.s32 @!p0 $0x0  }
0x12: {  	s1 =	sld [smem:$0x3F99];
	s0 =	simm.s32 @p0 $0x1  }
0x13: {  	[smem:$0x3FB4] =	sst s0;
	s0 =	simm.s32 @!p1 $0x0  }
0x14: {  	s2 =	sld [smem:$0x3F98];
	s0 =	simm.s32 @p1 $0x1  }
0x15: {  	[smem:$0x3FB5] =	sst s0;
	s0 =	simm.s32 @!p2 $0x0  }
0x16: {  	s3 =	sld [smem:$0x3FDB];
	s0 =	simm.s32 @p2 $0x1  }
0x17: {  	s4 =	simm.s32 $0x1BF5;
	[smem:$0x3FB7] =	sst s0  }
0x18: {  	s0 =	sld [smem:$0x3F9A];
	_ =	swait.ge [sflag:s4], $0x0  }
0x19: {  	s7 =	sld [smem:$0x3F9B]  }
0x1a: {  	s8 =	sadd.s32 $0xFFFFE003, lr  }
0x1b: {  	s9 =	sadd.s32 $0xFFFFFEF7, lr;
	s5 =	simm.s32 $0xFFFFFFFF;
	p2 =	slt.u32 s8, $0xFFFFF086  }
0x1c: {  	p1 =	slt.u32 s9, $0xF7A;
	s5 =	simm.s32 @!p2 $0x0  }
0x1d: {  	s5 =	simm.s32 @p1 $0x1;
	p0 =	seq.s32 s7, s2  }
0x1e: {  	s7 =	smul.u32 @!p0 $0xF7A, s2;
	p2 =	seq.s32 @!p0 s5, $0x0  }
0x1f: {  	s9 =	smul.u32 $0xF7A, s1;
	s8 =	simm.s32 @!p0 $0x1BF5;
	p2 =	por !p2, p0  }
0x20: {  	[sflag:s8] =	ssyncset.s32 @!p0 $0xFFFFF086;
	s6 =	sadd.s32 @!p0 s3, s7;
	s7 =	simm.s32 @!p0 $0x108  }
0x21: {  	s3 =	sadd.s32 s3, s9;
	s6 =	sadd.s32 @!p0 $0x88, s6;
	s7 =	simm.s32 @p2 $0x1082  }
0x22: {  	[simem:s7], [sflag:s8] =	dma.local @!p0 [hbm:s6], $0xF7A  }
0x23: {  	s9 =	sor.u32 $0xD0000000, s2;
	s6 =	simm.s32 $0x108;
	_ =	swait.ge @!p0 [sflag:s8], $0x0  }
0x24: {  	s3 =	sadd.s32 $0x88, s3;
	s6 =	simm.s32 @!p1 $0x1082;
	[sflag:s4] =	ssyncset.s32 $0xFFFFF086  }
0x25: {  	[simem:s6], [sflag:s4] =	dma.local [hbm:s3], $0xF7A  }
0x26: {  	[smem:$0x3F9B] =	sst s1;
	(tag) =	ssettag s2;
	_ =	strace s9  }
0x27: {  	s1 =	sld [smem:$0x3FAB]  }
0x28: {  	s2 =	sld [smem:$0x3FAC]  }
0x29: {  	s4 =	sld [smem:$0x3FAE]  }
0x2a: {  	p0 =	seq.s32 s5, $0x0;
	s5 =	sld [smem:$0x3FAF]  }
0x2b: {  	s6 =	sld [smem:$0x3FB0]  }
0x2c: {  	s7 =	sld [smem:$0x3FB1]  }
0x2d: {  	s3 =	simm.s32 $0x108;
	s8 =	sld [smem:$0x3FB2]  }
0x2e: {  	s3 =	simm.s32 @!p0 $0x1082;
	s9 =	sld [smem:$0x3FB3]  }
0x2f: {  	lr =	sadd.s32 s0, s3;
	s0 =	sld [smem:$0x3FAA]  }
0x30: {  	s3 =	sld [smem:$0x3FAD]  }
0x31: {  	[smem:$0x3FB6] =	sst s10  }
0x32: {  	s10 =	sld [smem:$0x3FB4];
	_ =	sdelay $0x3  }
0x33: {  	p0 =	seq.s32 s10, $0x1;
	s10 =	sld [smem:$0x3FB6];
	_ =	sdelay $0x3  }
0x34: {  	[smem:$0x3FB6] =	sst s10  }
0x35: {  	s10 =	sld [smem:$0x3FB5];
	_ =	sdelay $0x3  }
0x36: {  	p1 =	seq.s32 s10, $0x1;
	s10 =	sld [smem:$0x3FB6];
	_ =	sdelay $0x3  }
0x37: {  	[smem:$0x3FB6] =	sst s10  }
0x38: {  	s10 =	sld [smem:$0x3FB7]  }
0x39: {  	_ = 	snop;
	(pc) =	sbr.ind lr, $3  }
0x3a: {  	_ = 	snop  }
0x3b: {  	_ = 	snop  }
0x3c: {  	p2 =	seq.s32 s10, $0x1;
	s10 =	sld [smem:$0x3FB6]  }
0x3d: {  	_ =	shalt  }
0x3e: {  	_ =	shalt  }
0x3f: {  	_ =	shalt  }
0x40: {  	_ =	shalt  }
0x41: {  	_ =	shalt  }
0x42: {  	_ =	shalt  }
0x43: {  	_ =	shalt  }
0x44: {  	_ =	shalt  }
0x45: {  	_ =	shalt  }
0x46: {  	_ =	shalt  }
0x47: {  	_ =	shalt  }
0x48: {  	_ =	shalt  }
0x49: {  	_ =	shalt  }
0x4a: {  	_ =	shalt  }
0x4b: {  	_ =	shalt  }
0x4c: {  	_ =	shalt  }
0x4d: {  	_ =	shalt  }
0x4e: {  	_ =	shalt  }
0x4f: {  	_ =	shalt  }
0x50: {  	_ =	shalt  }
0x51: {  	_ =	shalt  }
0x52: {  	_ =	shalt  }
0x53: {  	_ =	shalt  }
0x54: {  	_ =	shalt  }
0x55: {  	_ =	shalt  }
0x56: {  	_ =	shalt  }
0x57: {  	_ =	shalt  }
0x58: {  	_ =	shalt  }
0x59: {  	_ =	shalt  }
0x5a: {  	_ =	shalt  }
0x5b: {  	_ =	shalt  }
0x5c: {  	_ =	shalt  }
0x5d: {  	_ =	shalt  }
0x5e: {  	_ =	shalt  }
0x5f: {  	_ =	shalt  }
0x60: {  	_ =	shalt  }
0x61: {  	_ =	shalt  }
0x62: {  	_ =	shalt  }
0x63: {  	_ =	shalt  }
0x64: {  	_ =	shalt  }
0x65: {  	_ =	shalt  }
0x66: {  	_ =	shalt  }
0x67: {  	_ =	shalt  }
0x68: {  	_ =	shalt  }
0x69: {  	_ =	shalt  }
0x6a: {  	_ =	shalt  }
0x6b: {  	_ =	shalt  }
0x6c: {  	_ =	shalt  }
0x6d: {  	_ =	shalt  }
0x6e: {  	_ =	shalt  }
0x6f: {  	_ =	shalt  }
0x70: {  	_ =	shalt  }
0x71: {  	_ =	shalt  }
0x72: {  	_ =	shalt  }
0x73: {  	_ =	shalt  }
0x74: {  	_ =	shalt  }
0x75: {  	_ =	shalt  }
0x76: {  	_ =	shalt  }
0x77: {  	_ =	shalt  }
0x78: {  	_ =	shalt  }
0x79: {  	_ =	shalt  }
0x7a: {  	_ =	shalt  }
0x7b: {  	_ =	shalt  }
0x7c: {  	_ =	shalt  }
0x7d: {  	_ =	shalt  }
0x7e: {  	_ =	shalt  }
0x7f: {  	_ =	shalt  }
0x80: {  	_ =	shalt  }
0x81: {  	_ =	shalt  }
0x82: {  	_ =	shalt  }
0x83: {  	_ =	shalt  }
0x84: {  	_ =	shalt  }
0x85: {  	_ =	shalt  }
0x86: {  	_ =	shalt  }
0x87: {  	_ =	shalt  }
.Lfunc_end0:
.L_simem_size_0:
called_computation.2_lowered:
.L_overlay_start_0:
0x88: {  	s2 =	sld [smem:$0x3FD9]  }
0x89: {  	s3 =	sld [smem:$0x3FFE];
	_ =	sdelay $0x1  }
0x8a: {  	s1 =	srdreg.scid  }
0x8b: {  	s0 =	sand.u32 $0x1, s1  }
0x8c: {  	s17 =	sshll.u32 s0, $0xA;
	s2 =	sadd.s32 s3, s2  }
0x8d: {  	s2 =	sadd.s32 s2, s17  }
0x8e: {  	[smem:$0x3FC2] =	sst s2  }
0x8f: {  	_ = 	snop  }
0x90: {  	s2 =	sld [smem:$0x3FD0];
	(tm) =	ssettm $0x1  }
0x91: {  	s18 =	sld [smem:$0x3FFB];
	_ =	sdelay $0x3  }
0x92: {  	_ =	strace s18  }
0x93: {  	s3 =	sld [smem:$0x3FFC];
	_ =	sdelay $0x3  }
0x94: {  	_ =	strace s3  }
0x95: {  	s3 =	sld [smem:$0x3FFD];
	_ =	sdelay $0x3  }
0x96: {  	_ =	strace s3  }
0x97: {  	_ =	strace $0x8FFFFFFF  }
0x98: {  	s19 =	sld [smem:$0x3FDB];
	_ =	sdelay $0x1  }
0x99: {  	s4 =	simm.s32 $_scs_section_size  }
0x9a: {  	s5 =	simm.s32 $_size__tile_overlayer_lowered;
	s6 =	simm.s32 $_tile_overlayer_lowered  }
0x9b: {  	s22 =	simm.s32 $0x1BFF;
	s21 =	sshll.u32 s6, $0x1;
	s3 =	sadd.s32 s4, s19  }
0x9c: {  	s7 =	simm.s32 $0x0;
	s20 =	sshll.u32 s5, $0x1;
	s5 =	sadd.s32 s21, s3  }
0x9d: {  	[timem:s7], [sflag:s22] =	dma.local [hbm:s5], s20  }
0x9e: {  	_ =	swait.ge [sflag:s22], s20  }
0x9f: {  	s4 =	ssub.s32 $0x0, s20;
	[sflag:s22] =	ssyncset.done $0x0  }
0xa0: {  	[sflag:s22] =	ssyncadd.s32 s4;
	_ =	sdelay $0x1  }
0xa1: {  	s23 =	simm.s32 $0x1B8B  }
0xa2: {  	_ =	swait.ge [sflag:s23], $0x1  }
0xa3: {  	[sflag:s23] =	ssyncset.done $0x0  }
0xa4: {  	s25 =	simm.s32 $0x1B8E;
	s24 =	sld [smem:$0x3FFE];
	[sflag:s23] =	ssyncadd.s32 $0xFFFFFFFF  }
0xa5: {  	s26 =	simm.s32 $execute0_lowered;
	[smem:$0x3FD2] =	sst s25  }
0xa6: {  	s5 =	sshll.u32 s26, $0x1;
	_ =	strace $0x8000004C;
	[dreg:$0x1] =	wrdreg $0xFFFFFFFF  }
0xa7: {  	s28 =	simm.s32 $_size_execute0_lowered;
	s3 =	sadd.s32 s3, s5;
	[dreg:$0x0] =	wrdreg $0x0  }
0xa8: {  	s5 =	sshll.u32 s28, $0x1;
	[dreg:$0x2] =	wrdreg s3  }
0xa9: {  	[dreg:$0x3] =	wrdreg s5  }
0xaa: {  	[dreg:$0x4] =	wrdreg $0xC0  }
0xab: {  	_ =	task [dreg:s7], $0x5FFFF  }
0xac: {  	[dreg:$0x1] =	wrdreg $0xFFFFFFFF  }
0xad: {  	[dreg:$0x0] =	wrdreg $0x60  }
0xae: {  	[dreg:$0x2] =	wrdreg s2  }
0xaf: {  	[dreg:$0x3] =	wrdreg s24  }
0xb0: {  	[dreg:$0x4] =	wrdreg $0x11000  }
0xb1: {  	[dreg:$0x5] =	wrdreg $0x9  }
0xb2: {  	_ =	task.clear_ibuf [dreg:s7], $0x6FFFF;
	_ =	strace $0x9000004C  }
0xb3: {  	s29 =	simm.s32 $0x9;
	_ =	strace $0x8000004E  }
0xb4: {  	_ =	swait.ge [sflag:s29], $0x1  }
0xb5: {  	[sflag:s29] =	ssyncadd.s32 $0xFFFFFFFF  }
0xb6: {  	_ =	strace $0x9000004E  }
0xb7: {  	_ =	sfence  }
0xb8: {  	s30 =	sld [smem:$0x0];
	_ =	sdelay $0x2  }
0xb9: {  	s31 =	sshll.u32 s1, $0xD;
	s1 =	sshrl.u32 s1, $0x2  }
0xba: {  	s3 =	sand.u32 $0x4000, s31;
	s1 =	sadd.s32 s1, s30  }
0xbb: {  	s0 =	sor.u32 s3, s0;
	s1 =	sshll.u32 s1, $0x11  }
0xbc: {  	s0 =	sor.u32 s1, s0  }
0xbd: {  	s0 =	sadd.s32 $0x8F2B, s0  }
0xbe: {  	[sflag:s0] =	ssyncadd.remote.s32 $0x1  }
0xbf: {  	_ =	sfence.sel $0xFFFF  }
0xc0: {  	[dreg:$0x0] =	wrdreg $0xFFFFFFFF;
	(pc) =	sbr.abs _section_cstart, $3  }
0xc1: {  	[dreg:$0x1] =	wrdreg $0xFFFFFFFF  }
0xc2: {  	_ =	task.clear_ibuf [dreg:s7], $0x2FFFF;
	_ =	strace $0x9FFFFFFF  }
0xc3: {  	(tm) =	ssettm $0x7FFFFFFF  }
tec
execute0_lowered:
.L_overlay_start_1:
0x0: {  	(tag) =	ssettag $0x1  }
0x1: {  	s1 =	rddreg [dreg:$0x0]  }
0x2: {  	s0 =	rddreg [dreg:$0x1]  }
0x3: {  	s2 =	srdreg.scid;
	s3 =	rddreg [dreg:$0x2];
	s4 =	simm.s32 $0x0  }
0x4: {  	s6 =	stileid.u32;
	s12 =	simm.s32 $0x880;
	[smem:$0x7FF] =	sst s4  }
0x5: {  	s13 =	simm.s32 $0x100;
	_ =	strace $0x8000004D;
	[dreg:$0x6] =	wrdreg s12  }
0x6: {  	s14 =	simm.s32 $0x180;
	s16 =	simm.s32 $0x900;
	[dreg:$0x7] =	wrdreg s13  }
0x7: {  	s17 =	simm.s32 $0x980;
	s18 =	simm.s32 $0x200;
	[dreg:$0x8] =	wrdreg s14  }
0x8: {  	s20 =	simm.s32 $0x280;
	s22 =	simm.s32 $0xA00;
	[dreg:$0x9] =	wrdreg s16  }
0x9: {  	s24 =	simm.s32 $0xA80;
	s25 =	simm.s32 $0x300;
	[dreg:$0xa] =	wrdreg s17  }
0xa: {  	s28 =	simm.s32 $0x4;
	s29 =	simm.s32 $0x6;
	[dreg:$0xb] =	wrdreg s18  }
0xb: {  	s30 =	simm.s32 $0x2;
	s31 =	simm.s32 $0x780;
	[dreg:$0xc] =	wrdreg s20  }
0xc: {  	s2 =	sand.u32 $0x1, s2;
	s7 =	smul.u32 $0x280, s6;
	[dreg:$0xd] =	wrdreg s22  }
0xd: {  	s5 =	sshll.u32 s2, $0x4;
	s10 =	smul.u32 $0x2800, s2;
	[dreg:$0xe] =	wrdreg s24  }
0xe: {  	s2 =	ssub.s32 $0x2, s2;
	[dreg:$0xf] =	wrdreg s25;
	s13 =	simm.s32 $0xB00  }
0xf: {  	s16 =	simm.s32 $0x480;
	s17 =	simm.s32 $0xC80;
	[dreg:$0x11] =	wrdreg s13  }
0x10: {  	s18 =	simm.s32 $0x500;
	s20 =	simm.s32 $0xD00;
	[dreg:$0x13] =	wrdreg s16  }
0x11: {  	s22 =	simm.s32 $0x600;
	s24 =	simm.s32 $0xE00;
	[dreg:$0x14] =	wrdreg s17  }
0x12: {  	s25 =	simm.s32 $0xE80;
	s8 =	sor.u32 s6, s5;
	[dreg:$0x15] =	wrdreg s18  }
0x13: {  	s5 =	sadd.s32 $0xB600, s0;
	s6 =	sadd.s32 $0x1600, s0;
	[dreg:$0x17] =	wrdreg s20  }
0x14: {  	s15 =	sshrl.u32 s2, $0x1;
	s18 =	simm.s32 $0x1000;
	[dreg:$0x19] =	wrdreg s22  }
0x15: {  	s20 =	simm.s32 $0x800;
	s22 =	simm.s32 $0xC00;
	[dreg:$0x1b] =	wrdreg s24  }
0x16: {  	[dreg:$0x1c] =	wrdreg s25;
	s24 =	simm.s32 $0x80;
	s25 =	simm.s32 $0x1080  }
0x17: {  	s9 =	smul.u32 $0xA, s8;
	s10 =	sadd.s32 s7, s10;
	s2 =	ssub.s32 s2, s15  }
0x18: {  	s7 =	sadd.s32 s7, s3;
	s8 =	smul.u32 $0x500, s8;
	s15 =	simm.s32 $0xB80  }
0x19: {  	s10 =	sshrl.u32 s10, $0x3;
	s19 =	sadd.s32 $0x80, s7;
	[dreg:$0x12] =	wrdreg s15  }
0x1a: {  	s21 =	sadd.s32 $0x100, s7;
	s23 =	sadd.s32 $0x180, s7;
	[dreg:$0x1e] =	wrdreg s19  }
0x1b: {  	s26 =	sadd.s32 $0x200, s7;
	s17 =	smax.u32 s2, $0x1;
	[dreg:$0x1f] =	wrdreg s21  }
0x1c: {  	s2 =	simm.s32 $0xF80;
	s11 =	sadd.s32 $0x2, s9;
	[smem:$0x7FA] =	sst s23  }
0x1d: {  	s9 =	sadd.s32 $0x3, s9;
	s0 =	sadd.s32 s10, s0;
	[smem:$0x7FB] =	sst s26  }
0x1e: {  	s12 =	sadd.s32 s5, s8;
	s14 =	sadd.s32 s6, s8;
	[dreg:$0x4] =	wrdreg s11  }
0x1f: {  	s8 =	sor.u32 $0x80, s8;
	s19 =	simm.s32 $0x580;
	[dreg:$0x5] =	wrdreg s9  }
0x20: {  	s21 =	simm.s32 $0xD80;
	s23 =	simm.s32 $0x680;
	[smem:$0x7FC] =	sst s12  }
0x21: {  	s26 =	simm.s32 $0x700;
	s11 =	simm.s32 $0x380;
	[smem:$0x7FD] =	sst s14  }
0x22: {  	s14 =	sadd.s32 s5, s8;
	s15 =	sadd.s32 s6, s8;
	[dreg:$0x16] =	wrdreg s19  }
0x23: {  	s16 =	sadd.s32 $0x15600, s0;
	s19 =	simm.s32 $0x5;
	[dreg:$0x18] =	wrdreg s21  }
0x24: {  	s21 =	simm.s32 $0x400;
	[dreg:$0x1a] =	wrdreg s23;
	s23 =	simm.s32 $0x1  }
0x25: {  	[dreg:$0x1d] =	wrdreg s26;
	s26 =	simm.s32 $0x3;
	s0 =	simm.s32 $0xF00  }
0x26: {  	v0 =	vimm.f32 $0.0e+00;
	s8 =	simm.s32 $0x7;
	s9 =	simm.s32 $0x0;
	[dreg:$0x10] =	wrdreg s11  }
.LBB2_1:
0x27: {  	[tilespmem:$0x1000] =	vst v0  }
0x28: {  	[tilespmem:$0x1010] =	vst v0  }
0x29: {  	[tilespmem:$0x1020] =	vst v0  }
0x2a: {  	[tilespmem:$0x1030] =	vst v0  }
0x2b: {  	[tilespmem:$0x1040] =	vst v0  }
0x2c: {  	[tilespmem:$0x1050] =	vst v0  }
0x2d: {  	[tilespmem:$0x1060] =	vst v0  }
0x2e: {  	[tilespmem:$0x1070] =	vst v0;
	s10 =	rddreg [dreg:$0x1e]  }
0x2f: {  	[spmem:s7] =	stream.linear.scatter [tilespmem:s18], [sflag:$0x5], $0x80, $0x38;
	[tilespmem:$0x1380] =	vst v63  }
0x30: {  	s13 =	rddreg [dreg:$0x1f]  }
0x31: {  	[spmem:s10] =	stream.linear.scatter [tilespmem:s18], [sflag:$0x5], $0x80, $0x38;
	[tilespmem:$0x1380] =	vst v63  }
0x32: {  	s11 =	sld [smem:$0x7FA]  }
0x33: {  	[spmem:s13] =	stream.linear.scatter [tilespmem:s18], [sflag:$0x5], $0x80, $0x38;
	[tilespmem:$0x1380] =	vst v63  }
0x34: {  	s12 =	sld [smem:$0x7FB]  }
0x35: {  	[spmem:s11] =	stream.linear.scatter [tilespmem:s18], [sflag:$0x5], $0x80, $0x38;
	[tilespmem:$0x1380] =	vst v63  }
0x36: {  	_ = 	snop  }
0x37: {  	[spmem:s12] =	stream.linear.scatter [tilespmem:s18], [sflag:$0x5], $0x80, $0x38;
	[tilespmem:$0x1380] =	vst v63  }
0x38: {  	_ =	swait.ge [sflag:s19], $0x80  }
0x39: {  	[sflag:s19] =	ssyncset.done $0x0  }
0x3a: {  	[sflag:s19] =	ssyncadd.s32 $0xFFFFFF80  }
0x3b: {  	_ =	swait.ge [sflag:s19], $0x80  }
0x3c: {  	[sflag:s19] =	ssyncset.done $0x0  }
0x3d: {  	[sflag:s19] =	ssyncadd.s32 $0xFFFFFF80  }
0x3e: {  	_ =	swait.ge [sflag:s19], $0x80  }
0x3f: {  	[sflag:s19] =	ssyncset.done $0x0  }
0x40: {  	[sflag:s19] =	ssyncadd.s32 $0xFFFFFF80  }
0x41: {  	_ =	swait.ge [sflag:s19], $0x80  }
0x42: {  	[sflag:s19] =	ssyncset.done $0x0  }
0x43: {  	[sflag:s19] =	ssyncadd.s32 $0xFFFFFF80  }
0x44: {  	_ =	swait.ge [sflag:s19], $0x80  }
0x45: {  	[sflag:s19] =	ssyncset.done $0x0  }
0x46: {  	[sflag:s19] =	ssyncadd.s32 $0xFFFFFF80  }
0x47: {  	[bflag:$0x0] =	sbarrier.arrive $0xFFFF  }
0x48: {  	s13 =	sld [smem:$0x7FC];
	_ =	sdelay $0x1  }
0x49: {  	s11 =	sld [smem:$0x7FD]  }
0x4a: {  	[tilespmem:s4], [sflag:$0x1] =	stream.linear.gather [hbm4b:s13+s4], $0x400, $0x38;
	[tilespmem:$0x1380] =	vst v63  }
0x4b: {  	_ = 	snop  }
0x4c: {  	[tilespmem:s20], [sflag:$0x1] =	stream.linear.gather [hbm4b:s11+s4], $0x400, $0x38;
	[tilespmem:$0x1380] =	vst v63  }
0x4d: {  	_ = 	snop  }
0x4e: {  	[tilespmem:s21], [sflag:$0x2] =	stream.linear.gather [hbm4b:s14+s4], $0x400, $0x38;
	[tilespmem:$0x1380] =	vst v63  }
0x4f: {  	_ = 	snop  }
0x50: {  	[tilespmem:s22], [sflag:$0x2] =	stream.linear.gather [hbm4b:s15+s4], $0x400, $0x38;
	[tilespmem:$0x1380] =	vst v63  }
0x51: {  	_ =	swait.ge [sflag:s23], $0x400  }
0x52: {  	[sflag:s23] =	ssyncset.done $0x0  }
0x53: {  	[sflag:s23] =	ssyncadd.s32 $0xFFFFFC00  }
0x54: {  	_ =	swait.ge [sflag:s23], $0x400  }
0x55: {  	[sflag:s23] =	ssyncset.done $0x0  }
0x56: {  	[sflag:s23] =	ssyncadd.s32 $0xFFFFFC00  }
0x57: {  	[tilespmem:s18], [sflag:$0x3] =	stream.indirect.gather [hbm4b:s1+s24], $0x1, s4, s24, $0xb8;
	[tilespmem:$0x1380] =	vst v63  }
0x58: {  	_ = 	snop  }
0x59: {  	[tilespmem:s25], [sflag:$0x4] =	stream.indirect.gather [hbm4b:s1+s24], $0x1, s24, s24, $0xb8;
	[tilespmem:$0x1380] =	vst v63  }
0x5a: {  	_ =	swait.ge [sflag:s26], $0x80  }
0x5b: {  	[sflag:s26] =	ssyncset.done $0x0  }
0x5c: {  	[sflag:s26] =	ssyncadd.s32 $0xFFFFFF80  }
0x5d: {  	[spmem:s3] =	stream.indirect.scatter.add.f32 [tilespmem:s18], [sflag:$0x5], $0x1, s20, s24, $0xb8;
	[tilespmem:$0x1380] =	vst v63  }
0x5e: {  	_ =	swait.ge [sflag:s28], $0x80  }
0x5f: {  	[sflag:s28] =	ssyncset.done $0x0  }
0x60: {  	s12 =	rddreg [dreg:$0x6];
	[sflag:s28] =	ssyncadd.s32 $0xFFFFFF80  }
0x61: {  	[spmem:s3] =	stream.indirect.scatter.add.f32 [tilespmem:s25], [sflag:$0x6], $0x1, s12, s24, $0xb8;
	[tilespmem:$0x1380] =	vst v63  }
0x62: {  	_ =	swait.ge [sflag:s19], $0x80  }
0x63: {  	[sflag:s19] =	ssyncset.done $0x0  }
0x64: {  	[sflag:s19] =	ssyncadd.s32 $0xFFFFFF80  }
0x65: {  	_ =	swait.ge [sflag:s29], $0x80  }
0x66: {  	[sflag:s29] =	ssyncset.done $0x0  }
0x67: {  	s13 =	rddreg [dreg:$0x7];
	[sflag:s29] =	ssyncadd.s32 $0xFFFFFF80  }
0x68: {  	[tilespmem:s18], [sflag:$0x3] =	stream.indirect.gather [hbm4b:s1+s24], $0x1, s13, s24, $0xb8;
	[tilespmem:$0x1380] =	vst v63  }
0x69: {  	s11 =	rddreg [dreg:$0x8]  }
0x6a: {  	[tilespmem:s25], [sflag:$0x4] =	stream.indirect.gather [hbm4b:s1+s24], $0x1, s11, s24, $0xb8;
	[tilespmem:$0x1380] =	vst v63  }
0x6b: {  	_ =	swait.ge [sflag:s26], $0x80  }
0x6c: {  	[sflag:s26] =	ssyncset.done $0x0  }
0x6d: {  	s12 =	rddreg [dreg:$0x9];
	[sflag:s26] =	ssyncadd.s32 $0xFFFFFF80  }
0x6e: {  	[spmem:s3] =	stream.indirect.scatter.add.f32 [tilespmem:s18], [sflag:$0x5], $0x1, s12, s24, $0xb8;
	[tilespmem:$0x1380] =	vst v63  }
0x6f: {  	_ =	swait.ge [sflag:s28], $0x80  }
0x70: {  	[sflag:s28] =	ssyncset.done $0x0  }
0x71: {  	s13 =	rddreg [dreg:$0xa];
	[sflag:s28] =	ssyncadd.s32 $0xFFFFFF80  }
0x72: {  	[spmem:s3] =	stream.indirect.scatter.add.f32 [tilespmem:s25], [sflag:$0x6], $0x1, s13, s24, $0xb8;
	[tilespmem:$0x1380] =	vst v63  }
0x73: {  	_ =	swait.ge [sflag:s19], $0x80  }
0x74: {  	[sflag:s19] =	ssyncset.done $0x0  }
0x75: {  	[sflag:s19] =	ssyncadd.s32 $0xFFFFFF80  }
0x76: {  	_ =	swait.ge [sflag:s29], $0x80  }
0x77: {  	[sflag:s29] =	ssyncset.done $0x0  }
0x78: {  	s11 =	rddreg [dreg:$0xb];
	[sflag:s29] =	ssyncadd.s32 $0xFFFFFF80  }
0x79: {  	[tilespmem:s18], [sflag:$0x3] =	stream.indirect.gather [hbm4b:s1+s24], $0x1, s11, s24, $0xb8;
	[tilespmem:$0x1380] =	vst v63  }
0x7a: {  	s12 =	rddreg [dreg:$0xc]  }
0x7b: {  	[tilespmem:s25], [sflag:$0x4] =	stream.indirect.gather [hbm4b:s1+s24], $0x1, s12, s24, $0xb8;
	[tilespmem:$0x1380] =	vst v63  }
0x7c: {  	_ =	swait.ge [sflag:s26], $0x80  }
0x7d: {  	[sflag:s26] =	ssyncset.done $0x0  }
0x7e: {  	s13 =	rddreg [dreg:$0xd];
	[sflag:s26] =	ssyncadd.s32 $0xFFFFFF80  }
0x7f: {  	[spmem:s3] =	stream.indirect.scatter.add.f32 [tilespmem:s18], [sflag:$0x5], $0x1, s13, s24, $0xb8;
	[tilespmem:$0x1380] =	vst v63  }
0x80: {  	_ =	swait.ge [sflag:s28], $0x80  }
0x81: {  	[sflag:s28] =	ssyncset.done $0x0  }
0x82: {  	s11 =	rddreg [dreg:$0xe];
	[sflag:s28] =	ssyncadd.s32 $0xFFFFFF80  }
0x83: {  	[spmem:s3] =	stream.indirect.scatter.add.f32 [tilespmem:s25], [sflag:$0x6], $0x1, s11, s24, $0xb8;
	[tilespmem:$0x1380] =	vst v63  }
0x84: {  	_ =	swait.ge [sflag:s19], $0x80  }
0x85: {  	[sflag:s19] =	ssyncset.done $0x0  }
0x86: {  	[sflag:s19] =	ssyncadd.s32 $0xFFFFFF80  }
0x87: {  	_ =	swait.ge [sflag:s29], $0x80  }
0x88: {  	[sflag:s29] =	ssyncset.done $0x0  }
0x89: {  	s12 =	rddreg [dreg:$0xf];
	[sflag:s29] =	ssyncadd.s32 $0xFFFFFF80  }
0x8a: {  	[tilespmem:s18], [sflag:$0x3] =	stream.indirect.gather [hbm4b:s1+s24], $0x1, s12, s24, $0xb8;
	[tilespmem:$0x1380] =	vst v63  }
0x8b: {  	s13 =	rddreg [dreg:$0x10]  }
0x8c: {  	[tilespmem:s25], [sflag:$0x4] =	stream.indirect.gather [hbm4b:s1+s24], $0x1, s13, s24, $0xb8;
	[tilespmem:$0x1380] =	vst v63  }
0x8d: {  	_ =	swait.ge [sflag:s26], $0x80  }
0x8e: {  	[sflag:s26] =	ssyncset.done $0x0  }
0x8f: {  	s12 =	rddreg [dreg:$0x11];
	[sflag:s26] =	ssyncadd.s32 $0xFFFFFF80  }
0x90: {  	[spmem:s3] =	stream.indirect.scatter.add.f32 [tilespmem:s18], [sflag:$0x5], $0x1, s12, s24, $0xb8;
	[tilespmem:$0x1380] =	vst v63  }
0x91: {  	_ =	swait.ge [sflag:s28], $0x80  }
0x92: {  	[sflag:s28] =	ssyncset.done $0x0  }
0x93: {  	s13 =	rddreg [dreg:$0x12];
	[sflag:s28] =	ssyncadd.s32 $0xFFFFFF80  }
0x94: {  	[spmem:s3] =	stream.indirect.scatter.add.f32 [tilespmem:s25], [sflag:$0x6], $0x1, s13, s24, $0xb8;
	[tilespmem:$0x1380] =	vst v63  }
0x95: {  	_ =	swait.ge [sflag:s19], $0x80  }
0x96: {  	[sflag:s19] =	ssyncset.done $0x0  }
0x97: {  	[sflag:s19] =	ssyncadd.s32 $0xFFFFFF80  }
0x98: {  	_ =	swait.ge [sflag:s29], $0x80  }
0x99: {  	s12 =	smin.u32 s4, $0x7;
	s11 =	rddreg [dreg:$0x4]  }
0x9a: {  	s10 =	sadd.s32 s12, s11  }
0x9b: {  	[sflag:s29] =	ssyncset.done $0x0;
	s10 =	sshll.u32 s10, $0x7  }
0x9c: {  	[sflag:s29] =	ssyncadd.s32 $0xFFFFFF80;
	s13 =	sadd.s32 s5, s10  }
0x9d: {  	[tilespmem:s4], [sflag:$0x1] =	stream.linear.gather [hbm4b:s13+s4], $0x400, $0x38;
	[tilespmem:$0x1380] =	vst v63  }
0x9e: {  	s10 =	sadd.s32 s6, s10  }
0x9f: {  	[tilespmem:s20], [sflag:$0x1] =	stream.linear.gather [hbm4b:s10+s4], $0x400, $0x38;
	[tilespmem:$0x1380] =	vst v63  }
0xa0: {  	_ =	swait.ge [sflag:s30], $0x400  }
0xa1: {  	[sflag:s30] =	ssyncset.done $0x0  }
0xa2: {  	[sflag:s30] =	ssyncadd.s32 $0xFFFFFC00  }
0xa3: {  	_ =	swait.ge [sflag:s30], $0x400  }
0xa4: {  	[sflag:s30] =	ssyncset.done $0x0  }
0xa5: {  	[sflag:s30] =	ssyncadd.s32 $0xFFFFFC00  }
0xa6: {  	[tilespmem:s18], [sflag:$0x3] =	stream.indirect.gather [hbm4b:s1+s24], $0x1, s21, s24, $0xb8;
	[tilespmem:$0x1380] =	vst v63  }
0xa7: {  	s12 =	rddreg [dreg:$0x13]  }
0xa8: {  	[tilespmem:s25], [sflag:$0x4] =	stream.indirect.gather [hbm4b:s1+s24], $0x1, s12, s24, $0xb8;
	[tilespmem:$0x1380] =	vst v63  }
0xa9: {  	_ =	swait.ge [sflag:s26], $0x80  }
0xaa: {  	[sflag:s26] =	ssyncset.done $0x0  }
0xab: {  	[sflag:s26] =	ssyncadd.s32 $0xFFFFFF80  }
0xac: {  	[spmem:s3] =	stream.indirect.scatter.add.f32 [tilespmem:s18], [sflag:$0x5], $0x1, s22, s24, $0xb8;
	[tilespmem:$0x1380] =	vst v63  }
0xad: {  	_ =	swait.ge [sflag:s28], $0x80  }
0xae: {  	[sflag:s28] =	ssyncset.done $0x0  }
0xaf: {  	s13 =	rddreg [dreg:$0x14];
	[sflag:s28] =	ssyncadd.s32 $0xFFFFFF80  }
0xb0: {  	[spmem:s3] =	stream.indirect.scatter.add.f32 [tilespmem:s25], [sflag:$0x6], $0x1, s13, s24, $0xb8;
	[tilespmem:$0x1380] =	vst v63  }
0xb1: {  	_ =	swait.ge [sflag:s19], $0x80  }
0xb2: {  	[sflag:s19] =	ssyncset.done $0x0  }
0xb3: {  	[sflag:s19] =	ssyncadd.s32 $0xFFFFFF80  }
0xb4: {  	_ =	swait.ge [sflag:s29], $0x80  }
0xb5: {  	[sflag:s29] =	ssyncset.done $0x0  }
0xb6: {  	s11 =	rddreg [dreg:$0x15];
	[sflag:s29] =	ssyncadd.s32 $0xFFFFFF80  }
0xb7: {  	[tilespmem:s18], [sflag:$0x3] =	stream.indirect.gather [hbm4b:s1+s24], $0x1, s11, s24, $0xb8;
	[tilespmem:$0x1380] =	vst v63  }
0xb8: {  	s12 =	rddreg [dreg:$0x16]  }
0xb9: {  	[tilespmem:s25], [sflag:$0x4] =	stream.indirect.gather [hbm4b:s1+s24], $0x1, s12, s24, $0xb8;
	[tilespmem:$0x1380] =	vst v63  }
0xba: {  	_ =	swait.ge [sflag:s26], $0x80  }
0xbb: {  	[sflag:s26] =	ssyncset.done $0x0  }
0xbc: {  	s13 =	rddreg [dreg:$0x17];
	[sflag:s26] =	ssyncadd.s32 $0xFFFFFF80  }
0xbd: {  	[spmem:s3] =	stream.indirect.scatter.add.f32 [tilespmem:s18], [sflag:$0x5], $0x1, s13, s24, $0xb8;
	[tilespmem:$0x1380] =	vst v63  }
0xbe: {  	_ =	swait.ge [sflag:s28], $0x80  }
0xbf: {  	[sflag:s28] =	ssyncset.done $0x0  }
0xc0: {  	s11 =	rddreg [dreg:$0x18];
	[sflag:s28] =	ssyncadd.s32 $0xFFFFFF80  }
0xc1: {  	[spmem:s3] =	stream.indirect.scatter.add.f32 [tilespmem:s25], [sflag:$0x6], $0x1, s11, s24, $0xb8;
	[tilespmem:$0x1380] =	vst v63  }
0xc2: {  	_ =	swait.ge [sflag:s19], $0x80  }
0xc3: {  	[sflag:s19] =	ssyncset.done $0x0  }
0xc4: {  	[sflag:s19] =	ssyncadd.s32 $0xFFFFFF80  }
0xc5: {  	_ =	swait.ge [sflag:s29], $0x80  }
0xc6: {  	[sflag:s29] =	ssyncset.done $0x0  }
0xc7: {  	s12 =	rddreg [dreg:$0x19];
	[sflag:s29] =	ssyncadd.s32 $0xFFFFFF80  }
0xc8: {  	[tilespmem:s18], [sflag:$0x3] =	stream.indirect.gather [hbm4b:s1+s24], $0x1, s12, s24, $0xb8;
	[tilespmem:$0x1380] =	vst v63  }
0xc9: {  	s13 =	rddreg [dreg:$0x1a]  }
0xca: {  	[tilespmem:s25], [sflag:$0x4] =	stream.indirect.gather [hbm4b:s1+s24], $0x1, s13, s24, $0xb8;
	[tilespmem:$0x1380] =	vst v63  }
0xcb: {  	_ =	swait.ge [sflag:s26], $0x80  }
0xcc: {  	[sflag:s26] =	ssyncset.done $0x0  }
0xcd: {  	s12 =	rddreg [dreg:$0x1b];
	[sflag:s26] =	ssyncadd.s32 $0xFFFFFF80  }
0xce: {  	[spmem:s3] =	stream.indirect.scatter.add.f32 [tilespmem:s18], [sflag:$0x5], $0x1, s12, s24, $0xb8;
	[tilespmem:$0x1380] =	vst v63  }
0xcf: {  	_ =	swait.ge [sflag:s28], $0x80  }
0xd0: {  	[sflag:s28] =	ssyncset.done $0x0  }
0xd1: {  	s13 =	rddreg [dreg:$0x1c];
	[sflag:s28] =	ssyncadd.s32 $0xFFFFFF80  }
0xd2: {  	[spmem:s3] =	stream.indirect.scatter.add.f32 [tilespmem:s25], [sflag:$0x6], $0x1, s13, s24, $0xb8;
	[tilespmem:$0x1380] =	vst v63  }
0xd3: {  	_ =	swait.ge [sflag:s19], $0x80  }
0xd4: {  	[sflag:s19] =	ssyncset.done $0x0  }
0xd5: {  	[sflag:s19] =	ssyncadd.s32 $0xFFFFFF80  }
0xd6: {  	_ =	swait.ge [sflag:s29], $0x80  }
0xd7: {  	[sflag:s29] =	ssyncset.done $0x0  }
0xd8: {  	s11 =	rddreg [dreg:$0x1d];
	[sflag:s29] =	ssyncadd.s32 $0xFFFFFF80  }
0xd9: {  	[tilespmem:s18], [sflag:$0x3] =	stream.indirect.gather [hbm4b:s1+s24], $0x1, s11, s24, $0xb8;
	[tilespmem:$0x1380] =	vst v63  }
0xda: {  	_ = 	snop  }
0xdb: {  	[tilespmem:s25], [sflag:$0x4] =	stream.indirect.gather [hbm4b:s1+s24], $0x1, s31, s24, $0xb8;
	[tilespmem:$0x1380] =	vst v63  }
0xdc: {  	_ =	swait.ge [sflag:s26], $0x80  }
0xdd: {  	[sflag:s26] =	ssyncset.done $0x0  }
0xde: {  	[sflag:s26] =	ssyncadd.s32 $0xFFFFFF80  }
0xdf: {  	[spmem:s3] =	stream.indirect.scatter.add.f32 [tilespmem:s18], [sflag:$0x5], $0x1, s0, s24, $0xb8;
	[tilespmem:$0x1380] =	vst v63  }
0xe0: {  	_ =	swait.ge [sflag:s28], $0x80  }
0xe1: {  	[sflag:s28] =	ssyncset.done $0x0  }
0xe2: {  	[sflag:s28] =	ssyncadd.s32 $0xFFFFFF80  }
0xe3: {  	[spmem:s3] =	stream.indirect.scatter.add.f32 [tilespmem:s25], [sflag:$0x6], $0x1, s2, s24, $0xb8;
	[tilespmem:$0x1380] =	vst v63  }
0xe4: {  	_ =	swait.ge [sflag:s19], $0x80  }
0xe5: {  	[sflag:s19] =	ssyncset.done $0x0  }
0xe6: {  	[sflag:s19] =	ssyncadd.s32 $0xFFFFFF80  }
0xe7: {  	p0 =	por $0x1, $0x1;
	s11 =	simm.s32 $0x0;
	_ =	swait.ge [sflag:s29], $0x80  }
0xe8: {  	s11 =	simm.s32 @!p0 $0x6;
	s12 =	rddreg [dreg:$0x5]  }
0xe9: {  	s10 =	sadd.s32 s11, s12  }
0xea: {  	s10 =	sshll.u32 s10, $0x7  }
0xeb: {  	[sflag:s29] =	ssyncset.done $0x0;
	s13 =	sand.u32 $0x1FFFFF80, s10  }
0xec: {  	[sflag:s29] =	ssyncadd.s32 $0xFFFFFF80;
	s10 =	sadd.s32 s5, s13  }
0xed: {  	[tilespmem:s21], [sflag:$0x2] =	stream.linear.gather [hbm4b:s10+s4], $0x400, $0x38;
	[tilespmem:$0x1380] =	vst v63  }
0xee: {  	s11 =	sadd.s32 s6, s13;
	s10 =	simm.s32 $0x2  }
.LBB2_2:
0xef: {  	[tilespmem:s22], [sflag:$0x2] =	stream.linear.gather [hbm4b:s11+s4], $0x400, $0x38;
	[tilespmem:$0x1380] =	vst v63  }
0xf0: {  	_ =	swait.ge [sflag:s23], $0x400  }
0xf1: {  	[sflag:s23] =	ssyncset.done $0x0  }
0xf2: {  	[sflag:s23] =	ssyncadd.s32 $0xFFFFFC00  }
0xf3: {  	_ =	swait.ge [sflag:s23], $0x400  }
0xf4: {  	[sflag:s23] =	ssyncset.done $0x0  }
0xf5: {  	[sflag:s23] =	ssyncadd.s32 $0xFFFFFC00  }
0xf6: {  	[tilespmem:s18], [sflag:$0x3] =	stream.indirect.gather [hbm4b:s1+s24], $0x1, s4, s24, $0xb8;
	[tilespmem:$0x1380] =	vst v63  }
0xf7: {  	_ = 	snop  }
0xf8: {  	[tilespmem:s25], [sflag:$0x4] =	stream.indirect.gather [hbm4b:s1+s24], $0x1, s24, s24, $0xb8;
	[tilespmem:$0x1380] =	vst v63  }
0xf9: {  	_ =	swait.ge [sflag:s26], $0x80  }
0xfa: {  	[sflag:s26] =	ssyncset.done $0x0  }
0xfb: {  	[sflag:s26] =	ssyncadd.s32 $0xFFFFFF80  }
0xfc: {  	[spmem:s3] =	stream.indirect.scatter.add.f32 [tilespmem:s18], [sflag:$0x5], $0x1, s20, s24, $0xb8;
	[tilespmem:$0x1380] =	vst v63  }
0xfd: {  	_ =	swait.ge [sflag:s28], $0x80  }
0xfe: {  	[sflag:s28] =	ssyncset.done $0x0  }
0xff: {  	s12 =	rddreg [dreg:$0x6];
	[sflag:s28] =	ssyncadd.s32 $0xFFFFFF80  }
0x100: {  	[spmem:s3] =	stream.indirect.scatter.add.f32 [tilespmem:s25], [sflag:$0x6], $0x1, s12, s24, $0xb8;
	[tilespmem:$0x1380] =	vst v63  }
0x101: {  	_ =	swait.ge [sflag:s19], $0x80  }
0x102: {  	[sflag:s19] =	ssyncset.done $0x0  }
0x103: {  	[sflag:s19] =	ssyncadd.s32 $0xFFFFFF80  }
0x104: {  	_ =	swait.ge [sflag:s29], $0x80  }
0x105: {  	[sflag:s29] =	ssyncset.done $0x0  }
0x106: {  	s12 =	rddreg [dreg:$0x7];
	[sflag:s29] =	ssyncadd.s32 $0xFFFFFF80  }
0x107: {  	[tilespmem:s18], [sflag:$0x3] =	stream.indirect.gather [hbm4b:s1+s24], $0x1, s12, s24, $0xb8;
	[tilespmem:$0x1380] =	vst v63  }
0x108: {  	s13 =	rddreg [dreg:$0x8]  }
0x109: {  	[tilespmem:s25], [sflag:$0x4] =	stream.indirect.gather [hbm4b:s1+s24], $0x1, s13, s24, $0xb8;
	[tilespmem:$0x1380] =	vst v63  }
0x10a: {  	_ =	swait.ge [sflag:s26], $0x80  }
0x10b: {  	[sflag:s26] =	ssyncset.done $0x0  }
0x10c: {  	s13 =	rddreg [dreg:$0x9];
	[sflag:s26] =	ssyncadd.s32 $0xFFFFFF80  }
0x10d: {  	[spmem:s3] =	stream.indirect.scatter.add.f32 [tilespmem:s18], [sflag:$0x5], $0x1, s13, s24, $0xb8;
	[tilespmem:$0x1380] =	vst v63  }
0x10e: {  	_ =	swait.ge [sflag:s28], $0x80  }
0x10f: {  	[sflag:s28] =	ssyncset.done $0x0  }
0x110: {  	s13 =	rddreg [dreg:$0xa];
	[sflag:s28] =	ssyncadd.s32 $0xFFFFFF80  }
0x111: {  	[spmem:s3] =	stream.indirect.scatter.add.f32 [tilespmem:s25], [sflag:$0x6], $0x1, s13, s24, $0xb8;
	[tilespmem:$0x1380] =	vst v63  }
0x112: {  	_ =	swait.ge [sflag:s19], $0x80  }
0x113: {  	[sflag:s19] =	ssyncset.done $0x0  }
0x114: {  	[sflag:s19] =	ssyncadd.s32 $0xFFFFFF80  }
0x115: {  	_ =	swait.ge [sflag:s29], $0x80  }
0x116: {  	[sflag:s29] =	ssyncset.done $0x0  }
0x117: {  	s12 =	rddreg [dreg:$0xb];
	[sflag:s29] =	ssyncadd.s32 $0xFFFFFF80  }
0x118: {  	[tilespmem:s18], [sflag:$0x3] =	stream.indirect.gather [hbm4b:s1+s24], $0x1, s12, s24, $0xb8;
	[tilespmem:$0x1380] =	vst v63  }
0x119: {  	s13 =	rddreg [dreg:$0xc]  }
0x11a: {  	[tilespmem:s25], [sflag:$0x4] =	stream.indirect.gather [hbm4b:s1+s24], $0x1, s13, s24, $0xb8;
	[tilespmem:$0x1380] =	vst v63  }
0x11b: {  	_ =	swait.ge [sflag:s26], $0x80  }
0x11c: {  	[sflag:s26] =	ssyncset.done $0x0  }
0x11d: {  	s13 =	rddreg [dreg:$0xd];
	[sflag:s26] =	ssyncadd.s32 $0xFFFFFF80  }
0x11e: {  	[spmem:s3] =	stream.indirect.scatter.add.f32 [tilespmem:s18], [sflag:$0x5], $0x1, s13, s24, $0xb8;
	[tilespmem:$0x1380] =	vst v63  }
0x11f: {  	_ =	swait.ge [sflag:s28], $0x80  }
0x120: {  	[sflag:s28] =	ssyncset.done $0x0  }
0x121: {  	s13 =	rddreg [dreg:$0xe];
	[sflag:s28] =	ssyncadd.s32 $0xFFFFFF80  }
0x122: {  	[spmem:s3] =	stream.indirect.scatter.add.f32 [tilespmem:s25], [sflag:$0x6], $0x1, s13, s24, $0xb8;
	[tilespmem:$0x1380] =	vst v63  }
0x123: {  	_ =	swait.ge [sflag:s19], $0x80  }
0x124: {  	[sflag:s19] =	ssyncset.done $0x0  }
0x125: {  	[sflag:s19] =	ssyncadd.s32 $0xFFFFFF80  }
0x126: {  	_ =	swait.ge [sflag:s29], $0x80  }
0x127: {  	[sflag:s29] =	ssyncset.done $0x0  }
0x128: {  	s12 =	rddreg [dreg:$0xf];
	[sflag:s29] =	ssyncadd.s32 $0xFFFFFF80  }
0x129: {  	[tilespmem:s18], [sflag:$0x3] =	stream.indirect.gather [hbm4b:s1+s24], $0x1, s12, s24, $0xb8;
	[tilespmem:$0x1380] =	vst v63  }
0x12a: {  	s13 =	rddreg [dreg:$0x10]  }
0x12b: {  	[tilespmem:s25], [sflag:$0x4] =	stream.indirect.gather [hbm4b:s1+s24], $0x1, s13, s24, $0xb8;
	[tilespmem:$0x1380] =	vst v63  }
0x12c: {  	_ =	swait.ge [sflag:s26], $0x80  }
0x12d: {  	[sflag:s26] =	ssyncset.done $0x0  }
0x12e: {  	s13 =	rddreg [dreg:$0x11];
	[sflag:s26] =	ssyncadd.s32 $0xFFFFFF80  }
0x12f: {  	[spmem:s3] =	stream.indirect.scatter.add.f32 [tilespmem:s18], [sflag:$0x5], $0x1, s13, s24, $0xb8;
	[tilespmem:$0x1380] =	vst v63  }
0x130: {  	_ =	swait.ge [sflag:s28], $0x80  }
0x131: {  	[sflag:s28] =	ssyncset.done $0x0  }
0x132: {  	s13 =	rddreg [dreg:$0x12];
	[sflag:s28] =	ssyncadd.s32 $0xFFFFFF80  }
0x133: {  	[spmem:s3] =	stream.indirect.scatter.add.f32 [tilespmem:s25], [sflag:$0x6], $0x1, s13, s24, $0xb8;
	[tilespmem:$0x1380] =	vst v63  }
0x134: {  	_ =	swait.ge [sflag:s19], $0x80  }
0x135: {  	[sflag:s19] =	ssyncset.done $0x0  }
0x136: {  	[sflag:s19] =	ssyncadd.s32 $0xFFFFFF80  }
0x137: {  	s11 =	smov.u32 s10;
	_ =	swait.ge [sflag:s29], $0x80  }
0x138: {  	s13 =	smin.u32 s11, $0x7;
	s12 =	rddreg [dreg:$0x4]  }
0x139: {  	s12 =	sadd.s32 s13, s12  }
0x13a: {  	[sflag:s29] =	ssyncset.done $0x0;
	s12 =	sshll.u32 s12, $0x7  }
0x13b: {  	[sflag:s29] =	ssyncadd.s32 $0xFFFFFF80;
	s13 =	sadd.s32 s5, s12  }
0x13c: {  	[tilespmem:s4], [sflag:$0x1] =	stream.linear.gather [hbm4b:s13+s4], $0x400, $0x38;
	[tilespmem:$0x1380] =	vst v63  }
0x13d: {  	s12 =	sadd.s32 s6, s12  }
0x13e: {  	[tilespmem:s20], [sflag:$0x1] =	stream.linear.gather [hbm4b:s12+s4], $0x400, $0x38;
	[tilespmem:$0x1380] =	vst v63  }
0x13f: {  	_ =	swait.ge [sflag:s30], $0x400  }
0x140: {  	[sflag:s30] =	ssyncset.done $0x0  }
0x141: {  	[sflag:s30] =	ssyncadd.s32 $0xFFFFFC00  }
0x142: {  	_ =	swait.ge [sflag:s30], $0x400  }
0x143: {  	[sflag:s30] =	ssyncset.done $0x0  }
0x144: {  	[sflag:s30] =	ssyncadd.s32 $0xFFFFFC00  }
0x145: {  	[tilespmem:s18], [sflag:$0x3] =	stream.indirect.gather [hbm4b:s1+s24], $0x1, s21, s24, $0xb8;
	[tilespmem:$0x1380] =	vst v63  }
0x146: {  	s13 =	rddreg [dreg:$0x13]  }
0x147: {  	[tilespmem:s25], [sflag:$0x4] =	stream.indirect.gather [hbm4b:s1+s24], $0x1, s13, s24, $0xb8;
	[tilespmem:$0x1380] =	vst v63  }
0x148: {  	_ =	swait.ge [sflag:s26], $0x80  }
0x149: {  	[sflag:s26] =	ssyncset.done $0x0  }
0x14a: {  	[sflag:s26] =	ssyncadd.s32 $0xFFFFFF80  }
0x14b: {  	[spmem:s3] =	stream.indirect.scatter.add.f32 [tilespmem:s18], [sflag:$0x5], $0x1, s22, s24, $0xb8;
	[tilespmem:$0x1380] =	vst v63  }
0x14c: {  	_ =	swait.ge [sflag:s28], $0x80  }
0x14d: {  	[sflag:s28] =	ssyncset.done $0x0  }
0x14e: {  	s13 =	rddreg [dreg:$0x14];
	[sflag:s28] =	ssyncadd.s32 $0xFFFFFF80  }
0x14f: {  	[spmem:s3] =	stream.indirect.scatter.add.f32 [tilespmem:s25], [sflag:$0x6], $0x1, s13, s24, $0xb8;
	[tilespmem:$0x1380] =	vst v63  }
0x150: {  	_ =	swait.ge [sflag:s19], $0x80  }
0x151: {  	[sflag:s19] =	ssyncset.done $0x0  }
0x152: {  	[sflag:s19] =	ssyncadd.s32 $0xFFFFFF80  }
0x153: {  	_ =	swait.ge [sflag:s29], $0x80  }
0x154: {  	[sflag:s29] =	ssyncset.done $0x0  }
0x155: {  	s12 =	rddreg [dreg:$0x15];
	[sflag:s29] =	ssyncadd.s32 $0xFFFFFF80  }
0x156: {  	[tilespmem:s18], [sflag:$0x3] =	stream.indirect.gather [hbm4b:s1+s24], $0x1, s12, s24, $0xb8;
	[tilespmem:$0x1380] =	vst v63  }
0x157: {  	s13 =	rddreg [dreg:$0x16]  }
0x158: {  	[tilespmem:s25], [sflag:$0x4] =	stream.indirect.gather [hbm4b:s1+s24], $0x1, s13, s24, $0xb8;
	[tilespmem:$0x1380] =	vst v63  }
0x159: {  	_ =	swait.ge [sflag:s26], $0x80  }
0x15a: {  	[sflag:s26] =	ssyncset.done $0x0  }
0x15b: {  	s13 =	rddreg [dreg:$0x17];
	[sflag:s26] =	ssyncadd.s32 $0xFFFFFF80  }
0x15c: {  	[spmem:s3] =	stream.indirect.scatter.add.f32 [tilespmem:s18], [sflag:$0x5], $0x1, s13, s24, $0xb8;
	[tilespmem:$0x1380] =	vst v63  }
0x15d: {  	_ =	swait.ge [sflag:s28], $0x80  }
0x15e: {  	[sflag:s28] =	ssyncset.done $0x0  }
0x15f: {  	s13 =	rddreg [dreg:$0x18];
	[sflag:s28] =	ssyncadd.s32 $0xFFFFFF80  }
0x160: {  	[spmem:s3] =	stream.indirect.scatter.add.f32 [tilespmem:s25], [sflag:$0x6], $0x1, s13, s24, $0xb8;
	[tilespmem:$0x1380] =	vst v63  }
0x161: {  	_ =	swait.ge [sflag:s19], $0x80  }
0x162: {  	[sflag:s19] =	ssyncset.done $0x0  }
0x163: {  	[sflag:s19] =	ssyncadd.s32 $0xFFFFFF80  }
0x164: {  	_ =	swait.ge [sflag:s29], $0x80  }
0x165: {  	[sflag:s29] =	ssyncset.done $0x0  }
0x166: {  	s12 =	rddreg [dreg:$0x19];
	[sflag:s29] =	ssyncadd.s32 $0xFFFFFF80  }
0x167: {  	[tilespmem:s18], [sflag:$0x3] =	stream.indirect.gather [hbm4b:s1+s24], $0x1, s12, s24, $0xb8;
	[tilespmem:$0x1380] =	vst v63  }
0x168: {  	s13 =	rddreg [dreg:$0x1a]  }
0x169: {  	[tilespmem:s25], [sflag:$0x4] =	stream.indirect.gather [hbm4b:s1+s24], $0x1, s13, s24, $0xb8;
	[tilespmem:$0x1380] =	vst v63  }
0x16a: {  	_ =	swait.ge [sflag:s26], $0x80  }
0x16b: {  	[sflag:s26] =	ssyncset.done $0x0  }
0x16c: {  	s13 =	rddreg [dreg:$0x1b];
	[sflag:s26] =	ssyncadd.s32 $0xFFFFFF80  }
0x16d: {  	[spmem:s3] =	stream.indirect.scatter.add.f32 [tilespmem:s18], [sflag:$0x5], $0x1, s13, s24, $0xb8;
	[tilespmem:$0x1380] =	vst v63  }
0x16e: {  	_ =	swait.ge [sflag:s28], $0x80  }
0x16f: {  	[sflag:s28] =	ssyncset.done $0x0  }
0x170: {  	s13 =	rddreg [dreg:$0x1c];
	[sflag:s28] =	ssyncadd.s32 $0xFFFFFF80  }
0x171: {  	[spmem:s3] =	stream.indirect.scatter.add.f32 [tilespmem:s25], [sflag:$0x6], $0x1, s13, s24, $0xb8;
	[tilespmem:$0x1380] =	vst v63  }
0x172: {  	_ =	swait.ge [sflag:s19], $0x80  }
0x173: {  	[sflag:s19] =	ssyncset.done $0x0  }
0x174: {  	[sflag:s19] =	ssyncadd.s32 $0xFFFFFF80  }
0x175: {  	_ =	swait.ge [sflag:s29], $0x80  }
0x176: {  	[sflag:s29] =	ssyncset.done $0x0  }
0x177: {  	s13 =	rddreg [dreg:$0x1d];
	[sflag:s29] =	ssyncadd.s32 $0xFFFFFF80  }
0x178: {  	[tilespmem:s18], [sflag:$0x3] =	stream.indirect.gather [hbm4b:s1+s24], $0x1, s13, s24, $0xb8;
	[tilespmem:$0x1380] =	vst v63  }
0x179: {  	_ = 	snop  }
0x17a: {  	[tilespmem:s25], [sflag:$0x4] =	stream.indirect.gather [hbm4b:s1+s24], $0x1, s31, s24, $0xb8;
	[tilespmem:$0x1380] =	vst v63  }
0x17b: {  	_ =	swait.ge [sflag:s26], $0x80  }
0x17c: {  	[sflag:s26] =	ssyncset.done $0x0  }
0x17d: {  	[sflag:s26] =	ssyncadd.s32 $0xFFFFFF80  }
0x17e: {  	[spmem:s3] =	stream.indirect.scatter.add.f32 [tilespmem:s18], [sflag:$0x5], $0x1, s0, s24, $0xb8;
	[tilespmem:$0x1380] =	vst v63  }
0x17f: {  	_ =	swait.ge [sflag:s28], $0x80  }
0x180: {  	[sflag:s28] =	ssyncset.done $0x0  }
0x181: {  	[sflag:s28] =	ssyncadd.s32 $0xFFFFFF80  }
0x182: {  	[spmem:s3] =	stream.indirect.scatter.add.f32 [tilespmem:s25], [sflag:$0x6], $0x1, s2, s24, $0xb8;
	[tilespmem:$0x1380] =	vst v63  }
0x183: {  	_ =	swait.ge [sflag:s19], $0x80  }
0x184: {  	[sflag:s19] =	ssyncset.done $0x0  }
0x185: {  	[sflag:s19] =	ssyncadd.s32 $0xFFFFFF80  }
0x186: {  	p1 =	slt.s32 s11, $0x6;
	_ =	swait.ge [sflag:s29], $0x80  }
0x187: {  	p0 =	sne.s32 s10, $0x8;
	s11 =	simm.s32 @!p1 $0x6;
	s13 =	rddreg [dreg:$0x5]  }
.Ltmp0:
0x188: {  	s11 =	sadd.s32 s11, s13;
	(pc) =	sbr.rel @p0 .LBB2_2-.Ltmp0, $4  }
0x189: {  	s11 =	sshll.u32 s11, $0x7  }
0x18a: {  	s10 =	sadd.s32 $0x2, s10;
	[sflag:s29] =	ssyncset.done $0x0;
	s11 =	sand.u32 $0x1FFFFF80, s11  }
0x18b: {  	[sflag:s29] =	ssyncadd.s32 $0xFFFFFF80;
	s13 =	sadd.s32 s5, s11;
	s11 =	sadd.s32 s6, s11  }
0x18c: {  	[tilespmem:s21], [sflag:$0x2] =	stream.linear.gather [hbm4b:s13+s4], $0x400, $0x38;
	[tilespmem:$0x1380] =	vst v63  }
0x18d: {  	[tilespmem:s22], [sflag:$0x2] =	stream.linear.gather [hbm4b:s11+s4], $0x400, $0x38;
	[tilespmem:$0x1380] =	vst v63  }
0x18e: {  	_ =	swait.ge [sflag:s23], $0x400  }
0x18f: {  	[sflag:s23] =	ssyncset.done $0x0  }
0x190: {  	[sflag:s23] =	ssyncadd.s32 $0xFFFFFC00  }
0x191: {  	_ =	swait.ge [sflag:s23], $0x400  }
0x192: {  	[sflag:s23] =	ssyncset.done $0x0  }
0x193: {  	[sflag:s23] =	ssyncadd.s32 $0xFFFFFC00  }
0x194: {  	_ =	swait.ge [sflag:s30], $0x400  }
0x195: {  	[sflag:s30] =	ssyncset.done $0x0  }
0x196: {  	[sflag:s30] =	ssyncadd.s32 $0xFFFFFC00  }
0x197: {  	s10 =	stileid.u32;
	_ =	swait.ge [sflag:s30], $0x400  }
0x198: {  	s13 =	sshrl.u32 s7, $0x3;
	s9 =	sadd.s32 $0x1, s9;
	[sflag:s30] =	ssyncset.done $0x0  }
0x199: {  	s10 =	sshll.u32 s10, $0x6;
	p0 =	sne.s32 s9, s17;
	[sflag:s30] =	ssyncadd.s32 $0xFFFFFC00  }
.Ltmp1:
0x19a: {  	s10 =	sor.u32 $0x1C07, s10;
	[bflag:$0x0] =	sbarrier.arrive $0xFFFF;
	(pc) =	sbr.rel @p0 .LBB2_1-.Ltmp1, $4  }
0x19b: {  	[hbm:s16], [sflag:s10] =	dma.local [spmem:s13], $0x50  }
0x19c: {  	_ =	swait.ge [sflag:s8], $0x50  }
0x19d: {  	[sflag:s8] =	ssyncset.done $0x0  }
0x19e: {  	[sflag:s8] =	ssyncadd.s32 $0xFFFFFFB0  }
0x19f: {  	_ =	sfence.sel $0x180000  }
0x1a0: {  	[bflag:$0x0] =	sbarrier.arrive $0xFFFF  }
0x1a1: {  	_ =	strace $0x9000004D  }
0x1a2: {  	s0 =	stileid.u32;
	[bflag:$0x2] =	sbarrier.arrive $0xFFFF  }
0x1a3: {  	p0 =	sne.s32 s0, $0x0;
	s0 =	rddreg [dreg:$0x3]  }
0x1a4: {  	s0 =	sadd.s32 @!p0 $0x100000, s0  }
0x1a5: {  	[sflag:s0] =	ssyncadd.tile.s32 @!p0 $0x1;
	_ =	shalt  }
.Lfunc_end2:
_tile_overlayer_lowered:
.L_overlay_start_2:
0x1a6: {  	(tag) =	ssettag $0x2  }
0x1a7: {  	s0 =	rddreg [dreg:$0x0];
	s2 =	stileid.u32  }
0x1a8: {  	s1 =	rddreg [dreg:$0x1];
	p0 =	sne.s32 s2, $0x0  }
0x1a9: {  	s3 =	rddreg [dreg:$0x2];
	[bflag:$0x3] =	sbarrier.arrive $0xFFFF;
	s2 =	simm.s32 @!p0 $0x1C07  }
0x1aa: {  	[timem:s3], [sflag:s2] =	dma.local @!p0 [hbm:s0], s1  }
0x1ab: {  	s0 =	simm.s32 @!p0 $0x7  }
0x1ac: {  	_ =	swait.ge @!p0 [sflag:s0], s1  }
0x1ad: {  	s1 =	ssub.s32 @!p0 $0x0, s1;
	[sflag:s0] =	ssyncset.done @!p0 $0x0  }
0x1ae: {  	[sflag:s0] =	ssyncadd.s32 @!p0 s1  }
0x1af: {  	[bflag:$0x3] =	sbarrier.arrive $0xFFFF  }
0x1b0: {  	_ =	shalt  }

// kernel: sc_gcn_prop128.3.cloned.1.call-start
scs
__scs_entry_jumppad:
0x0: {  	(pc) =	sbr.rel $0x88, $3  }
0x1: {  	(tag) =	ssettag $0x0;
	lr =	simm.s32 $0x1  }
0x2: {  	[smem:$0x3F9B] =	sst lr;
	_ =	strace $0xD0000000  }
0x3: {  	_ = 	snop  }
0x4: {  	_ = 	snop  }
0x5: {  	_ = 	snop  }
0x6: {  	_ = 	snop  }
0x7: {  	_ = 	snop  }
__scs_overlays_trampoline_lowered:
0x8: {  	[smem:$0x3FAA] =	sst s0  }
0x9: {  	[smem:$0x3FAB] =	sst s1  }
0xa: {  	[smem:$0x3FAC] =	sst s2  }
0xb: {  	[smem:$0x3FAD] =	sst s3  }
0xc: {  	[smem:$0x3FAE] =	sst s4  }
0xd: {  	[smem:$0x3FAF] =	sst s5  }
0xe: {  	[smem:$0x3FB0] =	sst s6  }
0xf: {  	[smem:$0x3FB1] =	sst s7  }
0x10: {  	[smem:$0x3FB2] =	sst s8  }
0x11: {  	[smem:$0x3FB3] =	sst s9;
	s0 =	simm.s32 @!p0 $0x0  }
0x12: {  	s1 =	sld [smem:$0x3F99];
	s0 =	simm.s32 @p0 $0x1  }
0x13: {  	[smem:$0x3FB4] =	sst s0;
	s0 =	simm.s32 @!p1 $0x0  }
0x14: {  	s2 =	sld [smem:$0x3F98];
	s0 =	simm.s32 @p1 $0x1  }
0x15: {  	[smem:$0x3FB5] =	sst s0;
	s0 =	simm.s32 @!p2 $0x0  }
0x16: {  	s3 =	sld [smem:$0x3FDB];
	s0 =	simm.s32 @p2 $0x1  }
0x17: {  	s4 =	simm.s32 $0x1BF5;
	[smem:$0x3FB7] =	sst s0  }
0x18: {  	s0 =	sld [smem:$0x3F9A];
	_ =	swait.ge [sflag:s4], $0x0  }
0x19: {  	s7 =	sld [smem:$0x3F9B]  }
0x1a: {  	s8 =	sadd.s32 $0xFFFFE003, lr  }
0x1b: {  	s9 =	sadd.s32 $0xFFFFFEF7, lr;
	s5 =	simm.s32 $0xFFFFFFFF;
	p2 =	slt.u32 s8, $0xFFFFF086  }
0x1c: {  	p1 =	slt.u32 s9, $0xF7A;
	s5 =	simm.s32 @!p2 $0x0  }
0x1d: {  	s5 =	simm.s32 @p1 $0x1;
	p0 =	seq.s32 s7, s2  }
0x1e: {  	s7 =	smul.u32 @!p0 $0xF7A, s2;
	p2 =	seq.s32 @!p0 s5, $0x0  }
0x1f: {  	s9 =	smul.u32 $0xF7A, s1;
	s8 =	simm.s32 @!p0 $0x1BF5;
	p2 =	por !p2, p0  }
0x20: {  	[sflag:s8] =	ssyncset.s32 @!p0 $0xFFFFF086;
	s6 =	sadd.s32 @!p0 s3, s7;
	s7 =	simm.s32 @!p0 $0x108  }
0x21: {  	s3 =	sadd.s32 s3, s9;
	s6 =	sadd.s32 @!p0 $0x88, s6;
	s7 =	simm.s32 @p2 $0x1082  }
0x22: {  	[simem:s7], [sflag:s8] =	dma.local @!p0 [hbm:s6], $0xF7A  }
0x23: {  	s9 =	sor.u32 $0xD0000000, s2;
	s6 =	simm.s32 $0x108;
	_ =	swait.ge @!p0 [sflag:s8], $0x0  }
0x24: {  	s3 =	sadd.s32 $0x88, s3;
	s6 =	simm.s32 @!p1 $0x1082;
	[sflag:s4] =	ssyncset.s32 $0xFFFFF086  }
0x25: {  	[simem:s6], [sflag:s4] =	dma.local [hbm:s3], $0xF7A  }
0x26: {  	[smem:$0x3F9B] =	sst s1;
	(tag) =	ssettag s2;
	_ =	strace s9  }
0x27: {  	s1 =	sld [smem:$0x3FAB]  }
0x28: {  	s2 =	sld [smem:$0x3FAC]  }
0x29: {  	s4 =	sld [smem:$0x3FAE]  }
0x2a: {  	p0 =	seq.s32 s5, $0x0;
	s5 =	sld [smem:$0x3FAF]  }
0x2b: {  	s6 =	sld [smem:$0x3FB0]  }
0x2c: {  	s7 =	sld [smem:$0x3FB1]  }
0x2d: {  	s3 =	simm.s32 $0x108;
	s8 =	sld [smem:$0x3FB2]  }
0x2e: {  	s3 =	simm.s32 @!p0 $0x1082;
	s9 =	sld [smem:$0x3FB3]  }
0x2f: {  	lr =	sadd.s32 s0, s3;
	s0 =	sld [smem:$0x3FAA]  }
0x30: {  	s3 =	sld [smem:$0x3FAD]  }
0x31: {  	[smem:$0x3FB6] =	sst s10  }
0x32: {  	s10 =	sld [smem:$0x3FB4];
	_ =	sdelay $0x3  }
0x33: {  	p0 =	seq.s32 s10, $0x1;
	s10 =	sld [smem:$0x3FB6];
	_ =	sdelay $0x3  }
0x34: {  	[smem:$0x3FB6] =	sst s10  }
0x35: {  	s10 =	sld [smem:$0x3FB5];
	_ =	sdelay $0x3  }
0x36: {  	p1 =	seq.s32 s10, $0x1;
	s10 =	sld [smem:$0x3FB6];
	_ =	sdelay $0x3  }
0x37: {  	[smem:$0x3FB6] =	sst s10  }
0x38: {  	s10 =	sld [smem:$0x3FB7]  }
0x39: {  	_ = 	snop;
	(pc) =	sbr.ind lr, $3  }
0x3a: {  	_ = 	snop  }
0x3b: {  	_ = 	snop  }
0x3c: {  	p2 =	seq.s32 s10, $0x1;
	s10 =	sld [smem:$0x3FB6]  }
0x3d: {  	_ =	shalt  }
0x3e: {  	_ =	shalt  }
0x3f: {  	_ =	shalt  }
0x40: {  	_ =	shalt  }
0x41: {  	_ =	shalt  }
0x42: {  	_ =	shalt  }
0x43: {  	_ =	shalt  }
0x44: {  	_ =	shalt  }
0x45: {  	_ =	shalt  }
0x46: {  	_ =	shalt  }
0x47: {  	_ =	shalt  }
0x48: {  	_ =	shalt  }
0x49: {  	_ =	shalt  }
0x4a: {  	_ =	shalt  }
0x4b: {  	_ =	shalt  }
0x4c: {  	_ =	shalt  }
0x4d: {  	_ =	shalt  }
0x4e: {  	_ =	shalt  }
0x4f: {  	_ =	shalt  }
0x50: {  	_ =	shalt  }
0x51: {  	_ =	shalt  }
0x52: {  	_ =	shalt  }
0x53: {  	_ =	shalt  }
0x54: {  	_ =	shalt  }
0x55: {  	_ =	shalt  }
0x56: {  	_ =	shalt  }
0x57: {  	_ =	shalt  }
0x58: {  	_ =	shalt  }
0x59: {  	_ =	shalt  }
0x5a: {  	_ =	shalt  }
0x5b: {  	_ =	shalt  }
0x5c: {  	_ =	shalt  }
0x5d: {  	_ =	shalt  }
0x5e: {  	_ =	shalt  }
0x5f: {  	_ =	shalt  }
0x60: {  	_ =	shalt  }
0x61: {  	_ =	shalt  }
0x62: {  	_ =	shalt  }
0x63: {  	_ =	shalt  }
0x64: {  	_ =	shalt  }
0x65: {  	_ =	shalt  }
0x66: {  	_ =	shalt  }
0x67: {  	_ =	shalt  }
0x68: {  	_ =	shalt  }
0x69: {  	_ =	shalt  }
0x6a: {  	_ =	shalt  }
0x6b: {  	_ =	shalt  }
0x6c: {  	_ =	shalt  }
0x6d: {  	_ =	shalt  }
0x6e: {  	_ =	shalt  }
0x6f: {  	_ =	shalt  }
0x70: {  	_ =	shalt  }
0x71: {  	_ =	shalt  }
0x72: {  	_ =	shalt  }
0x73: {  	_ =	shalt  }
0x74: {  	_ =	shalt  }
0x75: {  	_ =	shalt  }
0x76: {  	_ =	shalt  }
0x77: {  	_ =	shalt  }
0x78: {  	_ =	shalt  }
0x79: {  	_ =	shalt  }
0x7a: {  	_ =	shalt  }
0x7b: {  	_ =	shalt  }
0x7c: {  	_ =	shalt  }
0x7d: {  	_ =	shalt  }
0x7e: {  	_ =	shalt  }
0x7f: {  	_ =	shalt  }
0x80: {  	_ =	shalt  }
0x81: {  	_ =	shalt  }
0x82: {  	_ =	shalt  }
0x83: {  	_ =	shalt  }
0x84: {  	_ =	shalt  }
0x85: {  	_ =	shalt  }
0x86: {  	_ =	shalt  }
0x87: {  	_ =	shalt  }
.Lfunc_end0:
.L_simem_size_0:
called_computation.1_lowered:
.L_overlay_start_0:
0x88: {  	s2 =	sld [smem:$0x3FD9]  }
0x89: {  	s3 =	sld [smem:$0x3FFE];
	_ =	sdelay $0x1  }
0x8a: {  	s1 =	srdreg.scid  }
0x8b: {  	s0 =	sand.u32 $0x1, s1  }
0x8c: {  	s16 =	sshll.u32 s0, $0xA;
	s2 =	sadd.s32 s3, s2  }
0x8d: {  	s2 =	sadd.s32 s2, s16  }
0x8e: {  	[smem:$0x3FC2] =	sst s2  }
0x8f: {  	_ = 	snop  }
0x90: {  	(tm) =	ssettm $0x1  }
0x91: {  	s17 =	sld [smem:$0x3FFB];
	_ =	sdelay $0x3  }
0x92: {  	_ =	strace s17  }
0x93: {  	s2 =	sld [smem:$0x3FFC];
	_ =	sdelay $0x3  }
0x94: {  	_ =	strace s2  }
0x95: {  	s2 =	sld [smem:$0x3FFD];
	_ =	sdelay $0x3  }
0x96: {  	_ =	strace s2  }
0x97: {  	_ =	strace $0x8FFFFFFF  }
0x98: {  	s18 =	sld [smem:$0x3FDB];
	_ =	sdelay $0x1  }
0x99: {  	s19 =	simm.s32 $_scs_section_size  }
0x9a: {  	s4 =	simm.s32 $_size__tile_overlayer_lowered;
	s5 =	simm.s32 $_tile_overlayer_lowered  }
0x9b: {  	s22 =	simm.s32 $0x1BFF;
	s21 =	sshll.u32 s5, $0x1;
	s2 =	sadd.s32 s19, s18  }
0x9c: {  	s6 =	simm.s32 $0x0;
	s20 =	sshll.u32 s4, $0x1;
	s4 =	sadd.s32 s21, s2  }
0x9d: {  	[timem:s6], [sflag:s22] =	dma.local [hbm:s4], s20  }
0x9e: {  	_ =	swait.ge [sflag:s22], s20  }
0x9f: {  	s3 =	ssub.s32 $0x0, s20;
	[sflag:s22] =	ssyncset.done $0x0  }
0xa0: {  	[sflag:s22] =	ssyncadd.s32 s3;
	_ =	sdelay $0x1  }
0xa1: {  	s23 =	simm.s32 $0x1B8B  }
0xa2: {  	_ =	swait.ge [sflag:s23], $0x1  }
0xa3: {  	[sflag:s23] =	ssyncset.done $0x0  }
0xa4: {  	s25 =	simm.s32 $0x1B8E;
	s24 =	sld [smem:$0x3FFE];
	[sflag:s23] =	ssyncadd.s32 $0xFFFFFFFF  }
0xa5: {  	s26 =	simm.s32 $execute0_lowered;
	[smem:$0x3FD2] =	sst s25  }
0xa6: {  	s4 =	sshll.u32 s26, $0x1;
	_ =	strace $0x80000049;
	[dreg:$0x1] =	wrdreg $0xFFFFFFFF  }
0xa7: {  	s28 =	simm.s32 $_size_execute0_lowered;
	s2 =	sadd.s32 s2, s4;
	[dreg:$0x0] =	wrdreg $0x0  }
0xa8: {  	s4 =	sshll.u32 s28, $0x1;
	[dreg:$0x2] =	wrdreg s2  }
0xa9: {  	[dreg:$0x3] =	wrdreg s4  }
0xaa: {  	[dreg:$0x4] =	wrdreg $0xC0  }
0xab: {  	_ =	task [dreg:s6], $0x5FFFF  }
0xac: {  	[dreg:$0x1] =	wrdreg $0xFFFFFFFF  }
0xad: {  	[dreg:$0x0] =	wrdreg $0x60  }
0xae: {  	[dreg:$0x2] =	wrdreg s24  }
0xaf: {  	[dreg:$0x3] =	wrdreg $0x52000  }
0xb0: {  	[dreg:$0x4] =	wrdreg $0x9  }
0xb1: {  	_ =	task.clear_ibuf [dreg:s6], $0x5FFFF;
	_ =	strace $0x90000049  }
0xb2: {  	s29 =	simm.s32 $0x9;
	_ =	strace $0x8000004B  }
0xb3: {  	_ =	swait.ge [sflag:s29], $0x1  }
0xb4: {  	[sflag:s29] =	ssyncadd.s32 $0xFFFFFFFF  }
0xb5: {  	_ =	strace $0x9000004B  }
0xb6: {  	_ =	sfence  }
0xb7: {  	s30 =	sld [smem:$0x0];
	_ =	sdelay $0x2  }
0xb8: {  	s31 =	sshll.u32 s1, $0xD;
	s1 =	sshrl.u32 s1, $0x2  }
0xb9: {  	s3 =	sand.u32 $0x4000, s31;
	s1 =	sadd.s32 s1, s30  }
0xba: {  	s0 =	sor.u32 s3, s0;
	s1 =	sshll.u32 s1, $0x11  }
0xbb: {  	s0 =	sor.u32 s1, s0  }
0xbc: {  	s0 =	sadd.s32 $0x8F2B, s0  }
0xbd: {  	[sflag:s0] =	ssyncadd.remote.s32 $0x1  }
0xbe: {  	_ =	sfence.sel $0xFFFF  }
0xbf: {  	[dreg:$0x0] =	wrdreg $0xFFFFFFFF;
	(pc) =	sbr.abs _section_cstart, $3  }
0xc0: {  	[dreg:$0x1] =	wrdreg $0xFFFFFFFF  }
0xc1: {  	_ =	task.clear_ibuf [dreg:s6], $0x2FFFF;
	_ =	strace $0x9FFFFFFF  }
0xc2: {  	(tm) =	ssettm $0x7FFFFFFF  }
0xc3: {  	_ =	shalt  }
tec
execute0_lowered:
.L_overlay_start_1:
0x0: {  	(tag) =	ssettag $0x1  }
0x1: {  	s0 =	rddreg [dreg:$0x0]  }
0x2: {  	s2 =	rddreg [dreg:$0x1]  }
0x3: {  	s1 =	srdreg.scid;
	s12 =	stileid.u32;
	s3 =	simm.s32 $0x0  }
0x4: {  	s29 =	simm.s32 $0x200;
	s30 =	simm.s32 $0x5;
	s6 =	smul.u32 $0x2800, s12  }
0x5: {  	s31 =	simm.s32 $0x100;
	s1 =	sand.u32 $0x1, s1;
	s8 =	smul.u32 $0x50000, s12  }
0x6: {  	[smem:$0x7FF] =	sst s3;
	s4 =	sadd.s32 $0x29C00, s0;
	s19 =	smul.u32 $0x2760, s12  }
0x7: {  	s5 =	sadd.s32 $0x16000, s0;
	s7 =	smul.u32 $0x28000, s1;
	_ =	strace $0x8000004A  }
0x8: {  	s23 =	sshll.u32 s1, $0x4;
	s9 =	ssub.s32 $0x2, s1;
	s1 =	smul.u32 $0x27600, s1  }
0x9: {  	s8 =	sshrl.u32 s8, $0x2;
	s10 =	sshrl.u32 s9, $0x1;
	s7 =	sadd.s32 s6, s7  }
0xa: {  	s6 =	sadd.s32 $0x1FE00, s0;
	s24 =	ssub.s32 s9, s10;
	s1 =	sadd.s32 s19, s1  }
0xb: {  	s9 =	simm.s32 $0x50;
	s0 =	sadd.s32 s7, s0;
	s7 =	sor.u32 s12, s23  }
0xc: {  	s21 =	smax.u32 s24, $0x1;
	s24 =	sadd.s32 $0xF0, s1;
	s11 =	smul.u32 $0x2760, s7  }
0xd: {  	s7 =	sadd.s32 s8, s2;
	s0 =	sadd.s32 $0x50E00, s0;
	[dreg:$0xd] =	wrdreg s21  }
0xe: {  	s12 =	simm.s32 $0x3;
	s25 =	sadd.s32 $0x2800, s7;
	[dreg:$0xc] =	wrdreg s0  }
0xf: {  	s8 =	simm.s32 $0x1;
	s26 =	sadd.s32 $0x5000, s7;
	[dreg:$0x3] =	wrdreg s25  }
0x10: {  	s10 =	sadd.s32 $0x7800, s7;
	s13 =	sadd.s32 $0xA000, s7;
	[dreg:$0x4] =	wrdreg s26  }
0x11: {  	s15 =	sadd.s32 $0xC800, s7;
	s28 =	sadd.s32 $0x11800, s7;
	[dreg:$0x5] =	wrdreg s10  }
0x12: {  	s0 =	simm.s32 $0x80;
	[dreg:$0x6] =	wrdreg s13;
	s14 =	sshrl.u32 s11, $0x3  }
0x13: {  	[dreg:$0x7] =	wrdreg s15;
	s26 =	sshrl.u32 s24, $0x3;
	s11 =	simm.s32 $0x2A00  }
0x14: {  	s13 =	simm.s32 $0x4;
	s16 =	sadd.s32 s5, s14;
	s17 =	sadd.s32 s6, s14  }
0x15: {  	s18 =	sadd.s32 $0xA, s14;
	s22 =	sadd.s32 $0x4E2, s14;
	[dreg:$0x8] =	wrdreg s16  }
0x16: {  	s23 =	sadd.s32 $0x4D8, s14;
	[dreg:$0x9] =	wrdreg s17;
	s20 =	sadd.s32 s5, s18  }
0x17: {  	s24 =	sadd.s32 s26, s6;
	s10 =	sadd.s32 s6, s18;
	[dreg:$0xa] =	wrdreg s20  }
0x18: {  	s14 =	simm.s32 $0x0;
	s25 =	sadd.s32 s5, s23;
	[dreg:$0xb] =	wrdreg s10  }
0x19: {  	s19 =	sadd.s32 s5, s22;
	s20 =	sadd.s32 s6, s22;
	[dreg:$0xe] =	wrdreg s25  }
0x1a: {  	s22 =	sadd.s32 s6, s23;
	s23 =	sadd.s32 $0xA0, s1;
	s25 =	sadd.s32 s26, s5  }
0x1b: {  	v0 =	vimm.f32 $0.0e+00;
	s26 =	sadd.s32 $0xF000, s7;
	s1 =	simm.s32 $0x180;
	s10 =	simm.s32 $0x2  }
.LBB2_1:
0x1c: {  	s15 =	simm.s32 $0x0;
	s16 =	simm.s32 $0x200  }
.LBB2_2:
0x1d: {  	p0 =	sne.s32 s16, $0x9E00;
	[tilespmem:s15+$0x270] =	vst v0  }
0x1e: {  	[tilespmem:s15+$0x200] =	vst v0  }
0x1f: {  	[tilespmem:s15+$0x210] =	vst v0  }
.Ltmp0:
0x20: {  	[tilespmem:s15+$0x220] =	vst v0;
	(pc) =	sbr.rel @p0 .LBB2_2-.Ltmp0, $4  }
0x21: {  	[tilespmem:s15+$0x230] =	vst v0  }
0x22: {  	[tilespmem:s15+$0x240] =	vst v0  }
0x23: {  	[tilespmem:s15+$0x250] =	vst v0  }
0x24: {  	[tilespmem:s15+$0x260] =	vst v0;
	s15 =	sshra.s32 s16, $0x2;
	s16 =	sadd.s32 $0x200, s16  }
0x25: {  	[tilespmem:s15+$0x270] =	vst v0  }
0x26: {  	[tilespmem:s15+$0x200] =	vst v0  }
0x27: {  	[tilespmem:s15+$0x210] =	vst v0  }
0x28: {  	[tilespmem:s15+$0x220] =	vst v0  }
0x29: {  	[tilespmem:s15+$0x230] =	vst v0  }
0x2a: {  	[tilespmem:s15+$0x240] =	vst v0  }
0x2b: {  	[tilespmem:s15+$0x250] =	vst v0  }
0x2c: {  	[tilespmem:s15+$0x260] =	vst v0  }
0x2d: {  	[spmem:s7] =	stream.linear.scatter [tilespmem:s29], [sflag:$0x5], $0x2800, $0x38;
	[tilespmem:$0x19200] =	vst v63  }
0x2e: {  	_ =	swait.ge [sflag:s30], $0x2800  }
0x2f: {  	[sflag:s30] =	ssyncset.done $0x0  }
0x30: {  	s16 =	rddreg [dreg:$0x3];
	[sflag:s30] =	ssyncadd.s32 $0xFFFFD800  }
0x31: {  	[spmem:s16] =	stream.linear.scatter [tilespmem:s29], [sflag:$0x5], $0x2800, $0x38;
	[tilespmem:$0x19200] =	vst v63  }
0x32: {  	_ =	swait.ge [sflag:s30], $0x2800  }
0x33: {  	[sflag:s30] =	ssyncset.done $0x0  }
0x34: {  	s17 =	rddreg [dreg:$0x4];
	[sflag:s30] =	ssyncadd.s32 $0xFFFFD800  }
0x35: {  	[spmem:s17] =	stream.linear.scatter [tilespmem:s29], [sflag:$0x5], $0x2800, $0x38;
	[tilespmem:$0x19200] =	vst v63  }
0x36: {  	_ =	swait.ge [sflag:s30], $0x2800  }
0x37: {  	[sflag:s30] =	ssyncset.done $0x0  }
0x38: {  	s18 =	rddreg [dreg:$0x5];
	[sflag:s30] =	ssyncadd.s32 $0xFFFFD800  }
0x39: {  	[spmem:s18] =	stream.linear.scatter [tilespmem:s29], [sflag:$0x5], $0x2800, $0x38;
	[tilespmem:$0x19200] =	vst v63  }
0x3a: {  	_ =	swait.ge [sflag:s30], $0x2800  }
0x3b: {  	[sflag:s30] =	ssyncset.done $0x0  }
0x3c: {  	s21 =	rddreg [dreg:$0x6];
	[sflag:s30] =	ssyncadd.s32 $0xFFFFD800  }
0x3d: {  	[spmem:s21] =	stream.linear.scatter [tilespmem:s29], [sflag:$0x5], $0x2800, $0x38;
	[tilespmem:$0x19200] =	vst v63  }
0x3e: {  	_ =	swait.ge [sflag:s30], $0x2800  }
0x3f: {  	[sflag:s30] =	ssyncset.done $0x0  }
0x40: {  	s16 =	rddreg [dreg:$0x7];
	[sflag:s30] =	ssyncadd.s32 $0xFFFFD800  }
0x41: {  	[spmem:s16] =	stream.linear.scatter [tilespmem:s29], [sflag:$0x5], $0x2800, $0x38;
	[tilespmem:$0x19200] =	vst v63  }
0x42: {  	_ =	swait.ge [sflag:s30], $0x2800  }
0x43: {  	[sflag:s30] =	ssyncset.done $0x0  }
0x44: {  	[sflag:s30] =	ssyncadd.s32 $0xFFFFD800  }
0x45: {  	[spmem:s26] =	stream.linear.scatter [tilespmem:s29], [sflag:$0x5], $0x2800, $0x38;
	[tilespmem:$0x19200] =	vst v63  }
0x46: {  	_ =	swait.ge [sflag:s30], $0x2800  }
0x47: {  	[sflag:s30] =	ssyncset.done $0x0  }
0x48: {  	[sflag:s30] =	ssyncadd.s32 $0xFFFFD800  }
0x49: {  	[spmem:s28] =	stream.linear.scatter [tilespmem:s29], [sflag:$0x5], $0x2800, $0x38;
	[tilespmem:$0x19200] =	vst v63  }
0x4a: {  	_ =	swait.ge [sflag:s30], $0x2800  }
0x4b: {  	[sflag:s30] =	ssyncset.done $0x0  }
0x4c: {  	[sflag:s30] =	ssyncadd.s32 $0xFFFFD800  }
0x4d: {  	[bflag:$0x0] =	sbarrier.arrive $0xFFFF  }
0x4e: {  	s15 =	simm.s32 $0x0;
	s16 =	rddreg [dreg:$0x8]  }
0x4f: {  	[tilespmem:s15], [sflag:$0x1] =	stream.linear.gather [hbm4b:s16+s15], $0x50, $0x38;
	[tilespmem:$0x19200] =	vst v63  }
0x50: {  	s17 =	rddreg [dreg:$0x9]  }
0x51: {  	[tilespmem:s31], [sflag:$0x1] =	stream.linear.gather [hbm4b:s17+s15], $0x50, $0x38;
	[tilespmem:$0x19200] =	vst v63  }
0x52: {  	s18 =	rddreg [dreg:$0xa]  }
0x53: {  	[tilespmem:s0], [sflag:$0x2] =	stream.linear.gather [hbm4b:s18+s15], $0x50, $0x38;
	[tilespmem:$0x19200] =	vst v63  }
0x54: {  	s21 =	rddreg [dreg:$0xb]  }
0x55: {  	[tilespmem:s1], [sflag:$0x2] =	stream.linear.gather [hbm4b:s21+s15], $0x50, $0x38;
	[tilespmem:$0x19200] =	vst v63  }
0x56: {  	_ =	swait.ge [sflag:s8], $0x50  }
0x57: {  	[sflag:s8] =	ssyncset.done $0x0  }
0x58: {  	[sflag:s8] =	ssyncadd.s32 $0xFFFFFFB0  }
0x59: {  	_ =	swait.ge [sflag:s8], $0x50  }
0x5a: {  	[sflag:s8] =	ssyncset.done $0x0  }
0x5b: {  	[sflag:s8] =	ssyncadd.s32 $0xFFFFFFB0  }
0x5c: {  	[tilespmem:s29], [sflag:$0x3] =	stream.indirect.gather [hbm4b:s4+s9], $0x80, s15, s9, $0xb8;
	[tilespmem:$0x19200] =	vst v63  }
0x5d: {  	_ =	swait.ge [sflag:s10], $0x50  }
0x5e: {  	[sflag:s10] =	ssyncset.done $0x0  }
0x5f: {  	[sflag:s10] =	ssyncadd.s32 $0xFFFFFFB0  }
0x60: {  	_ =	swait.ge [sflag:s10], $0x50  }
0x61: {  	[sflag:s10] =	ssyncset.done $0x0  }
0x62: {  	[sflag:s10] =	ssyncadd.s32 $0xFFFFFFB0  }
0x63: {  	[tilespmem:s11], [sflag:$0x4] =	stream.indirect.gather [hbm4b:s4+s9], $0x80, s0, s9, $0xb8;
	[tilespmem:$0x19200] =	vst v63  }
0x64: {  	_ =	swait.ge [sflag:s12], $0x2800  }
0x65: {  	[sflag:s12] =	ssyncset.done $0x0  }
0x66: {  	[sflag:s12] =	ssyncadd.s32 $0xFFFFD800  }
0x67: {  	[spmem:s2] =	stream.indirect.scatter.add.f32 [tilespmem:s29], [sflag:$0x5], $0x80, s31, s9, $0xb8;
	[tilespmem:$0x19200] =	vst v63  }
0x68: {  	_ =	swait.ge [sflag:s30], $0x2800  }
0x69: {  	s17 =	sshrl.u32 s23, $0x3;
	[sflag:s30] =	ssyncset.done $0x0  }
0x6a: {  	s18 =	sadd.s32 s5, s17;
	[sflag:s30] =	ssyncadd.s32 $0xFFFFD800  }
0x6b: {  	[tilespmem:s3], [sflag:$0x1] =	stream.linear.gather [hbm4b:s18+s3], $0x50, $0x38;
	[tilespmem:$0x19200] =	vst v63  }
0x6c: {  	s15 =	sadd.s32 s6, s17  }
0x6d: {  	[tilespmem:s31], [sflag:$0x1] =	stream.linear.gather [hbm4b:s15+s3], $0x50, $0x38;
	[tilespmem:$0x19200] =	vst v63  }
0x6e: {  	_ =	swait.ge [sflag:s8], $0x50  }
0x6f: {  	[sflag:s8] =	ssyncset.done $0x0  }
0x70: {  	[sflag:s8] =	ssyncadd.s32 $0xFFFFFFB0  }
0x71: {  	_ =	swait.ge [sflag:s8], $0x50  }
0x72: {  	[sflag:s8] =	ssyncset.done $0x0  }
0x73: {  	[sflag:s8] =	ssyncadd.s32 $0xFFFFFFB0  }
0x74: {  	[tilespmem:s29], [sflag:$0x3] =	stream.indirect.gather [hbm4b:s4+s9], $0x80, s3, s9, $0xb8;
	[tilespmem:$0x19200] =	vst v63  }
0x75: {  	_ =	swait.ge [sflag:s13], $0x2800  }
0x76: {  	[sflag:s13] =	ssyncset.done $0x0  }
0x77: {  	[sflag:s13] =	ssyncadd.s32 $0xFFFFD800  }
0x78: {  	[spmem:s2] =	stream.indirect.scatter.add.f32 [tilespmem:s11], [sflag:$0x5], $0x80, s1, s9, $0xb8;
	[tilespmem:$0x19200] =	vst v63  }
0x79: {  	_ =	swait.ge [sflag:s30], $0x2800  }
0x7a: {  	s16 =	sadd.s32 $0xA0, s23;
	s21 =	sadd.s32 $0x0, s25;
	[sflag:s30] =	ssyncset.done $0x0  }
0x7b: {  	s17 =	sadd.s32 $0x0, s24;
	s15 =	simm.s32 $0x14;
	[sflag:s30] =	ssyncadd.s32 $0xFFFFD800  }
0x7c: {  	[tilespmem:s0], [sflag:$0x2] =	stream.linear.gather [hbm4b:s21+s3], $0x50, $0x38;
	[tilespmem:$0x19200] =	vst v63  }
.LBB2_4:
0x7d: {  	[tilespmem:s1], [sflag:$0x2] =	stream.linear.gather [hbm4b:s17+s3], $0x50, $0x38;
	[tilespmem:$0x19200] =	vst v63  }
0x7e: {  	s17 =	smov.u32 s15  }
0x7f: {  	p0 =	sne.s32 s15, $0x4B0;
	s15 =	sadd.s32 $0x14, s15;
	_ =	swait.ge [sflag:s10], $0x50  }
0x80: {  	[sflag:s10] =	ssyncset.done $0x0  }
0x81: {  	[sflag:s10] =	ssyncadd.s32 $0xFFFFFFB0  }
0x82: {  	_ =	swait.ge [sflag:s10], $0x50  }
0x83: {  	[sflag:s10] =	ssyncset.done $0x0  }
0x84: {  	[sflag:s10] =	ssyncadd.s32 $0xFFFFFFB0  }
0x85: {  	[tilespmem:s11], [sflag:$0x4] =	stream.indirect.gather [hbm4b:s4+s9], $0x80, s0, s9, $0xb8;
	[tilespmem:$0x19200] =	vst v63  }
0x86: {  	_ =	swait.ge [sflag:s12], $0x2800  }
0x87: {  	[sflag:s12] =	ssyncset.done $0x0  }
0x88: {  	[sflag:s12] =	ssyncadd.s32 $0xFFFFD800  }
0x89: {  	[spmem:s2] =	stream.indirect.scatter.add.f32 [tilespmem:s29], [sflag:$0x5], $0x80, s31, s9, $0xb8;
	[tilespmem:$0x19200] =	vst v63  }
0x8a: {  	_ =	swait.ge [sflag:s30], $0x2800  }
0x8b: {  	s18 =	sshrl.u32 s16, $0x3;
	[sflag:s30] =	ssyncset.done $0x0  }
0x8c: {  	s21 =	sadd.s32 s5, s18;
	[sflag:s30] =	ssyncadd.s32 $0xFFFFD800  }
0x8d: {  	[tilespmem:s3], [sflag:$0x1] =	stream.linear.gather [hbm4b:s21+s3], $0x50, $0x38;
	[tilespmem:$0x19200] =	vst v63  }
0x8e: {  	s18 =	sadd.s32 s6, s18  }
0x8f: {  	[tilespmem:s31], [sflag:$0x1] =	stream.linear.gather [hbm4b:s18+s3], $0x50, $0x38;
	[tilespmem:$0x19200] =	vst v63  }
0x90: {  	_ =	swait.ge [sflag:s8], $0x50  }
0x91: {  	[sflag:s8] =	ssyncset.done $0x0  }
0x92: {  	[sflag:s8] =	ssyncadd.s32 $0xFFFFFFB0  }
0x93: {  	_ =	swait.ge [sflag:s8], $0x50  }
0x94: {  	[sflag:s8] =	ssyncset.done $0x0  }
0x95: {  	[sflag:s8] =	ssyncadd.s32 $0xFFFFFFB0  }
0x96: {  	[tilespmem:s29], [sflag:$0x3] =	stream.indirect.gather [hbm4b:s4+s9], $0x80, s3, s9, $0xb8;
	[tilespmem:$0x19200] =	vst v63  }
0x97: {  	_ =	swait.ge [sflag:s13], $0x2800  }
0x98: {  	[sflag:s13] =	ssyncset.done $0x0  }
0x99: {  	[sflag:s13] =	ssyncadd.s32 $0xFFFFD800  }
0x9a: {  	[spmem:s2] =	stream.indirect.scatter.add.f32 [tilespmem:s11], [sflag:$0x5], $0x80, s1, s9, $0xb8;
	[tilespmem:$0x19200] =	vst v63  }
.Ltmp1:
0x9b: {  	_ =	swait.ge [sflag:s30], $0x2800;
	(pc) =	sbr.rel @p0 .LBB2_4-.Ltmp1, $4  }
0x9c: {  	[sflag:s30] =	ssyncset.done $0x0  }
0x9d: {  	s18 =	sadd.s32 s17, s25;
	[sflag:s30] =	ssyncadd.s32 $0xFFFFD800  }
0x9e: {  	[tilespmem:s0], [sflag:$0x2] =	stream.linear.gather [hbm4b:s18+s3], $0x50, $0x38;
	[tilespmem:$0x19200] =	vst v63  }
0x9f: {  	s16 =	sadd.s32 $0xA0, s16;
	s17 =	sadd.s32 s17, s24  }
0xa0: {  	[tilespmem:s1], [sflag:$0x2] =	stream.linear.gather [hbm4b:s17+s3], $0x50, $0x38;
	[tilespmem:$0x19200] =	vst v63  }
0xa1: {  	_ =	swait.ge [sflag:s10], $0x50  }
0xa2: {  	[sflag:s10] =	ssyncset.done $0x0  }
0xa3: {  	[sflag:s10] =	ssyncadd.s32 $0xFFFFFFB0  }
0xa4: {  	_ =	swait.ge [sflag:s10], $0x50  }
0xa5: {  	[sflag:s10] =	ssyncset.done $0x0  }
0xa6: {  	[sflag:s10] =	ssyncadd.s32 $0xFFFFFFB0  }
0xa7: {  	[tilespmem:s11], [sflag:$0x4] =	stream.indirect.gather [hbm4b:s4+s9], $0x80, s0, s9, $0xb8;
	[tilespmem:$0x19200] =	vst v63  }
0xa8: {  	_ =	swait.ge [sflag:s12], $0x2800  }
0xa9: {  	[sflag:s12] =	ssyncset.done $0x0  }
0xaa: {  	[sflag:s12] =	ssyncadd.s32 $0xFFFFD800  }
0xab: {  	[spmem:s2] =	stream.indirect.scatter.add.f32 [tilespmem:s29], [sflag:$0x5], $0x80, s31, s9, $0xb8;
	[tilespmem:$0x19200] =	vst v63  }
0xac: {  	_ =	swait.ge [sflag:s30], $0x2800  }
0xad: {  	[sflag:s30] =	ssyncset.done $0x0  }
0xae: {  	s15 =	rddreg [dreg:$0xe];
	[sflag:s30] =	ssyncadd.s32 $0xFFFFD800  }
0xaf: {  	[tilespmem:s3], [sflag:$0x1] =	stream.linear.gather [hbm4b:s15+s3], $0x50, $0x38;
	[tilespmem:$0x19200] =	vst v63  }
0xb0: {  	_ = 	snop  }
0xb1: {  	[tilespmem:s31], [sflag:$0x1] =	stream.linear.gather [hbm4b:s22+s3], $0x50, $0x38;
	[tilespmem:$0x19200] =	vst v63  }
0xb2: {  	_ =	swait.ge [sflag:s8], $0x50  }
0xb3: {  	[sflag:s8] =	ssyncset.done $0x0  }
0xb4: {  	[sflag:s8] =	ssyncadd.s32 $0xFFFFFFB0  }
0xb5: {  	_ =	swait.ge [sflag:s8], $0x50  }
0xb6: {  	[sflag:s8] =	ssyncset.done $0x0  }
0xb7: {  	[sflag:s8] =	ssyncadd.s32 $0xFFFFFFB0  }
0xb8: {  	[tilespmem:s29], [sflag:$0x3] =	stream.indirect.gather [hbm4b:s4+s9], $0x80, s3, s9, $0xb8;
	[tilespmem:$0x19200] =	vst v63  }
0xb9: {  	_ =	swait.ge [sflag:s13], $0x2800  }
0xba: {  	[sflag:s13] =	ssyncset.done $0x0  }
0xbb: {  	[sflag:s13] =	ssyncadd.s32 $0xFFFFD800  }
0xbc: {  	[spmem:s2] =	stream.indirect.scatter.add.f32 [tilespmem:s11], [sflag:$0x5], $0x80, s1, s9, $0xb8;
	[tilespmem:$0x19200] =	vst v63  }
0xbd: {  	_ =	swait.ge [sflag:s30], $0x2800  }
0xbe: {  	[sflag:s30] =	ssyncset.done $0x0  }
0xbf: {  	[sflag:s30] =	ssyncadd.s32 $0xFFFFD800  }
0xc0: {  	[tilespmem:s0], [sflag:$0x2] =	stream.linear.gather [hbm4b:s19+s3], $0x50, $0x38;
	[tilespmem:$0x19200] =	vst v63  }
0xc1: {  	_ = 	snop  }
0xc2: {  	[tilespmem:s1], [sflag:$0x2] =	stream.linear.gather [hbm4b:s20+s3], $0x50, $0x38;
	[tilespmem:$0x19200] =	vst v63  }
0xc3: {  	_ =	swait.ge [sflag:s10], $0x50  }
0xc4: {  	[sflag:s10] =	ssyncset.done $0x0  }
0xc5: {  	[sflag:s10] =	ssyncadd.s32 $0xFFFFFFB0  }
0xc6: {  	_ =	swait.ge [sflag:s10], $0x50  }
0xc7: {  	[sflag:s10] =	ssyncset.done $0x0  }
0xc8: {  	[sflag:s10] =	ssyncadd.s32 $0xFFFFFFB0  }
0xc9: {  	[tilespmem:s11], [sflag:$0x4] =	stream.indirect.gather [hbm4b:s4+s9], $0x80, s0, s9, $0xb8;
	[tilespmem:$0x19200] =	vst v63  }
0xca: {  	_ =	swait.ge [sflag:s12], $0x2800  }
0xcb: {  	[sflag:s12] =	ssyncset.done $0x0  }
0xcc: {  	[sflag:s12] =	ssyncadd.s32 $0xFFFFD800  }
0xcd: {  	[spmem:s2] =	stream.indirect.scatter.add.f32 [tilespmem:s29], [sflag:$0x5], $0x80, s31, s9, $0xb8;
	[tilespmem:$0x19200] =	vst v63  }
0xce: {  	_ =	swait.ge [sflag:s30], $0x2800  }
0xcf: {  	[sflag:s30] =	ssyncset.done $0x0  }
0xd0: {  	[sflag:s30] =	ssyncadd.s32 $0xFFFFD800  }
0xd1: {  	[tilespmem:s3], [sflag:$0x1] =	stream.linear.gather [hbm4b:s19+s3], $0x50, $0x38;
	[tilespmem:$0x19200] =	vst v63  }
0xd2: {  	_ = 	snop  }
0xd3: {  	[tilespmem:s31], [sflag:$0x1] =	stream.linear.gather [hbm4b:s20+s3], $0x50, $0x38;
	[tilespmem:$0x19200] =	vst v63  }
0xd4: {  	_ =	swait.ge [sflag:s8], $0x50  }
0xd5: {  	[sflag:s8] =	ssyncset.done $0x0  }
0xd6: {  	[sflag:s8] =	ssyncadd.s32 $0xFFFFFFB0  }
0xd7: {  	_ =	swait.ge [sflag:s8], $0x50  }
0xd8: {  	[sflag:s8] =	ssyncset.done $0x0  }
0xd9: {  	[sflag:s8] =	ssyncadd.s32 $0xFFFFFFB0  }
0xda: {  	[tilespmem:s29], [sflag:$0x3] =	stream.indirect.gather [hbm4b:s4+s9], $0x80, s3, s9, $0xb8;
	[tilespmem:$0x19200] =	vst v63  }
0xdb: {  	_ =	swait.ge [sflag:s13], $0x2800  }
0xdc: {  	[sflag:s13] =	ssyncset.done $0x0  }
0xdd: {  	[sflag:s13] =	ssyncadd.s32 $0xFFFFD800  }
0xde: {  	[spmem:s2] =	stream.indirect.scatter.add.f32 [tilespmem:s11], [sflag:$0x5], $0x80, s1, s9, $0xb8;
	[tilespmem:$0x19200] =	vst v63  }
0xdf: {  	_ =	swait.ge [sflag:s30], $0x2800  }
0xe0: {  	[sflag:s30] =	ssyncset.done $0x0  }
0xe1: {  	[sflag:s30] =	ssyncadd.s32 $0xFFFFD800  }
0xe2: {  	[tilespmem:s0], [sflag:$0x2] =	stream.linear.gather [hbm4b:s19+s3], $0x50, $0x38;
	[tilespmem:$0x19200] =	vst v63  }
0xe3: {  	_ = 	snop  }
0xe4: {  	[tilespmem:s1], [sflag:$0x2] =	stream.linear.gather [hbm4b:s20+s3], $0x50, $0x38;
	[tilespmem:$0x19200] =	vst v63  }
0xe5: {  	_ =	swait.ge [sflag:s12], $0x2800  }
0xe6: {  	[sflag:s12] =	ssyncset.done $0x0  }
0xe7: {  	[sflag:s12] =	ssyncadd.s32 $0xFFFFD800  }
0xe8: {  	_ =	swait.ge [sflag:s10], $0x50  }
0xe9: {  	[sflag:s10] =	ssyncset.done $0x0  }
0xea: {  	[sflag:s10] =	ssyncadd.s32 $0xFFFFFFB0  }
0xeb: {  	_ =	swait.ge [sflag:s10], $0x50  }
0xec: {  	[sflag:s10] =	ssyncset.done $0x0  }
0xed: {  	s17 =	stileid.u32;
	[sflag:s10] =	ssyncadd.s32 $0xFFFFFFB0  }
0xee: {  	s15 =	sshll.u32 s17, $0x6;
	[bflag:$0x0] =	sbarrier.arrive $0xFFFF  }
0xef: {  	s16 =	sshrl.u32 s7, $0x3;
	s15 =	sor.u32 $0x1C05, s15;
	s18 =	rddreg [dreg:$0xc]  }
0xf0: {  	[hbm:s18], [sflag:s15] =	dma.local [spmem:s16], $0x2800  }
0xf1: {  	_ =	swait.ge [sflag:s30], $0x2800  }
0xf2: {  	s14 =	sadd.s32 $0x1, s14;
	s21 =	rddreg [dreg:$0xd]  }
0xf3: {  	p0 =	sne.s32 s14, s21  }
.Ltmp2:
0xf4: {  	_ = 	snop;
	(pc) =	sbr.rel @p0 .LBB2_1-.Ltmp2, $3  }
0xf5: {  	_ =	sdelay $0x1  }
0xf6: {  	[sflag:s30] =	ssyncset.done $0x0  }
0xf7: {  	[sflag:s30] =	ssyncadd.s32 $0xFFFFD800  }
0xf8: {  	_ =	sfence.sel $0x180000  }
0xf9: {  	[bflag:$0x0] =	sbarrier.arrive $0xFFFF  }
0xfa: {  	_ =	strace $0x9000004A  }
0xfb: {  	s0 =	stileid.u32;
	[bflag:$0x2] =	sbarrier.arrive $0xFFFF  }
0xfc: {  	p0 =	sne.s32 s0, $0x0;
	s0 =	rddreg [dreg:$0x2]  }
0xfd: {  	s0 =	sadd.s32 @!p0 $0x100000, s0  }
0xfe: {  	[sflag:s0] =	ssyncadd.tile.s32 @!p0 $0x1;
	_ =	shalt  }
.Lfunc_end2:
_tile_overlayer_lowered:
.L_overlay_start_2:
0xff: {  	(tag) =	ssettag $0x2  }
0x100: {  	s0 =	rddreg [dreg:$0x0];
	s2 =	stileid.u32  }
0x101: {  	s1 =	rddreg [dreg:$0x1];
	p0 =	sne.s32 s2, $0x0  }
0x102: {  	s3 =	rddreg [dreg:$0x2];
	[bflag:$0x3] =	sbarrier.arrive $0xFFFF;
	s2 =	simm.s32 @!p0 $0x1C05  }
0x103: {  	[timem:s3], [sflag:s2] =	dma.local @!p0 [hbm:s0], s1  }
0x104: {  	s0 =	simm.s32 @!p0 $0x5  }
0x105: {  	_ =	swait.ge @!p0 [sflag:s0], s1  }
0x106: {  	s1 =	ssub.s32 @!p0 $0x0, s1;
	[sflag:s0] =	ssyncset.done @!p0 $0x0  }
0x107: {  	[sflag:s0] =	ssyncadd.s32 @!p0 s1  }
0x108: {  	[bflag:$0x3] =	sbarrier.arrive $0xFFFF  }
0x109: {  	_ =	shalt  }

</sc_bundles>
